<compile_context>
chip_gen: v7x
topology: tpu7x:2x2x1
jax: 0.10.2.dev20260603
libtpu: 0.0.44.dev20260713+nightly
codegen_flags: <defaults>
</compile_context>

<pallas_src>
import jax
import jax.numpy as jnp
from jax import lax
from jax.experimental import pallas as pl
from jax.experimental.pallas import tpu as pltpu, tpu_sc as plsc

NUM_CORES = 2
NUM_SUBCORES = 16
LANES = 16
NW = NUM_CORES * NUM_SUBCORES

LATENT = 64
BATCH = 16384
B_PER_W = BATCH // NW
HALF = B_PER_W // 2
CHUNK = 128
HGROUPS = HALF // LANES
NPAIRS = 500000


def _mf_body(uidx_hbm, iidx_hbm, utab_hbm, itab_hbm, out_hbm,
             uidx_v, iidx_v, utidx_v, itidx_v, upairs_v, ipairs_v,
             part_v, out_v, sem):
    wid = lax.axis_index("s") * NUM_CORES + lax.axis_index("c")
    base = wid * B_PER_W

    pltpu.sync_copy(uidx_hbm.at[pl.ds(base, B_PER_W)], uidx_v)
    pltpu.sync_copy(iidx_hbm.at[pl.ds(base, B_PER_W)], iidx_v)

    def shift_body(s, carry):
        sl = pl.ds(s * LANES, LANES)
        utidx_v[sl] = lax.shift_right_logical(uidx_v[sl], 1)
        itidx_v[sl] = lax.shift_right_logical(iidx_v[sl], 1)
        return carry
    lax.fori_loop(0, B_PER_W // LANES, shift_body, 0)

    lane_iota = lax.iota(jnp.int32, LANES)

    def do_half(h):
        hbase = h * HALF
        copies = []
        for j in range(HALF // CHUNK):
            src_rows = pl.ds(hbase + j * CHUNK, CHUNK)
            dst_rows = pl.ds(j * CHUNK, CHUNK)
            copies.append(pltpu.async_copy(utab_hbm.at[utidx_v.at[src_rows]],
                                           upairs_v.at[dst_rows], sem))
            copies.append(pltpu.async_copy(itab_hbm.at[itidx_v.at[src_rows]],
                                           ipairs_v.at[dst_rows], sem))
        for c in copies:
            c.wait()

        def group_body(g, carry):
            rbase = g * LANES
            uoff = (uidx_v[pl.ds(hbase + rbase, LANES)] & 1) * LATENT
            ioff = (iidx_v[pl.ds(hbase + rbase, LANES)] & 1) * LATENT
            for r in range(LANES):
                row = rbase + r
                su = uoff[r]
                si = ioff[r]
                acc = (upairs_v[row, pl.ds(su, 16)]
                       * ipairs_v[row, pl.ds(si, 16)])
                for k in range(1, 4):
                    acc = acc + (upairs_v[row, pl.ds(su + 16 * k, 16)]
                                 * ipairs_v[row, pl.ds(si + 16 * k, 16)])
                part_v[r, :] = acc
            res = plsc.load_gather(part_v, [lane_iota, lane_iota * 0])
            for d in range(1, LANES):
                res = res + plsc.load_gather(
                    part_v, [lane_iota, jnp.full((LANES,), d, jnp.int32)])
            out_v[pl.ds(hbase + rbase, LANES)] = res
            return carry

        lax.fori_loop(0, HGROUPS, group_body, 0)

    do_half(0)
    do_half(1)
    pltpu.sync_copy(out_v, out_hbm.at[pl.ds(base, B_PER_W)])


_mf = pl.kernel(
    _mf_body,
    out_type=jax.ShapeDtypeStruct((BATCH,), jnp.float32),
    mesh=plsc.VectorSubcoreMesh(core_axis_name="c", subcore_axis_name="s"),
    scratch_types=[
        pltpu.VMEM((B_PER_W,), jnp.int32),
        pltpu.VMEM((B_PER_W,), jnp.int32),
        pltpu.VMEM((B_PER_W,), jnp.int32),
        pltpu.VMEM((B_PER_W,), jnp.int32),
        pltpu.VMEM((HALF, 2 * LATENT), jnp.float32),
        pltpu.VMEM((HALF, 2 * LATENT), jnp.float32),
        pltpu.VMEM((LANES, LANES), jnp.float32),
        pltpu.VMEM((B_PER_W,), jnp.float32),
        pltpu.SemaphoreType.DMA,
    ],
    compiler_params=pltpu.CompilerParams(needs_layout_passes=False),
    name="mf_score_sc",
)


def kernel(user_indices, item_indeices, user_emb_W, item_emb_W,
           user_bias_W, item_bias_W):
    utab = user_emb_W.reshape(NPAIRS, 2 * LATENT)
    itab = item_emb_W.reshape(NPAIRS, 2 * LATENT)
    return _mf(user_indices, item_indeices, utab, itab)

# --- scband reference (transcript-rebuilt; emitter-appended) ---
"""Pipeline reference for scband-model-73529840107659 (READ-ONLY COPY).

The authoritative reference and input builder live on the scoring server;
editing this copy changes nothing except your own understanding.
"""

import jax, jax.numpy as jnp
import numpy as np

USER_NUM = 1000000
ITEM_NUM = 1000000
LATENT_DIM = 64
BATCH = 16384


def setup_inputs(seed: int = 0) -> dict:
    key = jax.random.key(seed)
    k1, k2, k3, k4 = jax.random.split(key, 4)
    user_indices = jax.random.randint(k1, (BATCH,), 0, USER_NUM, dtype=jnp.int64 if jax.config.jax_enable_x64 else jnp.int32).astype(jnp.int32)
    item_indeices = jax.random.randint(k2, (BATCH,), 0, ITEM_NUM, dtype=jnp.int64 if jax.config.jax_enable_x64 else jnp.int32).astype(jnp.int32)
    user_emb_W = jax.random.normal(k3, (USER_NUM, LATENT_DIM), dtype=jnp.float32)
    item_emb_W = jax.random.normal(k4, (ITEM_NUM, LATENT_DIM), dtype=jnp.float32)
    user_bias_W = jnp.zeros((USER_NUM, 1), dtype=jnp.float32)
    item_bias_W = jnp.zeros((ITEM_NUM, 1), dtype=jnp.float32)
    return {
        "user_indices": user_indices,
        "item_indeices": item_indeices,
        "user_emb_W": user_emb_W,
        "item_emb_W": item_emb_W,
        "user_bias_W": user_bias_W,
        "item_bias_W": item_bias_W,
    }


def reference(user_indices, item_indeices, user_emb_W, item_emb_W, user_bias_W, item_bias_W):
    user_vec = jnp.take(user_emb_W, user_indices, axis=0)
    item_vec = jnp.take(item_emb_W, item_indeices, axis=0)
    dot = jnp.sum(user_vec * item_vec, axis=1)
    rates = dot + jnp.take(user_bias_W, user_indices, axis=0).reshape(-1) + jnp.take(item_bias_W, item_indeices, axis=0).reshape(-1)
    return rates

if __name__ == "__main__":
    import jax
    _d = setup_inputs()
    print(jax.jit(kernel)(*tuple(_d.values())))

</pallas_src>

<mosaic_0001>
#map = affine_map<(d0, d1) -> (0)>
#map1 = affine_map<(d0, d1) -> (0, 0)>
module attributes {stable_mosaic.version = 14 : i64} {
  func.func @mf_score_sc(%arg0: i32, %arg1: i32, %arg2: memref<16384xi32, #tpu.memory_space<hbm>>, %arg3: memref<16384xi32, #tpu.memory_space<hbm>>, %arg4: memref<500000x128xf32, #tpu.memory_space<hbm>>, %arg5: memref<500000x128xf32, #tpu.memory_space<hbm>>, %arg6: memref<16384xf32, #tpu.memory_space<hbm>>, %arg7: memref<512xi32, #tpu.memory_space<vmem>>, %arg8: memref<512xi32, #tpu.memory_space<vmem>>, %arg9: memref<512xi32, #tpu.memory_space<vmem>>, %arg10: memref<512xi32, #tpu.memory_space<vmem>>, %arg11: memref<256x128xf32, #tpu.memory_space<vmem>>, %arg12: memref<256x128xf32, #tpu.memory_space<vmem>>, %arg13: memref<16x16xf32, #tpu.memory_space<vmem>>, %arg14: memref<512xf32, #tpu.memory_space<vmem>>, %arg15: memref<!tpu.dma_semaphore, #tpu.memory_space<semaphore_mem>>) attributes {dimension_semantics = [#tpu.dimension_semantics<core_parallel>, #tpu.dimension_semantics<subcore_parallel>], iteration_bounds = array<i64: 2, 16>, scalar_prefetch = 0 : i64, scratch_operands = 9 : i64, tpu.core_type = #tpu.core_type<sc_vector_subcore>, window_params = [{transform_indices = #map}, {transform_indices = #map}, {transform_indices = #map1}, {transform_indices = #map1}, {transform_indices = #map}]} {
    %mul3A = arith.constant 2 : i32
    %mul3A_0 = arith.muli %arg1, %mul3A : i32
    %add3A = arith.addi %mul3A_0, %arg0 : i32
    %mul3A_1 = arith.constant 512 : i32
    %mul3A_2 = arith.muli %add3A, %mul3A_1 : i32
    "tpu.region"() ({
      %run_scoped3A = tpu.sem_alloc : memref<!tpu.dma_semaphore, #tpu.memory_space<semaphore_mem>>
      %dma_start3A_146 = tpu.memref_slice %arg2[%mul3A_2] : memref<16384xi32, #tpu.memory_space<hbm>> -> memref<512xi32, #tpu.memory_space<hbm>>
      %dma_start3A_147 = tpu.memref_slice %arg2[%mul3A_2] : memref<16384xi32, #tpu.memory_space<hbm>> -> memref<512xi32, #tpu.memory_space<hbm>>
      tpu.enqueue_dma source(%dma_start3A_147 : memref<512xi32, #tpu.memory_space<hbm>>) target(%arg7 : memref<512xi32, #tpu.memory_space<vmem>>) target_semaphore(%run_scoped3A : memref<!tpu.dma_semaphore, #tpu.memory_space<semaphore_mem>>)
      %dma_wait3A_148 = tpu.memref_slice %arg2[%mul3A_2] : memref<16384xi32, #tpu.memory_space<hbm>> -> memref<512xi32, #tpu.memory_space<hbm>>
      %dma_wait3A_149 = tpu.memref_slice %arg2[%mul3A_2] : memref<16384xi32, #tpu.memory_space<hbm>> -> memref<512xi32, #tpu.memory_space<hbm>>
      tpu.wait_dma2 semaphore(%run_scoped3A : memref<!tpu.dma_semaphore, #tpu.memory_space<semaphore_mem>>) src(%dma_wait3A_149 : memref<512xi32, #tpu.memory_space<hbm>>) dst(%arg7 : memref<512xi32, #tpu.memory_space<vmem>>)
      tpu.yield
    }) : () -> ()
    "tpu.region"() ({
      %run_scoped3A = tpu.sem_alloc : memref<!tpu.dma_semaphore, #tpu.memory_space<semaphore_mem>>
      %dma_start3A_146 = tpu.memref_slice %arg3[%mul3A_2] : memref<16384xi32, #tpu.memory_space<hbm>> -> memref<512xi32, #tpu.memory_space<hbm>>
      %dma_start3A_147 = tpu.memref_slice %arg3[%mul3A_2] : memref<16384xi32, #tpu.memory_space<hbm>> -> memref<512xi32, #tpu.memory_space<hbm>>
      tpu.enqueue_dma source(%dma_start3A_147 : memref<512xi32, #tpu.memory_space<hbm>>) target(%arg8 : memref<512xi32, #tpu.memory_space<vmem>>) target_semaphore(%run_scoped3A : memref<!tpu.dma_semaphore, #tpu.memory_space<semaphore_mem>>)
      %dma_wait3A_148 = tpu.memref_slice %arg3[%mul3A_2] : memref<16384xi32, #tpu.memory_space<hbm>> -> memref<512xi32, #tpu.memory_space<hbm>>
      %dma_wait3A_149 = tpu.memref_slice %arg3[%mul3A_2] : memref<16384xi32, #tpu.memory_space<hbm>> -> memref<512xi32, #tpu.memory_space<hbm>>
      tpu.wait_dma2 semaphore(%run_scoped3A : memref<!tpu.dma_semaphore, #tpu.memory_space<semaphore_mem>>) src(%dma_wait3A_149 : memref<512xi32, #tpu.memory_space<hbm>>) dst(%arg8 : memref<512xi32, #tpu.memory_space<vmem>>)
      tpu.yield
    }) : () -> ()
    %scan3A = arith.constant 0 : i32
    %scan3A_3 = arith.constant 0 : i32
    %scan3A_4 = arith.constant 32 : i32
    %scan3A_5 = arith.addi %scan3A_3, %scan3A_4 : i32
    %scan3A_6 = arith.constant 1 : i32
    scf.for %scan3A_146 = %scan3A_3 to %scan3A_5 step %scan3A_6  : i32 {
      %mul3A_147 = arith.constant 16 : i32
      %mul3A_148 = arith.muli %scan3A_146, %mul3A_147 : i32
      %get3A = arith.index_cast %mul3A_148 : i32 to index
      %get3A_149 = tpu.vector_load %arg7[%get3A] {strides = array<i32>} : memref<512xi32, #tpu.memory_space<vmem>>, vector<16xi32>,
      %shift_right_logical3A = arith.constant 1 : i32
      %shift_right_logical3A_150 = vector.broadcast %shift_right_logical3A : i32 to vector<16xi32>
      %shift_right_logical3A_151 = arith.shrui %get3A_149, %shift_right_logical3A_150 : vector<16xi32>
      %swap3A = arith.index_cast %mul3A_148 : i32 to index
      %swap3A_152 = tpu.vector_load %arg9[%swap3A] {strides = array<i32>} : memref<512xi32, #tpu.memory_space<vmem>>, vector<16xi32>,
      tpu.vector_store %arg9[%swap3A], %shift_right_logical3A_151 {strides = array<i32>} : memref<512xi32, #tpu.memory_space<vmem>>, vector<16xi32>,
      %get3A_153 = arith.index_cast %mul3A_148 : i32 to index
      %get3A_154 = tpu.vector_load %arg8[%get3A_153] {strides = array<i32>} : memref<512xi32, #tpu.memory_space<vmem>>, vector<16xi32>,
      %shift_right_logical3A_155 = arith.constant 1 : i32
      %shift_right_logical3A_156 = vector.broadcast %shift_right_logical3A_155 : i32 to vector<16xi32>
      %shift_right_logical3A_157 = arith.shrui %get3A_154, %shift_right_logical3A_156 : vector<16xi32>
      %swap3A_158 = arith.index_cast %mul3A_148 : i32 to index
      %swap3A_159 = tpu.vector_load %arg10[%swap3A_158] {strides = array<i32>} : memref<512xi32, #tpu.memory_space<vmem>>, vector<16xi32>,
      tpu.vector_store %arg10[%swap3A_158], %shift_right_logical3A_157 {strides = array<i32>} : memref<512xi32, #tpu.memory_space<vmem>>, vector<16xi32>,
    }
    %scan3A_7 = arith.constant 32 : i32
    %iota3A = tpu.iota {dimensions = array<i32: 0>} : vector<16xi32>
    %dma_start3A = arith.constant 0 : i32
    %dma_start3A_8 = arith.constant 0 : i32
    %dma_start3A_9 = tpu.memref_slice %arg11[%dma_start3A, %dma_start3A_8] : memref<256x128xf32, #tpu.memory_space<vmem>> -> memref<128x128xf32, #tpu.memory_space<vmem>>
    %dma_start3A_10 = arith.constant 0 : i32
    %dma_start3A_11 = tpu.memref_slice %arg9[%dma_start3A_10] : memref<512xi32, #tpu.memory_space<vmem>> -> memref<128xi32, #tpu.memory_space<vmem>>
    %dma_start3A_12 = arith.constant 0 : i32
    %dma_start3A_13 = arith.constant 0 : i32
    %dma_start3A_14 = tpu.memref_slice %arg4[%dma_start3A_12, %dma_start3A_13] : memref<500000x128xf32, #tpu.memory_space<hbm>> -> memref<500000x128xf32, #tpu.memory_space<hbm>>
    tpu.enqueue_indirect_dma source(%dma_start3A_14 : memref<500000x128xf32, #tpu.memory_space<hbm>>) target(%dma_start3A_9 : memref<128x128xf32, #tpu.memory_space<vmem>>) offsets(%dma_start3A_11 : memref<128xi32, #tpu.memory_space<vmem>>) semaphore(%arg15 : memref<!tpu.dma_semaphore, #tpu.memory_space<semaphore_mem>>)
    %dma_start3A_15 = arith.constant 0 : i32
    %dma_start3A_16 = arith.constant 0 : i32
    %dma_start3A_17 = tpu.memref_slice %arg12[%dma_start3A_15, %dma_start3A_16] : memref<256x128xf32, #tpu.memory_space<vmem>> -> memref<128x128xf32, #tpu.memory_space<vmem>>
    %dma_start3A_18 = arith.constant 0 : i32
    %dma_start3A_19 = tpu.memref_slice %arg10[%dma_start3A_18] : memref<512xi32, #tpu.memory_space<vmem>> -> memref<128xi32, #tpu.memory_space<vmem>>
    %dma_start3A_20 = arith.constant 0 : i32
    %dma_start3A_21 = arith.constant 0 : i32
    %dma_start3A_22 = tpu.memref_slice %arg5[%dma_start3A_20, %dma_start3A_21] : memref<500000x128xf32, #tpu.memory_space<hbm>> -> memref<500000x128xf32, #tpu.memory_space<hbm>>
    tpu.enqueue_indirect_dma source(%dma_start3A_22 : memref<500000x128xf32, #tpu.memory_space<hbm>>) target(%dma_start3A_17 : memref<128x128xf32, #tpu.memory_space<vmem>>) offsets(%dma_start3A_19 : memref<128xi32, #tpu.memory_space<vmem>>) semaphore(%arg15 : memref<!tpu.dma_semaphore, #tpu.memory_space<semaphore_mem>>)
    %dma_start3A_23 = arith.constant 128 : i32
    %dma_start3A_24 = arith.constant 0 : i32
    %dma_start3A_25 = tpu.memref_slice %arg11[%dma_start3A_23, %dma_start3A_24] : memref<256x128xf32, #tpu.memory_space<vmem>> -> memref<128x128xf32, #tpu.memory_space<vmem>>
    %dma_start3A_26 = arith.constant 128 : i32
    %dma_start3A_27 = tpu.memref_slice %arg9[%dma_start3A_26] : memref<512xi32, #tpu.memory_space<vmem>> -> memref<128xi32, #tpu.memory_space<vmem>>
    %dma_start3A_28 = arith.constant 0 : i32
    %dma_start3A_29 = arith.constant 0 : i32
    %dma_start3A_30 = tpu.memref_slice %arg4[%dma_start3A_28, %dma_start3A_29] : memref<500000x128xf32, #tpu.memory_space<hbm>> -> memref<500000x128xf32, #tpu.memory_space<hbm>>
    tpu.enqueue_indirect_dma source(%dma_start3A_30 : memref<500000x128xf32, #tpu.memory_space<hbm>>) target(%dma_start3A_25 : memref<128x128xf32, #tpu.memory_space<vmem>>) offsets(%dma_start3A_27 : memref<128xi32, #tpu.memory_space<vmem>>) semaphore(%arg15 : memref<!tpu.dma_semaphore, #tpu.memory_space<semaphore_mem>>)
    %dma_start3A_31 = arith.constant 128 : i32
    %dma_start3A_32 = arith.constant 0 : i32
    %dma_start3A_33 = tpu.memref_slice %arg12[%dma_start3A_31, %dma_start3A_32] : memref<256x128xf32, #tpu.memory_space<vmem>> -> memref<128x128xf32, #tpu.memory_space<vmem>>
    %dma_start3A_34 = arith.constant 128 : i32
    %dma_start3A_35 = tpu.memref_slice %arg10[%dma_start3A_34] : memref<512xi32, #tpu.memory_space<vmem>> -> memref<128xi32, #tpu.memory_space<vmem>>
    %dma_start3A_36 = arith.constant 0 : i32
    %dma_start3A_37 = arith.constant 0 : i32
    %dma_start3A_38 = tpu.memref_slice %arg5[%dma_start3A_36, %dma_start3A_37] : memref<500000x128xf32, #tpu.memory_space<hbm>> -> memref<500000x128xf32, #tpu.memory_space<hbm>>
    tpu.enqueue_indirect_dma source(%dma_start3A_38 : memref<500000x128xf32, #tpu.memory_space<hbm>>) target(%dma_start3A_33 : memref<128x128xf32, #tpu.memory_space<vmem>>) offsets(%dma_start3A_35 : memref<128xi32, #tpu.memory_space<vmem>>) semaphore(%arg15 : memref<!tpu.dma_semaphore, #tpu.memory_space<semaphore_mem>>)
    %dma_wait3A = arith.constant 0 : i32
    %dma_wait3A_39 = arith.constant 0 : i32
    %dma_wait3A_40 = tpu.memref_slice %arg11[%dma_wait3A, %dma_wait3A_39] : memref<256x128xf32, #tpu.memory_space<vmem>> -> memref<128x128xf32, #tpu.memory_space<vmem>>
    %dma_wait3A_41 = arith.constant 0 : i32
    %dma_wait3A_42 = tpu.memref_slice %arg9[%dma_wait3A_41] : memref<512xi32, #tpu.memory_space<vmem>> -> memref<128xi32, #tpu.memory_space<vmem>>
    %dma_wait3A_43 = arith.constant 0 : i32
    %dma_wait3A_44 = arith.constant 0 : i32
    %dma_wait3A_45 = tpu.memref_slice %arg4[%dma_wait3A_43, %dma_wait3A_44] : memref<500000x128xf32, #tpu.memory_space<hbm>> -> memref<500000x128xf32, #tpu.memory_space<hbm>>
    tpu.wait_indirect_dma semaphore(%arg15 : memref<!tpu.dma_semaphore, #tpu.memory_space<semaphore_mem>>) src(%dma_wait3A_45 : memref<500000x128xf32, #tpu.memory_space<hbm>>) dst(%dma_wait3A_40 : memref<128x128xf32, #tpu.memory_space<vmem>>)
    %dma_wait3A_46 = arith.constant 0 : i32
    %dma_wait3A_47 = arith.constant 0 : i32
    %dma_wait3A_48 = tpu.memref_slice %arg12[%dma_wait3A_46, %dma_wait3A_47] : memref<256x128xf32, #tpu.memory_space<vmem>> -> memref<128x128xf32, #tpu.memory_space<vmem>>
    %dma_wait3A_49 = arith.constant 0 : i32
    %dma_wait3A_50 = tpu.memref_slice %arg10[%dma_wait3A_49] : memref<512xi32, #tpu.memory_space<vmem>> -> memref<128xi32, #tpu.memory_space<vmem>>
    %dma_wait3A_51 = arith.constant 0 : i32
    %dma_wait3A_52 = arith.constant 0 : i32
    %dma_wait3A_53 = tpu.memref_slice %arg5[%dma_wait3A_51, %dma_wait3A_52] : memref<500000x128xf32, #tpu.memory_space<hbm>> -> memref<500000x128xf32, #tpu.memory_space<hbm>>
    tpu.wait_indirect_dma semaphore(%arg15 : memref<!tpu.dma_semaphore, #tpu.memory_space<semaphore_mem>>) src(%dma_wait3A_53 : memref<500000x128xf32, #tpu.memory_space<hbm>>) dst(%dma_wait3A_48 : memref<128x128xf32, #tpu.memory_space<vmem>>)
    %dma_wait3A_54 = arith.constant 128 : i32
    %dma_wait3A_55 = arith.constant 0 : i32
    %dma_wait3A_56 = tpu.memref_slice %arg11[%dma_wait3A_54, %dma_wait3A_55] : memref<256x128xf32, #tpu.memory_space<vmem>> -> memref<128x128xf32, #tpu.memory_space<vmem>>
    %dma_wait3A_57 = arith.constant 128 : i32
    %dma_wait3A_58 = tpu.memref_slice %arg9[%dma_wait3A_57] : memref<512xi32, #tpu.memory_space<vmem>> -> memref<128xi32, #tpu.memory_space<vmem>>
    %dma_wait3A_59 = arith.constant 0 : i32
    %dma_wait3A_60 = arith.constant 0 : i32
    %dma_wait3A_61 = tpu.memref_slice %arg4[%dma_wait3A_59, %dma_wait3A_60] : memref<500000x128xf32, #tpu.memory_space<hbm>> -> memref<500000x128xf32, #tpu.memory_space<hbm>>
    tpu.wait_indirect_dma semaphore(%arg15 : memref<!tpu.dma_semaphore, #tpu.memory_space<semaphore_mem>>) src(%dma_wait3A_61 : memref<500000x128xf32, #tpu.memory_space<hbm>>) dst(%dma_wait3A_56 : memref<128x128xf32, #tpu.memory_space<vmem>>)
    %dma_wait3A_62 = arith.constant 128 : i32
    %dma_wait3A_63 = arith.constant 0 : i32
    %dma_wait3A_64 = tpu.memref_slice %arg12[%dma_wait3A_62, %dma_wait3A_63] : memref<256x128xf32, #tpu.memory_space<vmem>> -> memref<128x128xf32, #tpu.memory_space<vmem>>
    %dma_wait3A_65 = arith.constant 128 : i32
    %dma_wait3A_66 = tpu.memref_slice %arg10[%dma_wait3A_65] : memref<512xi32, #tpu.memory_space<vmem>> -> memref<128xi32, #tpu.memory_space<vmem>>
    %dma_wait3A_67 = arith.constant 0 : i32
    %dma_wait3A_68 = arith.constant 0 : i32
    %dma_wait3A_69 = tpu.memref_slice %arg5[%dma_wait3A_67, %dma_wait3A_68] : memref<500000x128xf32, #tpu.memory_space<hbm>> -> memref<500000x128xf32, #tpu.memory_space<hbm>>
    tpu.wait_indirect_dma semaphore(%arg15 : memref<!tpu.dma_semaphore, #tpu.memory_space<semaphore_mem>>) src(%dma_wait3A_69 : memref<500000x128xf32, #tpu.memory_space<hbm>>) dst(%dma_wait3A_64 : memref<128x128xf32, #tpu.memory_space<vmem>>)
    %scan3A_70 = arith.constant 0 : i32
    %scan3A_71 = arith.constant 0 : i32
    %scan3A_72 = arith.constant 16 : i32
    %scan3A_73 = arith.addi %scan3A_71, %scan3A_72 : i32
    %scan3A_74 = arith.constant 1 : i32
    scf.for %scan3A_146 = %scan3A_71 to %scan3A_73 step %scan3A_74  : i32 {
      %mul3A_147 = arith.constant 16 : i32
      %mul3A_148 = arith.muli %scan3A_146, %mul3A_147 : i32
      %add3A_149 = arith.constant 0 : i32
      %add3A_150 = arith.addi %add3A_149, %mul3A_148 : i32
      %get3A = arith.index_cast %add3A_150 : i32 to index
      %get3A_151 = tpu.vector_load %arg7[%get3A] {strides = array<i32>} : memref<512xi32, #tpu.memory_space<vmem>>, vector<16xi32>,
      %and3A = arith.constant 1 : i32
      %and3A_152 = vector.broadcast %and3A : i32 to vector<16xi32>
      %and3A_153 = arith.andi %get3A_151, %and3A_152 : vector<16xi32>
      %mul3A_154 = arith.constant 64 : i32
      %mul3A_155 = vector.broadcast %mul3A_154 : i32 to vector<16xi32>
      %mul3A_156 = arith.muli %and3A_153, %mul3A_155 : vector<16xi32>
      %add3A_157 = arith.constant 0 : i32
      %add3A_158 = arith.addi %add3A_157, %mul3A_148 : i32
      %get3A_159 = arith.index_cast %add3A_158 : i32 to index
      %get3A_160 = tpu.vector_load %arg8[%get3A_159] {strides = array<i32>} : memref<512xi32, #tpu.memory_space<vmem>>, vector<16xi32>,
      %and3A_161 = arith.constant 1 : i32
      %and3A_162 = vector.broadcast %and3A_161 : i32 to vector<16xi32>
      %and3A_163 = arith.andi %get3A_160, %and3A_162 : vector<16xi32>
      %mul3A_164 = arith.constant 64 : i32
      %mul3A_165 = vector.broadcast %mul3A_164 : i32 to vector<16xi32>
      %mul3A_166 = arith.muli %and3A_163, %mul3A_165 : vector<16xi32>
      %add3A_167 = arith.constant 0 : i32
      %add3A_168 = arith.addi %mul3A_148, %add3A_167 : i32
      %slice3A = vector.extract_strided_slice %mul3A_156 {offsets = [0], sizes = [1], strides = [1]} : vector<16xi32> to vector<1xi32>
      %squeeze3A = vector.extract %slice3A[0] : i32 from vector<1xi32>
      %slice3A_169 = vector.extract_strided_slice %mul3A_166 {offsets = [0], sizes = [1], strides = [1]} : vector<16xi32> to vector<1xi32>
      %squeeze3A_170 = vector.extract %slice3A_169[0] : i32 from vector<1xi32>
      %get3A_171 = arith.index_cast %add3A_168 : i32 to index
      %get3A_172 = arith.index_cast %squeeze3A : i32 to index
      %get3A_173 = tpu.vector_load %arg11[%get3A_171, %get3A_172] {strides = array<i32>} : memref<256x128xf32, #tpu.memory_space<vmem>>, vector<16xf32>,
      %get3A_174 = arith.index_cast %add3A_168 : i32 to index
      %get3A_175 = arith.index_cast %squeeze3A_170 : i32 to index
      %get3A_176 = tpu.vector_load %arg12[%get3A_174, %get3A_175] {strides = array<i32>} : memref<256x128xf32, #tpu.memory_space<vmem>>, vector<16xf32>,
      %mul3A_177 = arith.mulf %get3A_173, %get3A_176 : vector<16xf32>
      %add3A_178 = arith.constant 16 : i32
      %add3A_179 = arith.addi %squeeze3A, %add3A_178 : i32
      %get3A_180 = arith.index_cast %add3A_168 : i32 to index
      %get3A_181 = arith.index_cast %add3A_179 : i32 to index
      %get3A_182 = tpu.vector_load %arg11[%get3A_180, %get3A_181] {strides = array<i32>} : memref<256x128xf32, #tpu.memory_space<vmem>>, vector<16xf32>,
      %add3A_183 = arith.constant 16 : i32
      %add3A_184 = arith.addi %squeeze3A_170, %add3A_183 : i32
      %get3A_185 = arith.index_cast %add3A_168 : i32 to index
      %get3A_186 = arith.index_cast %add3A_184 : i32 to index
      %get3A_187 = tpu.vector_load %arg12[%get3A_185, %get3A_186] {strides = array<i32>} : memref<256x128xf32, #tpu.memory_space<vmem>>, vector<16xf32>,
      %mul3A_188 = arith.mulf %get3A_182, %get3A_187 : vector<16xf32>
      %add3A_189 = arith.addf %mul3A_177, %mul3A_188 : vector<16xf32>
      %add3A_190 = arith.constant 32 : i32
      %add3A_191 = arith.addi %squeeze3A, %add3A_190 : i32
      %get3A_192 = arith.index_cast %add3A_168 : i32 to index
      %get3A_193 = arith.index_cast %add3A_191 : i32 to index
      %get3A_194 = tpu.vector_load %arg11[%get3A_192, %get3A_193] {strides = array<i32>} : memref<256x128xf32, #tpu.memory_space<vmem>>, vector<16xf32>,
      %add3A_195 = arith.constant 32 : i32
      %add3A_196 = arith.addi %squeeze3A_170, %add3A_195 : i32
      %get3A_197 = arith.index_cast %add3A_168 : i32 to index
      %get3A_198 = arith.index_cast %add3A_196 : i32 to index
      %get3A_199 = tpu.vector_load %arg12[%get3A_197, %get3A_198] {strides = array<i32>} : memref<256x128xf32, #tpu.memory_space<vmem>>, vector<16xf32>,
      %mul3A_200 = arith.mulf %get3A_194, %get3A_199 : vector<16xf32>
      %add3A_201 = arith.addf %add3A_189, %mul3A_200 : vector<16xf32>
      %add3A_202 = arith.constant 48 : i32
      %add3A_203 = arith.addi %squeeze3A, %add3A_202 : i32
      %get3A_204 = arith.index_cast %add3A_168 : i32 to index
      %get3A_205 = arith.index_cast %add3A_203 : i32 to index
      %get3A_206 = tpu.vector_load %arg11[%get3A_204, %get3A_205] {strides = array<i32>} : memref<256x128xf32, #tpu.memory_space<vmem>>, vector<16xf32>,
      %add3A_207 = arith.constant 48 : i32
      %add3A_208 = arith.addi %squeeze3A_170, %add3A_207 : i32
      %get3A_209 = arith.index_cast %add3A_168 : i32 to index
      %get3A_210 = arith.index_cast %add3A_208 : i32 to index
      %get3A_211 = tpu.vector_load %arg12[%get3A_209, %get3A_210] {strides = array<i32>} : memref<256x128xf32, #tpu.memory_space<vmem>>, vector<16xf32>,
      %mul3A_212 = arith.mulf %get3A_206, %get3A_211 : vector<16xf32>
      %add3A_213 = arith.addf %add3A_201, %mul3A_212 : vector<16xf32>
      %swap3A = arith.constant 0 : i32
      %swap3A_214 = arith.index_cast %swap3A : i32 to index
      %swap3A_215 = arith.constant 0 : index
      %swap3A_216 = tpu.vector_load %arg13[%swap3A_214, %swap3A_215] {strides = array<i32>} : memref<16x16xf32, #tpu.memory_space<vmem>>, vector<16xf32>,
      tpu.vector_store %arg13[%swap3A_214, %swap3A_215], %add3A_213 {strides = array<i32>} : memref<16x16xf32, #tpu.memory_space<vmem>>, vector<16xf32>,
      %add3A_217 = arith.constant 1 : i32
      %add3A_218 = arith.addi %mul3A_148, %add3A_217 : i32
      %slice3A_219 = vector.extract_strided_slice %mul3A_156 {offsets = [1], sizes = [1], strides = [1]} : vector<16xi32> to vector<1xi32>
      %squeeze3A_220 = vector.extract %slice3A_219[0] : i32 from vector<1xi32>
      %slice3A_221 = vector.extract_strided_slice %mul3A_166 {offsets = [1], sizes = [1], strides = [1]} : vector<16xi32> to vector<1xi32>
      %squeeze3A_222 = vector.extract %slice3A_221[0] : i32 from vector<1xi32>
      %get3A_223 = arith.index_cast %add3A_218 : i32 to index
      %get3A_224 = arith.index_cast %squeeze3A_220 : i32 to index
      %get3A_225 = tpu.vector_load %arg11[%get3A_223, %get3A_224] {strides = array<i32>} : memref<256x128xf32, #tpu.memory_space<vmem>>, vector<16xf32>,
      %get3A_226 = arith.index_cast %add3A_218 : i32 to index
      %get3A_227 = arith.index_cast %squeeze3A_222 : i32 to index
      %get3A_228 = tpu.vector_load %arg12[%get3A_226, %get3A_227] {strides = array<i32>} : memref<256x128xf32, #tpu.memory_space<vmem>>, vector<16xf32>,
      %mul3A_229 = arith.mulf %get3A_225, %get3A_228 : vector<16xf32>
      %add3A_230 = arith.constant 16 : i32
      %add3A_231 = arith.addi %squeeze3A_220, %add3A_230 : i32
      %get3A_232 = arith.index_cast %add3A_218 : i32 to index
      %get3A_233 = arith.index_cast %add3A_231 : i32 to index
      %get3A_234 = tpu.vector_load %arg11[%get3A_232, %get3A_233] {strides = array<i32>} : memref<256x128xf32, #tpu.memory_space<vmem>>, vector<16xf32>,
      %add3A_235 = arith.constant 16 : i32
      %add3A_236 = arith.addi %squeeze3A_222, %add3A_235 : i32
      %get3A_237 = arith.index_cast %add3A_218 : i32 to index
      %get3A_238 = arith.index_cast %add3A_236 : i32 to index
      %get3A_239 = tpu.vector_load %arg12[%get3A_237, %get3A_238] {strides = array<i32>} : memref<256x128xf32, #tpu.memory_space<vmem>>, vector<16xf32>,
      %mul3A_240 = arith.mulf %get3A_234, %get3A_239 : vector<16xf32>
      %add3A_241 = arith.addf %mul3A_229, %mul3A_240 : vector<16xf32>
      %add3A_242 = arith.constant 32 : i32
      %add3A_243 = arith.addi %squeeze3A_220, %add3A_242 : i32
      %get3A_244 = arith.index_cast %add3A_218 : i32 to index
      %get3A_245 = arith.index_cast %add3A_243 : i32 to index
      %get3A_246 = tpu.vector_load %arg11[%get3A_244, %get3A_245] {strides = array<i32>} : memref<256x128xf32, #tpu.memory_space<vmem>>, vector<16xf32>,
      %add3A_247 = arith.constant 32 : i32
      %add3A_248 = arith.addi %squeeze3A_222, %add3A_247 : i32
      %get3A_249 = arith.index_cast %add3A_218 : i32 to index
      %get3A_250 = arith.index_cast %add3A_248 : i32 to index
      %get3A_251 = tpu.vector_load %arg12[%get3A_249, %get3A_250] {strides = array<i32>} : memref<256x128xf32, #tpu.memory_space<vmem>>, vector<16xf32>,
      %mul3A_252 = arith.mulf %get3A_246, %get3A_251 : vector<16xf32>
      %add3A_253 = arith.addf %add3A_241, %mul3A_252 : vector<16xf32>
      %add3A_254 = arith.constant 48 : i32
      %add3A_255 = arith.addi %squeeze3A_220, %add3A_254 : i32
      %get3A_256 = arith.index_cast %add3A_218 : i32 to index
      %get3A_257 = arith.index_cast %add3A_255 : i32 to index
      %get3A_258 = tpu.vector_load %arg11[%get3A_256, %get3A_257] {strides = array<i32>} : memref<256x128xf32, #tpu.memory_space<vmem>>, vector<16xf32>,
      %add3A_259 = arith.constant 48 : i32
      %add3A_260 = arith.addi %squeeze3A_222, %add3A_259 : i32
      %get3A_261 = arith.index_cast %add3A_218 : i32 to index
      %get3A_262 = arith.index_cast %add3A_260 : i32 to index
      %get3A_263 = tpu.vector_load %arg12[%get3A_261, %get3A_262] {strides = array<i32>} : memref<256x128xf32, #tpu.memory_space<vmem>>, vector<16xf32>,
      %mul3A_264 = arith.mulf %get3A_258, %get3A_263 : vector<16xf32>
      %add3A_265 = arith.addf %add3A_253, %mul3A_264 : vector<16xf32>
      %swap3A_266 = arith.constant 1 : i32
      %swap3A_267 = arith.index_cast %swap3A_266 : i32 to index
      %swap3A_268 = arith.constant 0 : index
      %swap3A_269 = tpu.vector_load %arg13[%swap3A_267, %swap3A_268] {strides = array<i32>} : memref<16x16xf32, #tpu.memory_space<vmem>>, vector<16xf32>,
      tpu.vector_store %arg13[%swap3A_267, %swap3A_268], %add3A_265 {strides = array<i32>} : memref<16x16xf32, #tpu.memory_space<vmem>>, vector<16xf32>,
      %add3A_270 = arith.constant 2 : i32
      %add3A_271 = arith.addi %mul3A_148, %add3A_270 : i32
      %slice3A_272 = vector.extract_strided_slice %mul3A_156 {offsets = [2], sizes = [1], strides = [1]} : vector<16xi32> to vector<1xi32>
      %squeeze3A_273 = vector.extract %slice3A_272[0] : i32 from vector<1xi32>
      %slice3A_274 = vector.extract_strided_slice %mul3A_166 {offsets = [2], sizes = [1], strides = [1]} : vector<16xi32> to vector<1xi32>
      %squeeze3A_275 = vector.extract %slice3A_274[0] : i32 from vector<1xi32>
      %get3A_276 = arith.index_cast %add3A_271 : i32 to index
      %get3A_277 = arith.index_cast %squeeze3A_273 : i32 to index
      %get3A_278 = tpu.vector_load %arg11[%get3A_276, %get3A_277] {strides = array<i32>} : memref<256x128xf32, #tpu.memory_space<vmem>>, vector<16xf32>,
      %get3A_279 = arith.index_cast %add3A_271 : i32 to index
      %get3A_280 = arith.index_cast %squeeze3A_275 : i32 to index
      %get3A_281 = tpu.vector_load %arg12[%get3A_279, %get3A_280] {strides = array<i32>} : memref<256x128xf32, #tpu.memory_space<vmem>>, vector<16xf32>,
      %mul3A_282 = arith.mulf %get3A_278, %get3A_281 : vector<16xf32>
      %add3A_283 = arith.constant 16 : i32
      %add3A_284 = arith.addi %squeeze3A_273, %add3A_283 : i32
      %get3A_285 = arith.index_cast %add3A_271 : i32 to index
      %get3A_286 = arith.index_cast %add3A_284 : i32 to index
      %get3A_287 = tpu.vector_load %arg11[%get3A_285, %get3A_286] {strides = array<i32>} : memref<256x128xf32, #tpu.memory_space<vmem>>, vector<16xf32>,
      %add3A_288 = arith.constant 16 : i32
      %add3A_289 = arith.addi %squeeze3A_275, %add3A_288 : i32
      %get3A_290 = arith.index_cast %add3A_271 : i32 to index
      %get3A_291 = arith.index_cast %add3A_289 : i32 to index
      %get3A_292 = tpu.vector_load %arg12[%get3A_290, %get3A_291] {strides = array<i32>} : memref<256x128xf32, #tpu.memory_space<vmem>>, vector<16xf32>,
      %mul3A_293 = arith.mulf %get3A_287, %get3A_292 : vector<16xf32>
      %add3A_294 = arith.addf %mul3A_282, %mul3A_293 : vector<16xf32>
      %add3A_295 = arith.constant 32 : i32
      %add3A_296 = arith.addi %squeeze3A_273, %add3A_295 : i32
      %get3A_297 = arith.index_cast %add3A_271 : i32 to index
      %get3A_298 = arith.index_cast %add3A_296 : i32 to index
      %get3A_299 = tpu.vector_load %arg11[%get3A_297, %get3A_298] {strides = array<i32>} : memref<256x128xf32, #tpu.memory_space<vmem>>, vector<16xf32>,
      %add3A_300 = arith.constant 32 : i32
      %add3A_301 = arith.addi %squeeze3A_275, %add3A_300 : i32
      %get3A_302 = arith.index_cast %add3A_271 : i32 to index
      %get3A_303 = arith.index_cast %add3A_301 : i32 to index
      %get3A_304 = tpu.vector_load %arg12[%get3A_302, %get3A_303] {strides = array<i32>} : memref<256x128xf32, #tpu.memory_space<vmem>>, vector<16xf32>,
      %mul3A_305 = arith.mulf %get3A_299, %get3A_304 : vector<16xf32>
      %add3A_306 = arith.addf %add3A_294, %mul3A_305 : vector<16xf32>
      %add3A_307 = arith.constant 48 : i32
      %add3A_308 = arith.addi %squeeze3A_273, %add3A_307 : i32
      %get3A_309 = arith.index_cast %add3A_271 : i32 to index
      %get3A_310 = arith.index_cast %add3A_308 : i32 to index
      %get3A_311 = tpu.vector_load %arg11[%get3A_309, %get3A_310] {strides = array<i32>} : memref<256x128xf32, #tpu.memory_space<vmem>>, vector<16xf32>,
      %add3A_312 = arith.constant 48 : i32
      %add3A_313 = arith.addi %squeeze3A_275, %add3A_312 : i32
      %get3A_314 = arith.index_cast %add3A_271 : i32 to index
      %get3A_315 = arith.index_cast %add3A_313 : i32 to index
      %get3A_316 = tpu.vector_load %arg12[%get3A_314, %get3A_315] {strides = array<i32>} : memref<256x128xf32, #tpu.memory_space<vmem>>, vector<16xf32>,
      %mul3A_317 = arith.mulf %get3A_311, %get3A_316 : vector<16xf32>
      %add3A_318 = arith.addf %add3A_306, %mul3A_317 : vector<16xf32>
      %swap3A_319 = arith.constant 2 : i32
      %swap3A_320 = arith.index_cast %swap3A_319 : i32 to index
      %swap3A_321 = arith.constant 0 : index
      %swap3A_322 = tpu.vector_load %arg13[%swap3A_320, %swap3A_321] {strides = array<i32>} : memref<16x16xf32, #tpu.memory_space<vmem>>, vector<16xf32>,
      tpu.vector_store %arg13[%swap3A_320, %swap3A_321], %add3A_318 {strides = array<i32>} : memref<16x16xf32, #tpu.memory_space<vmem>>, vector<16xf32>,
      %add3A_323 = arith.constant 3 : i32
      %add3A_324 = arith.addi %mul3A_148, %add3A_323 : i32
      %slice3A_325 = vector.extract_strided_slice %mul3A_156 {offsets = [3], sizes = [1], strides = [1]} : vector<16xi32> to vector<1xi32>
      %squeeze3A_326 = vector.extract %slice3A_325[0] : i32 from vector<1xi32>
      %slice3A_327 = vector.extract_strided_slice %mul3A_166 {offsets = [3], sizes = [1], strides = [1]} : vector<16xi32> to vector<1xi32>
      %squeeze3A_328 = vector.extract %slice3A_327[0] : i32 from vector<1xi32>
      %get3A_329 = arith.index_cast %add3A_324 : i32 to index
      %get3A_330 = arith.index_cast %squeeze3A_326 : i32 to index
      %get3A_331 = tpu.vector_load %arg11[%get3A_329, %get3A_330] {strides = array<i32>} : memref<256x128xf32, #tpu.memory_space<vmem>>, vector<16xf32>,
      %get3A_332 = arith.index_cast %add3A_324 : i32 to index
      %get3A_333 = arith.index_cast %squeeze3A_328 : i32 to index
      %get3A_334 = tpu.vector_load %arg12[%get3A_332, %get3A_333] {strides = array<i32>} : memref<256x128xf32, #tpu.memory_space<vmem>>, vector<16xf32>,
      %mul3A_335 = arith.mulf %get3A_331, %get3A_334 : vector<16xf32>
      %add3A_336 = arith.constant 16 : i32
      %add3A_337 = arith.addi %squeeze3A_326, %add3A_336 : i32
      %get3A_338 = arith.index_cast %add3A_324 : i32 to index
      %get3A_339 = arith.index_cast %add3A_337 : i32 to index
      %get3A_340 = tpu.vector_load %arg11[%get3A_338, %get3A_339] {strides = array<i32>} : memref<256x128xf32, #tpu.memory_space<vmem>>, vector<16xf32>,
      %add3A_341 = arith.constant 16 : i32
      %add3A_342 = arith.addi %squeeze3A_328, %add3A_341 : i32
      %get3A_343 = arith.index_cast %add3A_324 : i32 to index
      %get3A_344 = arith.index_cast %add3A_342 : i32 to index
      %get3A_345 = tpu.vector_load %arg12[%get3A_343, %get3A_344] {strides = array<i32>} : memref<256x128xf32, #tpu.memory_space<vmem>>, vector<16xf32>,
      %mul3A_346 = arith.mulf %get3A_340, %get3A_345 : vector<16xf32>
      %add3A_347 = arith.addf %mul3A_335, %mul3A_346 : vector<16xf32>
      %add3A_348 = arith.constant 32 : i32
      %add3A_349 = arith.addi %squeeze3A_326, %add3A_348 : i32
      %get3A_350 = arith.index_cast %add3A_324 : i32 to index
      %get3A_351 = arith.index_cast %add3A_349 : i32 to index
      %get3A_352 = tpu.vector_load %arg11[%get3A_350, %get3A_351] {strides = array<i32>} : memref<256x128xf32, #tpu.memory_space<vmem>>, vector<16xf32>,
      %add3A_353 = arith.constant 32 : i32
      %add3A_354 = arith.addi %squeeze3A_328, %add3A_353 : i32
      %get3A_355 = arith.index_cast %add3A_324 : i32 to index
      %get3A_356 = arith.index_cast %add3A_354 : i32 to index
      %get3A_357 = tpu.vector_load %arg12[%get3A_355, %get3A_356] {strides = array<i32>} : memref<256x128xf32, #tpu.memory_space<vmem>>, vector<16xf32>,
      %mul3A_358 = arith.mulf %get3A_352, %get3A_357 : vector<16xf32>
      %add3A_359 = arith.addf %add3A_347, %mul3A_358 : vector<16xf32>
      %add3A_360 = arith.constant 48 : i32
      %add3A_361 = arith.addi %squeeze3A_326, %add3A_360 : i32
      %get3A_362 = arith.index_cast %add3A_324 : i32 to index
      %get3A_363 = arith.index_cast %add3A_361 : i32 to index
      %get3A_364 = tpu.vector_load %arg11[%get3A_362, %get3A_363] {strides = array<i32>} : memref<256x128xf32, #tpu.memory_space<vmem>>, vector<16xf32>,
      %add3A_365 = arith.constant 48 : i32
      %add3A_366 = arith.addi %squeeze3A_328, %add3A_365 : i32
      %get3A_367 = arith.index_cast %add3A_324 : i32 to index
      %get3A_368 = arith.index_cast %add3A_366 : i32 to index
      %get3A_369 = tpu.vector_load %arg12[%get3A_367, %get3A_368] {strides = array<i32>} : memref<256x128xf32, #tpu.memory_space<vmem>>, vector<16xf32>,
      %mul3A_370 = arith.mulf %get3A_364, %get3A_369 : vector<16xf32>
      %add3A_371 = arith.addf %add3A_359, %mul3A_370 : vector<16xf32>
      %swap3A_372 = arith.constant 3 : i32
      %swap3A_373 = arith.index_cast %swap3A_372 : i32 to index
      %swap3A_374 = arith.constant 0 : index
      %swap3A_375 = tpu.vector_load %arg13[%swap3A_373, %swap3A_374] {strides = array<i32>} : memref<16x16xf32, #tpu.memory_space<vmem>>, vector<16xf32>,
      tpu.vector_store %arg13[%swap3A_373, %swap3A_374], %add3A_371 {strides = array<i32>} : memref<16x16xf32, #tpu.memory_space<vmem>>, vector<16xf32>,
      %add3A_376 = arith.constant 4 : i32
      %add3A_377 = arith.addi %mul3A_148, %add3A_376 : i32
      %slice3A_378 = vector.extract_strided_slice %mul3A_156 {offsets = [4], sizes = [1], strides = [1]} : vector<16xi32> to vector<1xi32>
      %squeeze3A_379 = vector.extract %slice3A_378[0] : i32 from vector<1xi32>
      %slice3A_380 = vector.extract_strided_slice %mul3A_166 {offsets = [4], sizes = [1], strides = [1]} : vector<16xi32> to vector<1xi32>
      %squeeze3A_381 = vector.extract %slice3A_380[0] : i32 from vector<1xi32>
      %get3A_382 = arith.index_cast %add3A_377 : i32 to index
      %get3A_383 = arith.index_cast %squeeze3A_379 : i32 to index
      %get3A_384 = tpu.vector_load %arg11[%get3A_382, %get3A_383] {strides = array<i32>} : memref<256x128xf32, #tpu.memory_space<vmem>>, vector<16xf32>,
      %get3A_385 = arith.index_cast %add3A_377 : i32 to index
      %get3A_386 = arith.index_cast %squeeze3A_381 : i32 to index
      %get3A_387 = tpu.vector_load %arg12[%get3A_385, %get3A_386] {strides = array<i32>} : memref<256x128xf32, #tpu.memory_space<vmem>>, vector<16xf32>,
      %mul3A_388 = arith.mulf %get3A_384, %get3A_387 : vector<16xf32>
      %add3A_389 = arith.constant 16 : i32
      %add3A_390 = arith.addi %squeeze3A_379, %add3A_389 : i32
      %get3A_391 = arith.index_cast %add3A_377 : i32 to index
      %get3A_392 = arith.index_cast %add3A_390 : i32 to index
      %get3A_393 = tpu.vector_load %arg11[%get3A_391, %get3A_392] {strides = array<i32>} : memref<256x128xf32, #tpu.memory_space<vmem>>, vector<16xf32>,
      %add3A_394 = arith.constant 16 : i32
      %add3A_395 = arith.addi %squeeze3A_381, %add3A_394 : i32
      %get3A_396 = arith.index_cast %add3A_377 : i32 to index
      %get3A_397 = arith.index_cast %add3A_395 : i32 to index
      %get3A_398 = tpu.vector_load %arg12[%get3A_396, %get3A_397] {strides = array<i32>} : memref<256x128xf32, #tpu.memory_space<vmem>>, vector<16xf32>,
      %mul3A_399 = arith.mulf %get3A_393, %get3A_398 : vector<16xf32>
      %add3A_400 = arith.addf %mul3A_388, %mul3A_399 : vector<16xf32>
      %add3A_401 = arith.constant 32 : i32
      %add3A_402 = arith.addi %squeeze3A_379, %add3A_401 : i32
      %get3A_403 = arith.index_cast %add3A_377 : i32 to index
      %get3A_404 = arith.index_cast %add3A_402 : i32 to index
      %get3A_405 = tpu.vector_load %arg11[%get3A_403, %get3A_404] {strides = array<i32>} : memref<256x128xf32, #tpu.memory_space<vmem>>, vector<16xf32>,
      %add3A_406 = arith.constant 32 : i32
      %add3A_407 = arith.addi %squeeze3A_381, %add3A_406 : i32
      %get3A_408 = arith.index_cast %add3A_377 : i32 to index
      %get3A_409 = arith.index_cast %add3A_407 : i32 to index
      %get3A_410 = tpu.vector_load %arg12[%get3A_408, %get3A_409] {strides = array<i32>} : memref<256x128xf32, #tpu.memory_space<vmem>>, vector<16xf32>,
      %mul3A_411 = arith.mulf %get3A_405, %get3A_410 : vector<16xf32>
      %add3A_412 = arith.addf %add3A_400, %mul3A_411 : vector<16xf32>
      %add3A_413 = arith.constant 48 : i32
      %add3A_414 = arith.addi %squeeze3A_379, %add3A_413 : i32
      %get3A_415 = arith.index_cast %add3A_377 : i32 to index
      %get3A_416 = arith.index_cast %add3A_414 : i32 to index
      %get3A_417 = tpu.vector_load %arg11[%get3A_415, %get3A_416] {strides = array<i32>} : memref<256x128xf32, #tpu.memory_space<vmem>>, vector<16xf32>,
      %add3A_418 = arith.constant 48 : i32
      %add3A_419 = arith.addi %squeeze3A_381, %add3A_418 : i32
      %get3A_420 = arith.index_cast %add3A_377 : i32 to index
      %get3A_421 = arith.index_cast %add3A_419 : i32 to index
      %get3A_422 = tpu.vector_load %arg12[%get3A_420, %get3A_421] {strides = array<i32>} : memref<256x128xf32, #tpu.memory_space<vmem>>, vector<16xf32>,
      %mul3A_423 = arith.mulf %get3A_417, %get3A_422 : vector<16xf32>
      %add3A_424 = arith.addf %add3A_412, %mul3A_423 : vector<16xf32>
      %swap3A_425 = arith.constant 4 : i32
      %swap3A_426 = arith.index_cast %swap3A_425 : i32 to index
      %swap3A_427 = arith.constant 0 : index
      %swap3A_428 = tpu.vector_load %arg13[%swap3A_426, %swap3A_427] {strides = array<i32>} : memref<16x16xf32, #tpu.memory_space<vmem>>, vector<16xf32>,
      tpu.vector_store %arg13[%swap3A_426, %swap3A_427], %add3A_424 {strides = array<i32>} : memref<16x16xf32, #tpu.memory_space<vmem>>, vector<16xf32>,
      %add3A_429 = arith.constant 5 : i32
      %add3A_430 = arith.addi %mul3A_148, %add3A_429 : i32
      %slice3A_431 = vector.extract_strided_slice %mul3A_156 {offsets = [5], sizes = [1], strides = [1]} : vector<16xi32> to vector<1xi32>
      %squeeze3A_432 = vector.extract %slice3A_431[0] : i32 from vector<1xi32>
      %slice3A_433 = vector.extract_strided_slice %mul3A_166 {offsets = [5], sizes = [1], strides = [1]} : vector<16xi32> to vector<1xi32>
      %squeeze3A_434 = vector.extract %slice3A_433[0] : i32 from vector<1xi32>
      %get3A_435 = arith.index_cast %add3A_430 : i32 to index
      %get3A_436 = arith.index_cast %squeeze3A_432 : i32 to index
      %get3A_437 = tpu.vector_load %arg11[%get3A_435, %get3A_436] {strides = array<i32>} : memref<256x128xf32, #tpu.memory_space<vmem>>, vector<16xf32>,
      %get3A_438 = arith.index_cast %add3A_430 : i32 to index
      %get3A_439 = arith.index_cast %squeeze3A_434 : i32 to index
      %get3A_440 = tpu.vector_load %arg12[%get3A_438, %get3A_439] {strides = array<i32>} : memref<256x128xf32, #tpu.memory_space<vmem>>, vector<16xf32>,
      %mul3A_441 = arith.mulf %get3A_437, %get3A_440 : vector<16xf32>
      %add3A_442 = arith.constant 16 : i32
      %add3A_443 = arith.addi %squeeze3A_432, %add3A_442 : i32
      %get3A_444 = arith.index_cast %add3A_430 : i32 to index
      %get3A_445 = arith.index_cast %add3A_443 : i32 to index
      %get3A_446 = tpu.vector_load %arg11[%get3A_444, %get3A_445] {strides = array<i32>} : memref<256x128xf32, #tpu.memory_space<vmem>>, vector<16xf32>,
      %add3A_447 = arith.constant 16 : i32
      %add3A_448 = arith.addi %squeeze3A_434, %add3A_447 : i32
      %get3A_449 = arith.index_cast %add3A_430 : i32 to index
      %get3A_450 = arith.index_cast %add3A_448 : i32 to index
      %get3A_451 = tpu.vector_load %arg12[%get3A_449, %get3A_450] {strides = array<i32>} : memref<256x128xf32, #tpu.memory_space<vmem>>, vector<16xf32>,
      %mul3A_452 = arith.mulf %get3A_446, %get3A_451 : vector<16xf32>
      %add3A_453 = arith.addf %mul3A_441, %mul3A_452 : vector<16xf32>
      %add3A_454 = arith.constant 32 : i32
      %add3A_455 = arith.addi %squeeze3A_432, %add3A_454 : i32
      %get3A_456 = arith.index_cast %add3A_430 : i32 to index
      %get3A_457 = arith.index_cast %add3A_455 : i32 to index
      %get3A_458 = tpu.vector_load %arg11[%get3A_456, %get3A_457] {strides = array<i32>} : memref<256x128xf32, #tpu.memory_space<vmem>>, vector<16xf32>,
      %add3A_459 = arith.constant 32 : i32
      %add3A_460 = arith.addi %squeeze3A_434, %add3A_459 : i32
      %get3A_461 = arith.index_cast %add3A_430 : i32 to index
      %get3A_462 = arith.index_cast %add3A_460 : i32 to index
      %get3A_463 = tpu.vector_load %arg12[%get3A_461, %get3A_462] {strides = array<i32>} : memref<256x128xf32, #tpu.memory_space<vmem>>, vector<16xf32>,
      %mul3A_464 = arith.mulf %get3A_458, %get3A_463 : vector<16xf32>
      %add3A_465 = arith.addf %add3A_453, %mul3A_464 : vector<16xf32>
      %add3A_466 = arith.constant 48 : i32
      %add3A_467 = arith.addi %squeeze3A_432, %add3A_466 : i32
      %get3A_468 = arith.index_cast %add3A_430 : i32 to index
      %get3A_469 = arith.index_cast %add3A_467 : i32 to index
      %get3A_470 = tpu.vector_load %arg11[%get3A_468, %get3A_469] {strides = array<i32>} : memref<256x128xf32, #tpu.memory_space<vmem>>, vector<16xf32>,
      %add3A_471 = arith.constant 48 : i32
      %add3A_472 = arith.addi %squeeze3A_434, %add3A_471 : i32
      %get3A_473 = arith.index_cast %add3A_430 : i32 to index
      %get3A_474 = arith.index_cast %add3A_472 : i32 to index
      %get3A_475 = tpu.vector_load %arg12[%get3A_473, %get3A_474] {strides = array<i32>} : memref<256x128xf32, #tpu.memory_space<vmem>>, vector<16xf32>,
      %mul3A_476 = arith.mulf %get3A_470, %get3A_475 : vector<16xf32>
      %add3A_477 = arith.addf %add3A_465, %mul3A_476 : vector<16xf32>
      %swap3A_478 = arith.constant 5 : i32
      %swap3A_479 = arith.index_cast %swap3A_478 : i32 to index
      %swap3A_480 = arith.constant 0 : index
      %swap3A_481 = tpu.vector_load %arg13[%swap3A_479, %swap3A_480] {strides = array<i32>} : memref<16x16xf32, #tpu.memory_space<vmem>>, vector<16xf32>,
      tpu.vector_store %arg13[%swap3A_479, %swap3A_480], %add3A_477 {strides = array<i32>} : memref<16x16xf32, #tpu.memory_space<vmem>>, vector<16xf32>,
      %add3A_482 = arith.constant 6 : i32
      %add3A_483 = arith.addi %mul3A_148, %add3A_482 : i32
      %slice3A_484 = vector.extract_strided_slice %mul3A_156 {offsets = [6], sizes = [1], strides = [1]} : vector<16xi32> to vector<1xi32>
      %squeeze3A_485 = vector.extract %slice3A_484[0] : i32 from vector<1xi32>
      %slice3A_486 = vector.extract_strided_slice %mul3A_166 {offsets = [6], sizes = [1], strides = [1]} : vector<16xi32> to vector<1xi32>
      %squeeze3A_487 = vector.extract %slice3A_486[0] : i32 from vector<1xi32>
      %get3A_488 = arith.index_cast %add3A_483 : i32 to index
      %get3A_489 = arith.index_cast %squeeze3A_485 : i32 to index
      %get3A_490 = tpu.vector_load %arg11[%get3A_488, %get3A_489] {strides = array<i32>} : memref<256x128xf32, #tpu.memory_space<vmem>>, vector<16xf32>,
      %get3A_491 = arith.index_cast %add3A_483 : i32 to index
      %get3A_492 = arith.index_cast %squeeze3A_487 : i32 to index
      %get3A_493 = tpu.vector_load %arg12[%get3A_491, %get3A_492] {strides = array<i32>} : memref<256x128xf32, #tpu.memory_space<vmem>>, vector<16xf32>,
      %mul3A_494 = arith.mulf %get3A_490, %get3A_493 : vector<16xf32>
      %add3A_495 = arith.constant 16 : i32
      %add3A_496 = arith.addi %squeeze3A_485, %add3A_495 : i32
      %get3A_497 = arith.index_cast %add3A_483 : i32 to index
      %get3A_498 = arith.index_cast %add3A_496 : i32 to index
      %get3A_499 = tpu.vector_load %arg11[%get3A_497, %get3A_498] {strides = array<i32>} : memref<256x128xf32, #tpu.memory_space<vmem>>, vector<16xf32>,
      %add3A_500 = arith.constant 16 : i32
      %add3A_501 = arith.addi %squeeze3A_487, %add3A_500 : i32
      %get3A_502 = arith.index_cast %add3A_483 : i32 to index
      %get3A_503 = arith.index_cast %add3A_501 : i32 to index
      %get3A_504 = tpu.vector_load %arg12[%get3A_502, %get3A_503] {strides = array<i32>} : memref<256x128xf32, #tpu.memory_space<vmem>>, vector<16xf32>,
      %mul3A_505 = arith.mulf %get3A_499, %get3A_504 : vector<16xf32>
      %add3A_506 = arith.addf %mul3A_494, %mul3A_505 : vector<16xf32>
      %add3A_507 = arith.constant 32 : i32
      %add3A_508 = arith.addi %squeeze3A_485, %add3A_507 : i32
      %get3A_509 = arith.index_cast %add3A_483 : i32 to index
      %get3A_510 = arith.index_cast %add3A_508 : i32 to index
      %get3A_511 = tpu.vector_load %arg11[%get3A_509, %get3A_510] {strides = array<i32>} : memref<256x128xf32, #tpu.memory_space<vmem>>, vector<16xf32>,
      %add3A_512 = arith.constant 32 : i32
      %add3A_513 = arith.addi %squeeze3A_487, %add3A_512 : i32
      %get3A_514 = arith.index_cast %add3A_483 : i32 to index
      %get3A_515 = arith.index_cast %add3A_513 : i32 to index
      %get3A_516 = tpu.vector_load %arg12[%get3A_514, %get3A_515] {strides = array<i32>} : memref<256x128xf32, #tpu.memory_space<vmem>>, vector<16xf32>,
      %mul3A_517 = arith.mulf %get3A_511, %get3A_516 : vector<16xf32>
      %add3A_518 = arith.addf %add3A_506, %mul3A_517 : vector<16xf32>
      %add3A_519 = arith.constant 48 : i32
      %add3A_520 = arith.addi %squeeze3A_485, %add3A_519 : i32
      %get3A_521 = arith.index_cast %add3A_483 : i32 to index
      %get3A_522 = arith.index_cast %add3A_520 : i32 to index
      %get3A_523 = tpu.vector_load %arg11[%get3A_521, %get3A_522] {strides = array<i32>} : memref<256x128xf32, #tpu.memory_space<vmem>>, vector<16xf32>,
      %add3A_524 = arith.constant 48 : i32
      %add3A_525 = arith.addi %squeeze3A_487, %add3A_524 : i32
      %get3A_526 = arith.index_cast %add3A_483 : i32 to index
      %get3A_527 = arith.index_cast %add3A_525 : i32 to index
      %get3A_528 = tpu.vector_load %arg12[%get3A_526, %get3A_527] {strides = array<i32>} : memref<256x128xf32, #tpu.memory_space<vmem>>, vector<16xf32>,
      %mul3A_529 = arith.mulf %get3A_523, %get3A_528 : vector<16xf32>
      %add3A_530 = arith.addf %add3A_518, %mul3A_529 : vector<16xf32>
      %swap3A_531 = arith.constant 6 : i32
      %swap3A_532 = arith.index_cast %swap3A_531 : i32 to index
      %swap3A_533 = arith.constant 0 : index
      %swap3A_534 = tpu.vector_load %arg13[%swap3A_532, %swap3A_533] {strides = array<i32>} : memref<16x16xf32, #tpu.memory_space<vmem>>, vector<16xf32>,
      tpu.vector_store %arg13[%swap3A_532, %swap3A_533], %add3A_530 {strides = array<i32>} : memref<16x16xf32, #tpu.memory_space<vmem>>, vector<16xf32>,
      %add3A_535 = arith.constant 7 : i32
      %add3A_536 = arith.addi %mul3A_148, %add3A_535 : i32
      %slice3A_537 = vector.extract_strided_slice %mul3A_156 {offsets = [7], sizes = [1], strides = [1]} : vector<16xi32> to vector<1xi32>
      %squeeze3A_538 = vector.extract %slice3A_537[0] : i32 from vector<1xi32>
      %slice3A_539 = vector.extract_strided_slice %mul3A_166 {offsets = [7], sizes = [1], strides = [1]} : vector<16xi32> to vector<1xi32>
      %squeeze3A_540 = vector.extract %slice3A_539[0] : i32 from vector<1xi32>
      %get3A_541 = arith.index_cast %add3A_536 : i32 to index
      %get3A_542 = arith.index_cast %squeeze3A_538 : i32 to index
      %get3A_543 = tpu.vector_load %arg11[%get3A_541, %get3A_542] {strides = array<i32>} : memref<256x128xf32, #tpu.memory_space<vmem>>, vector<16xf32>,
      %get3A_544 = arith.index_cast %add3A_536 : i32 to index
      %get3A_545 = arith.index_cast %squeeze3A_540 : i32 to index
      %get3A_546 = tpu.vector_load %arg12[%get3A_544, %get3A_545] {strides = array<i32>} : memref<256x128xf32, #tpu.memory_space<vmem>>, vector<16xf32>,
      %mul3A_547 = arith.mulf %get3A_543, %get3A_546 : vector<16xf32>
      %add3A_548 = arith.constant 16 : i32
      %add3A_549 = arith.addi %squeeze3A_538, %add3A_548 : i32
      %get3A_550 = arith.index_cast %add3A_536 : i32 to index
      %get3A_551 = arith.index_cast %add3A_549 : i32 to index
      %get3A_552 = tpu.vector_load %arg11[%get3A_550, %get3A_551] {strides = array<i32>} : memref<256x128xf32, #tpu.memory_space<vmem>>, vector<16xf32>,
      %add3A_553 = arith.constant 16 : i32
      %add3A_554 = arith.addi %squeeze3A_540, %add3A_553 : i32
      %get3A_555 = arith.index_cast %add3A_536 : i32 to index
      %get3A_556 = arith.index_cast %add3A_554 : i32 to index
      %get3A_557 = tpu.vector_load %arg12[%get3A_555, %get3A_556] {strides = array<i32>} : memref<256x128xf32, #tpu.memory_space<vmem>>, vector<16xf32>,
      %mul3A_558 = arith.mulf %get3A_552, %get3A_557 : vector<16xf32>
      %add3A_559 = arith.addf %mul3A_547, %mul3A_558 : vector<16xf32>
      %add3A_560 = arith.constant 32 : i32
      %add3A_561 = arith.addi %squeeze3A_538, %add3A_560 : i32
      %get3A_562 = arith.index_cast %add3A_536 : i32 to index
      %get3A_563 = arith.index_cast %add3A_561 : i32 to index
      %get3A_564 = tpu.vector_load %arg11[%get3A_562, %get3A_563] {strides = array<i32>} : memref<256x128xf32, #tpu.memory_space<vmem>>, vector<16xf32>,
      %add3A_565 = arith.constant 32 : i32
      %add3A_566 = arith.addi %squeeze3A_540, %add3A_565 : i32
      %get3A_567 = arith.index_cast %add3A_536 : i32 to index
      %get3A_568 = arith.index_cast %add3A_566 : i32 to index
      %get3A_569 = tpu.vector_load %arg12[%get3A_567, %get3A_568] {strides = array<i32>} : memref<256x128xf32, #tpu.memory_space<vmem>>, vector<16xf32>,
      %mul3A_570 = arith.mulf %get3A_564, %get3A_569 : vector<16xf32>
      %add3A_571 = arith.addf %add3A_559, %mul3A_570 : vector<16xf32>
      %add3A_572 = arith.constant 48 : i32
      %add3A_573 = arith.addi %squeeze3A_538, %add3A_572 : i32
      %get3A_574 = arith.index_cast %add3A_536 : i32 to index
      %get3A_575 = arith.index_cast %add3A_573 : i32 to index
      %get3A_576 = tpu.vector_load %arg11[%get3A_574, %get3A_575] {strides = array<i32>} : memref<256x128xf32, #tpu.memory_space<vmem>>, vector<16xf32>,
      %add3A_577 = arith.constant 48 : i32
      %add3A_578 = arith.addi %squeeze3A_540, %add3A_577 : i32
      %get3A_579 = arith.index_cast %add3A_536 : i32 to index
      %get3A_580 = arith.index_cast %add3A_578 : i32 to index
      %get3A_581 = tpu.vector_load %arg12[%get3A_579, %get3A_580] {strides = array<i32>} : memref<256x128xf32, #tpu.memory_space<vmem>>, vector<16xf32>,
      %mul3A_582 = arith.mulf %get3A_576, %get3A_581 : vector<16xf32>
      %add3A_583 = arith.addf %add3A_571, %mul3A_582 : vector<16xf32>
      %swap3A_584 = arith.constant 7 : i32
      %swap3A_585 = arith.index_cast %swap3A_584 : i32 to index
      %swap3A_586 = arith.constant 0 : index
      %swap3A_587 = tpu.vector_load %arg13[%swap3A_585, %swap3A_586] {strides = array<i32>} : memref<16x16xf32, #tpu.memory_space<vmem>>, vector<16xf32>,
      tpu.vector_store %arg13[%swap3A_585, %swap3A_586], %add3A_583 {strides = array<i32>} : memref<16x16xf32, #tpu.memory_space<vmem>>, vector<16xf32>,
      %add3A_588 = arith.constant 8 : i32
      %add3A_589 = arith.addi %mul3A_148, %add3A_588 : i32
      %slice3A_590 = vector.extract_strided_slice %mul3A_156 {offsets = [8], sizes = [1], strides = [1]} : vector<16xi32> to vector<1xi32>
      %squeeze3A_591 = vector.extract %slice3A_590[0] : i32 from vector<1xi32>
      %slice3A_592 = vector.extract_strided_slice %mul3A_166 {offsets = [8], sizes = [1], strides = [1]} : vector<16xi32> to vector<1xi32>
      %squeeze3A_593 = vector.extract %slice3A_592[0] : i32 from vector<1xi32>
      %get3A_594 = arith.index_cast %add3A_589 : i32 to index
      %get3A_595 = arith.index_cast %squeeze3A_591 : i32 to index
      %get3A_596 = tpu.vector_load %arg11[%get3A_594, %get3A_595] {strides = array<i32>} : memref<256x128xf32, #tpu.memory_space<vmem>>, vector<16xf32>,
      %get3A_597 = arith.index_cast %add3A_589 : i32 to index
      %get3A_598 = arith.index_cast %squeeze3A_593 : i32 to index
      %get3A_599 = tpu.vector_load %arg12[%get3A_597, %get3A_598] {strides = array<i32>} : memref<256x128xf32, #tpu.memory_space<vmem>>, vector<16xf32>,
      %mul3A_600 = arith.mulf %get3A_596, %get3A_599 : vector<16xf32>
      %add3A_601 = arith.constant 16 : i32
      %add3A_602 = arith.addi %squeeze3A_591, %add3A_601 : i32
      %get3A_603 = arith.index_cast %add3A_589 : i32 to index
      %get3A_604 = arith.index_cast %add3A_602 : i32 to index
      %get3A_605 = tpu.vector_load %arg11[%get3A_603, %get3A_604] {strides = array<i32>} : memref<256x128xf32, #tpu.memory_space<vmem>>, vector<16xf32>,
      %add3A_606 = arith.constant 16 : i32
      %add3A_607 = arith.addi %squeeze3A_593, %add3A_606 : i32
      %get3A_608 = arith.index_cast %add3A_589 : i32 to index
      %get3A_609 = arith.index_cast %add3A_607 : i32 to index
      %get3A_610 = tpu.vector_load %arg12[%get3A_608, %get3A_609] {strides = array<i32>} : memref<256x128xf32, #tpu.memory_space<vmem>>, vector<16xf32>,
      %mul3A_611 = arith.mulf %get3A_605, %get3A_610 : vector<16xf32>
      %add3A_612 = arith.addf %mul3A_600, %mul3A_611 : vector<16xf32>
      %add3A_613 = arith.constant 32 : i32
      %add3A_614 = arith.addi %squeeze3A_591, %add3A_613 : i32
      %get3A_615 = arith.index_cast %add3A_589 : i32 to index
      %get3A_616 = arith.index_cast %add3A_614 : i32 to index
      %get3A_617 = tpu.vector_load %arg11[%get3A_615, %get3A_616] {strides = array<i32>} : memref<256x128xf32, #tpu.memory_space<vmem>>, vector<16xf32>,
      %add3A_618 = arith.constant 32 : i32
      %add3A_619 = arith.addi %squeeze3A_593, %add3A_618 : i32
      %get3A_620 = arith.index_cast %add3A_589 : i32 to index
      %get3A_621 = arith.index_cast %add3A_619 : i32 to index
      %get3A_622 = tpu.vector_load %arg12[%get3A_620, %get3A_621] {strides = array<i32>} : memref<256x128xf32, #tpu.memory_space<vmem>>, vector<16xf32>,
      %mul3A_623 = arith.mulf %get3A_617, %get3A_622 : vector<16xf32>
      %add3A_624 = arith.addf %add3A_612, %mul3A_623 : vector<16xf32>
      %add3A_625 = arith.constant 48 : i32
      %add3A_626 = arith.addi %squeeze3A_591, %add3A_625 : i32
      %get3A_627 = arith.index_cast %add3A_589 : i32 to index
      %get3A_628 = arith.index_cast %add3A_626 : i32 to index
      %get3A_629 = tpu.vector_load %arg11[%get3A_627, %get3A_628] {strides = array<i32>} : memref<256x128xf32, #tpu.memory_space<vmem>>, vector<16xf32>,
      %add3A_630 = arith.constant 48 : i32
      %add3A_631 = arith.addi %squeeze3A_593, %add3A_630 : i32
      %get3A_632 = arith.index_cast %add3A_589 : i32 to index
      %get3A_633 = arith.index_cast %add3A_631 : i32 to index
      %get3A_634 = tpu.vector_load %arg12[%get3A_632, %get3A_633] {strides = array<i32>} : memref<256x128xf32, #tpu.memory_space<vmem>>, vector<16xf32>,
      %mul3A_635 = arith.mulf %get3A_629, %get3A_634 : vector<16xf32>
      %add3A_636 = arith.addf %add3A_624, %mul3A_635 : vector<16xf32>
      %swap3A_637 = arith.constant 8 : i32
      %swap3A_638 = arith.index_cast %swap3A_637 : i32 to index
      %swap3A_639 = arith.constant 0 : index
      %swap3A_640 = tpu.vector_load %arg13[%swap3A_638, %swap3A_639] {strides = array<i32>} : memref<16x16xf32, #tpu.memory_space<vmem>>, vector<16xf32>,
      tpu.vector_store %arg13[%swap3A_638, %swap3A_639], %add3A_636 {strides = array<i32>} : memref<16x16xf32, #tpu.memory_space<vmem>>, vector<16xf32>,
      %add3A_641 = arith.constant 9 : i32
      %add3A_642 = arith.addi %mul3A_148, %add3A_641 : i32
      %slice3A_643 = vector.extract_strided_slice %mul3A_156 {offsets = [9], sizes = [1], strides = [1]} : vector<16xi32> to vector<1xi32>
      %squeeze3A_644 = vector.extract %slice3A_643[0] : i32 from vector<1xi32>
      %slice3A_645 = vector.extract_strided_slice %mul3A_166 {offsets = [9], sizes = [1], strides = [1]} : vector<16xi32> to vector<1xi32>
      %squeeze3A_646 = vector.extract %slice3A_645[0] : i32 from vector<1xi32>
      %get3A_647 = arith.index_cast %add3A_642 : i32 to index
      %get3A_648 = arith.index_cast %squeeze3A_644 : i32 to index
      %get3A_649 = tpu.vector_load %arg11[%get3A_647, %get3A_648] {strides = array<i32>} : memref<256x128xf32, #tpu.memory_space<vmem>>, vector<16xf32>,
      %get3A_650 = arith.index_cast %add3A_642 : i32 to index
      %get3A_651 = arith.index_cast %squeeze3A_646 : i32 to index
      %get3A_652 = tpu.vector_load %arg12[%get3A_650, %get3A_651] {strides = array<i32>} : memref<256x128xf32, #tpu.memory_space<vmem>>, vector<16xf32>,
      %mul3A_653 = arith.mulf %get3A_649, %get3A_652 : vector<16xf32>
      %add3A_654 = arith.constant 16 : i32
      %add3A_655 = arith.addi %squeeze3A_644, %add3A_654 : i32
      %get3A_656 = arith.index_cast %add3A_642 : i32 to index
      %get3A_657 = arith.index_cast %add3A_655 : i32 to index
      %get3A_658 = tpu.vector_load %arg11[%get3A_656, %get3A_657] {strides = array<i32>} : memref<256x128xf32, #tpu.memory_space<vmem>>, vector<16xf32>,
      %add3A_659 = arith.constant 16 : i32
      %add3A_660 = arith.addi %squeeze3A_646, %add3A_659 : i32
      %get3A_661 = arith.index_cast %add3A_642 : i32 to index
      %get3A_662 = arith.index_cast %add3A_660 : i32 to index
      %get3A_663 = tpu.vector_load %arg12[%get3A_661, %get3A_662] {strides = array<i32>} : memref<256x128xf32, #tpu.memory_space<vmem>>, vector<16xf32>,
      %mul3A_664 = arith.mulf %get3A_658, %get3A_663 : vector<16xf32>
      %add3A_665 = arith.addf %mul3A_653, %mul3A_664 : vector<16xf32>
      %add3A_666 = arith.constant 32 : i32
      %add3A_667 = arith.addi %squeeze3A_644, %add3A_666 : i32
      %get3A_668 = arith.index_cast %add3A_642 : i32 to index
      %get3A_669 = arith.index_cast %add3A_667 : i32 to index
      %get3A_670 = tpu.vector_load %arg11[%get3A_668, %get3A_669] {strides = array<i32>} : memref<256x128xf32, #tpu.memory_space<vmem>>, vector<16xf32>,
      %add3A_671 = arith.constant 32 : i32
      %add3A_672 = arith.addi %squeeze3A_646, %add3A_671 : i32
      %get3A_673 = arith.index_cast %add3A_642 : i32 to index
      %get3A_674 = arith.index_cast %add3A_672 : i32 to index
      %get3A_675 = tpu.vector_load %arg12[%get3A_673, %get3A_674] {strides = array<i32>} : memref<256x128xf32, #tpu.memory_space<vmem>>, vector<16xf32>,
      %mul3A_676 = arith.mulf %get3A_670, %get3A_675 : vector<16xf32>
      %add3A_677 = arith.addf %add3A_665, %mul3A_676 : vector<16xf32>
      %add3A_678 = arith.constant 48 : i32
      %add3A_679 = arith.addi %squeeze3A_644, %add3A_678 : i32
      %get3A_680 = arith.index_cast %add3A_642 : i32 to index
      %get3A_681 = arith.index_cast %add3A_679 : i32 to index
      %get3A_682 = tpu.vector_load %arg11[%get3A_680, %get3A_681] {strides = array<i32>} : memref<256x128xf32, #tpu.memory_space<vmem>>, vector<16xf32>,
      %add3A_683 = arith.constant 48 : i32
      %add3A_684 = arith.addi %squeeze3A_646, %add3A_683 : i32
      %get3A_685 = arith.index_cast %add3A_642 : i32 to index
      %get3A_686 = arith.index_cast %add3A_684 : i32 to index
      %get3A_687 = tpu.vector_load %arg12[%get3A_685, %get3A_686] {strides = array<i32>} : memref<256x128xf32, #tpu.memory_space<vmem>>, vector<16xf32>,
      %mul3A_688 = arith.mulf %get3A_682, %get3A_687 : vector<16xf32>
      %add3A_689 = arith.addf %add3A_677, %mul3A_688 : vector<16xf32>
      %swap3A_690 = arith.constant 9 : i32
      %swap3A_691 = arith.index_cast %swap3A_690 : i32 to index
      %swap3A_692 = arith.constant 0 : index
      %swap3A_693 = tpu.vector_load %arg13[%swap3A_691, %swap3A_692] {strides = array<i32>} : memref<16x16xf32, #tpu.memory_space<vmem>>, vector<16xf32>,
      tpu.vector_store %arg13[%swap3A_691, %swap3A_692], %add3A_689 {strides = array<i32>} : memref<16x16xf32, #tpu.memory_space<vmem>>, vector<16xf32>,
      %add3A_694 = arith.constant 10 : i32
      %add3A_695 = arith.addi %mul3A_148, %add3A_694 : i32
      %slice3A_696 = vector.extract_strided_slice %mul3A_156 {offsets = [10], sizes = [1], strides = [1]} : vector<16xi32> to vector<1xi32>
      %squeeze3A_697 = vector.extract %slice3A_696[0] : i32 from vector<1xi32>
      %slice3A_698 = vector.extract_strided_slice %mul3A_166 {offsets = [10], sizes = [1], strides = [1]} : vector<16xi32> to vector<1xi32>
      %squeeze3A_699 = vector.extract %slice3A_698[0] : i32 from vector<1xi32>
      %get3A_700 = arith.index_cast %add3A_695 : i32 to index
      %get3A_701 = arith.index_cast %squeeze3A_697 : i32 to index
      %get3A_702 = tpu.vector_load %arg11[%get3A_700, %get3A_701] {strides = array<i32>} : memref<256x128xf32, #tpu.memory_space<vmem>>, vector<16xf32>,
      %get3A_703 = arith.index_cast %add3A_695 : i32 to index
      %get3A_704 = arith.index_cast %squeeze3A_699 : i32 to index
      %get3A_705 = tpu.vector_load %arg12[%get3A_703, %get3A_704] {strides = array<i32>} : memref<256x128xf32, #tpu.memory_space<vmem>>, vector<16xf32>,
      %mul3A_706 = arith.mulf %get3A_702, %get3A_705 : vector<16xf32>
      %add3A_707 = arith.constant 16 : i32
      %add3A_708 = arith.addi %squeeze3A_697, %add3A_707 : i32
      %get3A_709 = arith.index_cast %add3A_695 : i32 to index
      %get3A_710 = arith.index_cast %add3A_708 : i32 to index
      %get3A_711 = tpu.vector_load %arg11[%get3A_709, %get3A_710] {strides = array<i32>} : memref<256x128xf32, #tpu.memory_space<vmem>>, vector<16xf32>,
      %add3A_712 = arith.constant 16 : i32
      %add3A_713 = arith.addi %squeeze3A_699, %add3A_712 : i32
      %get3A_714 = arith.index_cast %add3A_695 : i32 to index
      %get3A_715 = arith.index_cast %add3A_713 : i32 to index
      %get3A_716 = tpu.vector_load %arg12[%get3A_714, %get3A_715] {strides = array<i32>} : memref<256x128xf32, #tpu.memory_space<vmem>>, vector<16xf32>,
      %mul3A_717 = arith.mulf %get3A_711, %get3A_716 : vector<16xf32>
      %add3A_718 = arith.addf %mul3A_706, %mul3A_717 : vector<16xf32>
      %add3A_719 = arith.constant 32 : i32
      %add3A_720 = arith.addi %squeeze3A_697, %add3A_719 : i32
      %get3A_721 = arith.index_cast %add3A_695 : i32 to index
      %get3A_722 = arith.index_cast %add3A_720 : i32 to index
      %get3A_723 = tpu.vector_load %arg11[%get3A_721, %get3A_722] {strides = array<i32>} : memref<256x128xf32, #tpu.memory_space<vmem>>, vector<16xf32>,
      %add3A_724 = arith.constant 32 : i32
      %add3A_725 = arith.addi %squeeze3A_699, %add3A_724 : i32
      %get3A_726 = arith.index_cast %add3A_695 : i32 to index
      %get3A_727 = arith.index_cast %add3A_725 : i32 to index
      %get3A_728 = tpu.vector_load %arg12[%get3A_726, %get3A_727] {strides = array<i32>} : memref<256x128xf32, #tpu.memory_space<vmem>>, vector<16xf32>,
      %mul3A_729 = arith.mulf %get3A_723, %get3A_728 : vector<16xf32>
      %add3A_730 = arith.addf %add3A_718, %mul3A_729 : vector<16xf32>
      %add3A_731 = arith.constant 48 : i32
      %add3A_732 = arith.addi %squeeze3A_697, %add3A_731 : i32
      %get3A_733 = arith.index_cast %add3A_695 : i32 to index
      %get3A_734 = arith.index_cast %add3A_732 : i32 to index
      %get3A_735 = tpu.vector_load %arg11[%get3A_733, %get3A_734] {strides = array<i32>} : memref<256x128xf32, #tpu.memory_space<vmem>>, vector<16xf32>,
      %add3A_736 = arith.constant 48 : i32
      %add3A_737 = arith.addi %squeeze3A_699, %add3A_736 : i32
      %get3A_738 = arith.index_cast %add3A_695 : i32 to index
      %get3A_739 = arith.index_cast %add3A_737 : i32 to index
      %get3A_740 = tpu.vector_load %arg12[%get3A_738, %get3A_739] {strides = array<i32>} : memref<256x128xf32, #tpu.memory_space<vmem>>, vector<16xf32>,
      %mul3A_741 = arith.mulf %get3A_735, %get3A_740 : vector<16xf32>
      %add3A_742 = arith.addf %add3A_730, %mul3A_741 : vector<16xf32>
      %swap3A_743 = arith.constant 10 : i32
      %swap3A_744 = arith.index_cast %swap3A_743 : i32 to index
      %swap3A_745 = arith.constant 0 : index
      %swap3A_746 = tpu.vector_load %arg13[%swap3A_744, %swap3A_745] {strides = array<i32>} : memref<16x16xf32, #tpu.memory_space<vmem>>, vector<16xf32>,
      tpu.vector_store %arg13[%swap3A_744, %swap3A_745], %add3A_742 {strides = array<i32>} : memref<16x16xf32, #tpu.memory_space<vmem>>, vector<16xf32>,
      %add3A_747 = arith.constant 11 : i32
      %add3A_748 = arith.addi %mul3A_148, %add3A_747 : i32
      %slice3A_749 = vector.extract_strided_slice %mul3A_156 {offsets = [11], sizes = [1], strides = [1]} : vector<16xi32> to vector<1xi32>
      %squeeze3A_750 = vector.extract %slice3A_749[0] : i32 from vector<1xi32>
      %slice3A_751 = vector.extract_strided_slice %mul3A_166 {offsets = [11], sizes = [1], strides = [1]} : vector<16xi32> to vector<1xi32>
      %squeeze3A_752 = vector.extract %slice3A_751[0] : i32 from vector<1xi32>
      %get3A_753 = arith.index_cast %add3A_748 : i32 to index
      %get3A_754 = arith.index_cast %squeeze3A_750 : i32 to index
      %get3A_755 = tpu.vector_load %arg11[%get3A_753, %get3A_754] {strides = array<i32>} : memref<256x128xf32, #tpu.memory_space<vmem>>, vector<16xf32>,
      %get3A_756 = arith.index_cast %add3A_748 : i32 to index
      %get3A_757 = arith.index_cast %squeeze3A_752 : i32 to index
      %get3A_758 = tpu.vector_load %arg12[%get3A_756, %get3A_757] {strides = array<i32>} : memref<256x128xf32, #tpu.memory_space<vmem>>, vector<16xf32>,
      %mul3A_759 = arith.mulf %get3A_755, %get3A_758 : vector<16xf32>
      %add3A_760 = arith.constant 16 : i32
      %add3A_761 = arith.addi %squeeze3A_750, %add3A_760 : i32
      %get3A_762 = arith.index_cast %add3A_748 : i32 to index
      %get3A_763 = arith.index_cast %add3A_761 : i32 to index
      %get3A_764 = tpu.vector_load %arg11[%get3A_762, %get3A_763] {strides = array<i32>} : memref<256x128xf32, #tpu.memory_space<vmem>>, vector<16xf32>,
      %add3A_765 = arith.constant 16 : i32
      %add3A_766 = arith.addi %squeeze3A_752, %add3A_765 : i32
      %get3A_767 = arith.index_cast %add3A_748 : i32 to index
      %get3A_768 = arith.index_cast %add3A_766 : i32 to index
      %get3A_769 = tpu.vector_load %arg12[%get3A_767, %get3A_768] {strides = array<i32>} : memref<256x128xf32, #tpu.memory_space<vmem>>, vector<16xf32>,
      %mul3A_770 = arith.mulf %get3A_764, %get3A_769 : vector<16xf32>
      %add3A_771 = arith.addf %mul3A_759, %mul3A_770 : vector<16xf32>
      %add3A_772 = arith.constant 32 : i32
      %add3A_773 = arith.addi %squeeze3A_750, %add3A_772 : i32
      %get3A_774 = arith.index_cast %add3A_748 : i32 to index
      %get3A_775 = arith.index_cast %add3A_773 : i32 to index
      %get3A_776 = tpu.vector_load %arg11[%get3A_774, %get3A_775] {strides = array<i32>} : memref<256x128xf32, #tpu.memory_space<vmem>>, vector<16xf32>,
      %add3A_777 = arith.constant 32 : i32
      %add3A_778 = arith.addi %squeeze3A_752, %add3A_777 : i32
      %get3A_779 = arith.index_cast %add3A_748 : i32 to index
      %get3A_780 = arith.index_cast %add3A_778 : i32 to index
      %get3A_781 = tpu.vector_load %arg12[%get3A_779, %get3A_780] {strides = array<i32>} : memref<256x128xf32, #tpu.memory_space<vmem>>, vector<16xf32>,
      %mul3A_782 = arith.mulf %get3A_776, %get3A_781 : vector<16xf32>
      %add3A_783 = arith.addf %add3A_771, %mul3A_782 : vector<16xf32>
      %add3A_784 = arith.constant 48 : i32
      %add3A_785 = arith.addi %squeeze3A_750, %add3A_784 : i32
      %get3A_786 = arith.index_cast %add3A_748 : i32 to index
      %get3A_787 = arith.index_cast %add3A_785 : i32 to index
      %get3A_788 = tpu.vector_load %arg11[%get3A_786, %get3A_787] {strides = array<i32>} : memref<256x128xf32, #tpu.memory_space<vmem>>, vector<16xf32>,
      %add3A_789 = arith.constant 48 : i32
      %add3A_790 = arith.addi %squeeze3A_752, %add3A_789 : i32
      %get3A_791 = arith.index_cast %add3A_748 : i32 to index
      %get3A_792 = arith.index_cast %add3A_790 : i32 to index
      %get3A_793 = tpu.vector_load %arg12[%get3A_791, %get3A_792] {strides = array<i32>} : memref<256x128xf32, #tpu.memory_space<vmem>>, vector<16xf32>,
      %mul3A_794 = arith.mulf %get3A_788, %get3A_793 : vector<16xf32>
      %add3A_795 = arith.addf %add3A_783, %mul3A_794 : vector<16xf32>
      %swap3A_796 = arith.constant 11 : i32
      %swap3A_797 = arith.index_cast %swap3A_796 : i32 to index
      %swap3A_798 = arith.constant 0 : index
      %swap3A_799 = tpu.vector_load %arg13[%swap3A_797, %swap3A_798] {strides = array<i32>} : memref<16x16xf32, #tpu.memory_space<vmem>>, vector<16xf32>,
      tpu.vector_store %arg13[%swap3A_797, %swap3A_798], %add3A_795 {strides = array<i32>} : memref<16x16xf32, #tpu.memory_space<vmem>>, vector<16xf32>,
      %add3A_800 = arith.constant 12 : i32
      %add3A_801 = arith.addi %mul3A_148, %add3A_800 : i32
      %slice3A_802 = vector.extract_strided_slice %mul3A_156 {offsets = [12], sizes = [1], strides = [1]} : vector<16xi32> to vector<1xi32>
      %squeeze3A_803 = vector.extract %slice3A_802[0] : i32 from vector<1xi32>
      %slice3A_804 = vector.extract_strided_slice %mul3A_166 {offsets = [12], sizes = [1], strides = [1]} : vector<16xi32> to vector<1xi32>
      %squeeze3A_805 = vector.extract %slice3A_804[0] : i32 from vector<1xi32>
      %get3A_806 = arith.index_cast %add3A_801 : i32 to index
      %get3A_807 = arith.index_cast %squeeze3A_803 : i32 to index
      %get3A_808 = tpu.vector_load %arg11[%get3A_806, %get3A_807] {strides = array<i32>} : memref<256x128xf32, #tpu.memory_space<vmem>>, vector<16xf32>,
      %get3A_809 = arith.index_cast %add3A_801 : i32 to index
      %get3A_810 = arith.index_cast %squeeze3A_805 : i32 to index
      %get3A_811 = tpu.vector_load %arg12[%get3A_809, %get3A_810] {strides = array<i32>} : memref<256x128xf32, #tpu.memory_space<vmem>>, vector<16xf32>,
      %mul3A_812 = arith.mulf %get3A_808, %get3A_811 : vector<16xf32>
      %add3A_813 = arith.constant 16 : i32
      %add3A_814 = arith.addi %squeeze3A_803, %add3A_813 : i32
      %get3A_815 = arith.index_cast %add3A_801 : i32 to index
      %get3A_816 = arith.index_cast %add3A_814 : i32 to index
      %get3A_817 = tpu.vector_load %arg11[%get3A_815, %get3A_816] {strides = array<i32>} : memref<256x128xf32, #tpu.memory_space<vmem>>, vector<16xf32>,
      %add3A_818 = arith.constant 16 : i32
      %add3A_819 = arith.addi %squeeze3A_805, %add3A_818 : i32
      %get3A_820 = arith.index_cast %add3A_801 : i32 to index
      %get3A_821 = arith.index_cast %add3A_819 : i32 to index
      %get3A_822 = tpu.vector_load %arg12[%get3A_820, %get3A_821] {strides = array<i32>} : memref<256x128xf32, #tpu.memory_space<vmem>>, vector<16xf32>,
      %mul3A_823 = arith.mulf %get3A_817, %get3A_822 : vector<16xf32>
      %add3A_824 = arith.addf %mul3A_812, %mul3A_823 : vector<16xf32>
      %add3A_825 = arith.constant 32 : i32
      %add3A_826 = arith.addi %squeeze3A_803, %add3A_825 : i32
      %get3A_827 = arith.index_cast %add3A_801 : i32 to index
      %get3A_828 = arith.index_cast %add3A_826 : i32 to index
      %get3A_829 = tpu.vector_load %arg11[%get3A_827, %get3A_828] {strides = array<i32>} : memref<256x128xf32, #tpu.memory_space<vmem>>, vector<16xf32>,
      %add3A_830 = arith.constant 32 : i32
      %add3A_831 = arith.addi %squeeze3A_805, %add3A_830 : i32
      %get3A_832 = arith.index_cast %add3A_801 : i32 to index
      %get3A_833 = arith.index_cast %add3A_831 : i32 to index
      %get3A_834 = tpu.vector_load %arg12[%get3A_832, %get3A_833] {strides = array<i32>} : memref<256x128xf32, #tpu.memory_space<vmem>>, vector<16xf32>,
      %mul3A_835 = arith.mulf %get3A_829, %get3A_834 : vector<16xf32>
      %add3A_836 = arith.addf %add3A_824, %mul3A_835 : vector<16xf32>
      %add3A_837 = arith.constant 48 : i32
      %add3A_838 = arith.addi %squeeze3A_803, %add3A_837 : i32
      %get3A_839 = arith.index_cast %add3A_801 : i32 to index
      %get3A_840 = arith.index_cast %add3A_838 : i32 to index
      %get3A_841 = tpu.vector_load %arg11[%get3A_839, %get3A_840] {strides = array<i32>} : memref<256x128xf32, #tpu.memory_space<vmem>>, vector<16xf32>,
      %add3A_842 = arith.constant 48 : i32
      %add3A_843 = arith.addi %squeeze3A_805, %add3A_842 : i32
      %get3A_844 = arith.index_cast %add3A_801 : i32 to index
      %get3A_845 = arith.index_cast %add3A_843 : i32 to index
      %get3A_846 = tpu.vector_load %arg12[%get3A_844, %get3A_845] {strides = array<i32>} : memref<256x128xf32, #tpu.memory_space<vmem>>, vector<16xf32>,
      %mul3A_847 = arith.mulf %get3A_841, %get3A_846 : vector<16xf32>
      %add3A_848 = arith.addf %add3A_836, %mul3A_847 : vector<16xf32>
      %swap3A_849 = arith.constant 12 : i32
      %swap3A_850 = arith.index_cast %swap3A_849 : i32 to index
      %swap3A_851 = arith.constant 0 : index
      %swap3A_852 = tpu.vector_load %arg13[%swap3A_850, %swap3A_851] {strides = array<i32>} : memref<16x16xf32, #tpu.memory_space<vmem>>, vector<16xf32>,
      tpu.vector_store %arg13[%swap3A_850, %swap3A_851], %add3A_848 {strides = array<i32>} : memref<16x16xf32, #tpu.memory_space<vmem>>, vector<16xf32>,
      %add3A_853 = arith.constant 13 : i32
      %add3A_854 = arith.addi %mul3A_148, %add3A_853 : i32
      %slice3A_855 = vector.extract_strided_slice %mul3A_156 {offsets = [13], sizes = [1], strides = [1]} : vector<16xi32> to vector<1xi32>
      %squeeze3A_856 = vector.extract %slice3A_855[0] : i32 from vector<1xi32>
      %slice3A_857 = vector.extract_strided_slice %mul3A_166 {offsets = [13], sizes = [1], strides = [1]} : vector<16xi32> to vector<1xi32>
      %squeeze3A_858 = vector.extract %slice3A_857[0] : i32 from vector<1xi32>
      %get3A_859 = arith.index_cast %add3A_854 : i32 to index
      %get3A_860 = arith.index_cast %squeeze3A_856 : i32 to index
      %get3A_861 = tpu.vector_load %arg11[%get3A_859, %get3A_860] {strides = array<i32>} : memref<256x128xf32, #tpu.memory_space<vmem>>, vector<16xf32>,
      %get3A_862 = arith.index_cast %add3A_854 : i32 to index
      %get3A_863 = arith.index_cast %squeeze3A_858 : i32 to index
      %get3A_864 = tpu.vector_load %arg12[%get3A_862, %get3A_863] {strides = array<i32>} : memref<256x128xf32, #tpu.memory_space<vmem>>, vector<16xf32>,
      %mul3A_865 = arith.mulf %get3A_861, %get3A_864 : vector<16xf32>
      %add3A_866 = arith.constant 16 : i32
      %add3A_867 = arith.addi %squeeze3A_856, %add3A_866 : i32
      %get3A_868 = arith.index_cast %add3A_854 : i32 to index
      %get3A_869 = arith.index_cast %add3A_867 : i32 to index
      %get3A_870 = tpu.vector_load %arg11[%get3A_868, %get3A_869] {strides = array<i32>} : memref<256x128xf32, #tpu.memory_space<vmem>>, vector<16xf32>,
      %add3A_871 = arith.constant 16 : i32
      %add3A_872 = arith.addi %squeeze3A_858, %add3A_871 : i32
      %get3A_873 = arith.index_cast %add3A_854 : i32 to index
      %get3A_874 = arith.index_cast %add3A_872 : i32 to index
      %get3A_875 = tpu.vector_load %arg12[%get3A_873, %get3A_874] {strides = array<i32>} : memref<256x128xf32, #tpu.memory_space<vmem>>, vector<16xf32>,
      %mul3A_876 = arith.mulf %get3A_870, %get3A_875 : vector<16xf32>
      %add3A_877 = arith.addf %mul3A_865, %mul3A_876 : vector<16xf32>
      %add3A_878 = arith.constant 32 : i32
      %add3A_879 = arith.addi %squeeze3A_856, %add3A_878 : i32
      %get3A_880 = arith.index_cast %add3A_854 : i32 to index
      %get3A_881 = arith.index_cast %add3A_879 : i32 to index
      %get3A_882 = tpu.vector_load %arg11[%get3A_880, %get3A_881] {strides = array<i32>} : memref<256x128xf32, #tpu.memory_space<vmem>>, vector<16xf32>,
      %add3A_883 = arith.constant 32 : i32
      %add3A_884 = arith.addi %squeeze3A_858, %add3A_883 : i32
      %get3A_885 = arith.index_cast %add3A_854 : i32 to index
      %get3A_886 = arith.index_cast %add3A_884 : i32 to index
      %get3A_887 = tpu.vector_load %arg12[%get3A_885, %get3A_886] {strides = array<i32>} : memref<256x128xf32, #tpu.memory_space<vmem>>, vector<16xf32>,
      %mul3A_888 = arith.mulf %get3A_882, %get3A_887 : vector<16xf32>
      %add3A_889 = arith.addf %add3A_877, %mul3A_888 : vector<16xf32>
      %add3A_890 = arith.constant 48 : i32
      %add3A_891 = arith.addi %squeeze3A_856, %add3A_890 : i32
      %get3A_892 = arith.index_cast %add3A_854 : i32 to index
      %get3A_893 = arith.index_cast %add3A_891 : i32 to index
      %get3A_894 = tpu.vector_load %arg11[%get3A_892, %get3A_893] {strides = array<i32>} : memref<256x128xf32, #tpu.memory_space<vmem>>, vector<16xf32>,
      %add3A_895 = arith.constant 48 : i32
      %add3A_896 = arith.addi %squeeze3A_858, %add3A_895 : i32
      %get3A_897 = arith.index_cast %add3A_854 : i32 to index
      %get3A_898 = arith.index_cast %add3A_896 : i32 to index
      %get3A_899 = tpu.vector_load %arg12[%get3A_897, %get3A_898] {strides = array<i32>} : memref<256x128xf32, #tpu.memory_space<vmem>>, vector<16xf32>,
      %mul3A_900 = arith.mulf %get3A_894, %get3A_899 : vector<16xf32>
      %add3A_901 = arith.addf %add3A_889, %mul3A_900 : vector<16xf32>
      %swap3A_902 = arith.constant 13 : i32
      %swap3A_903 = arith.index_cast %swap3A_902 : i32 to index
      %swap3A_904 = arith.constant 0 : index
      %swap3A_905 = tpu.vector_load %arg13[%swap3A_903, %swap3A_904] {strides = array<i32>} : memref<16x16xf32, #tpu.memory_space<vmem>>, vector<16xf32>,
      tpu.vector_store %arg13[%swap3A_903, %swap3A_904], %add3A_901 {strides = array<i32>} : memref<16x16xf32, #tpu.memory_space<vmem>>, vector<16xf32>,
      %add3A_906 = arith.constant 14 : i32
      %add3A_907 = arith.addi %mul3A_148, %add3A_906 : i32
      %slice3A_908 = vector.extract_strided_slice %mul3A_156 {offsets = [14], sizes = [1], strides = [1]} : vector<16xi32> to vector<1xi32>
      %squeeze3A_909 = vector.extract %slice3A_908[0] : i32 from vector<1xi32>
      %slice3A_910 = vector.extract_strided_slice %mul3A_166 {offsets = [14], sizes = [1], strides = [1]} : vector<16xi32> to vector<1xi32>
      %squeeze3A_911 = vector.extract %slice3A_910[0] : i32 from vector<1xi32>
      %get3A_912 = arith.index_cast %add3A_907 : i32 to index
      %get3A_913 = arith.index_cast %squeeze3A_909 : i32 to index
      %get3A_914 = tpu.vector_load %arg11[%get3A_912, %get3A_913] {strides = array<i32>} : memref<256x128xf32, #tpu.memory_space<vmem>>, vector<16xf32>,
      %get3A_915 = arith.index_cast %add3A_907 : i32 to index
      %get3A_916 = arith.index_cast %squeeze3A_911 : i32 to index
      %get3A_917 = tpu.vector_load %arg12[%get3A_915, %get3A_916] {strides = array<i32>} : memref<256x128xf32, #tpu.memory_space<vmem>>, vector<16xf32>,
      %mul3A_918 = arith.mulf %get3A_914, %get3A_917 : vector<16xf32>
      %add3A_919 = arith.constant 16 : i32
      %add3A_920 = arith.addi %squeeze3A_909, %add3A_919 : i32
      %get3A_921 = arith.index_cast %add3A_907 : i32 to index
      %get3A_922 = arith.index_cast %add3A_920 : i32 to index
      %get3A_923 = tpu.vector_load %arg11[%get3A_921, %get3A_922] {strides = array<i32>} : memref<256x128xf32, #tpu.memory_space<vmem>>, vector<16xf32>,
      %add3A_924 = arith.constant 16 : i32
      %add3A_925 = arith.addi %squeeze3A_911, %add3A_924 : i32
      %get3A_926 = arith.index_cast %add3A_907 : i32 to index
      %get3A_927 = arith.index_cast %add3A_925 : i32 to index
      %get3A_928 = tpu.vector_load %arg12[%get3A_926, %get3A_927] {strides = array<i32>} : memref<256x128xf32, #tpu.memory_space<vmem>>, vector<16xf32>,
      %mul3A_929 = arith.mulf %get3A_923, %get3A_928 : vector<16xf32>
      %add3A_930 = arith.addf %mul3A_918, %mul3A_929 : vector<16xf32>
      %add3A_931 = arith.constant 32 : i32
      %add3A_932 = arith.addi %squeeze3A_909, %add3A_931 : i32
      %get3A_933 = arith.index_cast %add3A_907 : i32 to index
      %get3A_934 = arith.index_cast %add3A_932 : i32 to index
      %get3A_935 = tpu.vector_load %arg11[%get3A_933, %get3A_934] {strides = array<i32>} : memref<256x128xf32, #tpu.memory_space<vmem>>, vector<16xf32>,
      %add3A_936 = arith.constant 32 : i32
      %add3A_937 = arith.addi %squeeze3A_911, %add3A_936 : i32
      %get3A_938 = arith.index_cast %add3A_907 : i32 to index
      %get3A_939 = arith.index_cast %add3A_937 : i32 to index
      %get3A_940 = tpu.vector_load %arg12[%get3A_938, %get3A_939] {strides = array<i32>} : memref<256x128xf32, #tpu.memory_space<vmem>>, vector<16xf32>,
      %mul3A_941 = arith.mulf %get3A_935, %get3A_940 : vector<16xf32>
      %add3A_942 = arith.addf %add3A_930, %mul3A_941 : vector<16xf32>
      %add3A_943 = arith.constant 48 : i32
      %add3A_944 = arith.addi %squeeze3A_909, %add3A_943 : i32
      %get3A_945 = arith.index_cast %add3A_907 : i32 to index
      %get3A_946 = arith.index_cast %add3A_944 : i32 to index
      %get3A_947 = tpu.vector_load %arg11[%get3A_945, %get3A_946] {strides = array<i32>} : memref<256x128xf32, #tpu.memory_space<vmem>>, vector<16xf32>,
      %add3A_948 = arith.constant 48 : i32
      %add3A_949 = arith.addi %squeeze3A_911, %add3A_948 : i32
      %get3A_950 = arith.index_cast %add3A_907 : i32 to index
      %get3A_951 = arith.index_cast %add3A_949 : i32 to index
      %get3A_952 = tpu.vector_load %arg12[%get3A_950, %get3A_951] {strides = array<i32>} : memref<256x128xf32, #tpu.memory_space<vmem>>, vector<16xf32>,
      %mul3A_953 = arith.mulf %get3A_947, %get3A_952 : vector<16xf32>
      %add3A_954 = arith.addf %add3A_942, %mul3A_953 : vector<16xf32>
      %swap3A_955 = arith.constant 14 : i32
      %swap3A_956 = arith.index_cast %swap3A_955 : i32 to index
      %swap3A_957 = arith.constant 0 : index
      %swap3A_958 = tpu.vector_load %arg13[%swap3A_956, %swap3A_957] {strides = array<i32>} : memref<16x16xf32, #tpu.memory_space<vmem>>, vector<16xf32>,
      tpu.vector_store %arg13[%swap3A_956, %swap3A_957], %add3A_954 {strides = array<i32>} : memref<16x16xf32, #tpu.memory_space<vmem>>, vector<16xf32>,
      %add3A_959 = arith.constant 15 : i32
      %add3A_960 = arith.addi %mul3A_148, %add3A_959 : i32
      %slice3A_961 = vector.extract_strided_slice %mul3A_156 {offsets = [15], sizes = [1], strides = [1]} : vector<16xi32> to vector<1xi32>
      %squeeze3A_962 = vector.extract %slice3A_961[0] : i32 from vector<1xi32>
      %slice3A_963 = vector.extract_strided_slice %mul3A_166 {offsets = [15], sizes = [1], strides = [1]} : vector<16xi32> to vector<1xi32>
      %squeeze3A_964 = vector.extract %slice3A_963[0] : i32 from vector<1xi32>
      %get3A_965 = arith.index_cast %add3A_960 : i32 to index
      %get3A_966 = arith.index_cast %squeeze3A_962 : i32 to index
      %get3A_967 = tpu.vector_load %arg11[%get3A_965, %get3A_966] {strides = array<i32>} : memref<256x128xf32, #tpu.memory_space<vmem>>, vector<16xf32>,
      %get3A_968 = arith.index_cast %add3A_960 : i32 to index
      %get3A_969 = arith.index_cast %squeeze3A_964 : i32 to index
      %get3A_970 = tpu.vector_load %arg12[%get3A_968, %get3A_969] {strides = array<i32>} : memref<256x128xf32, #tpu.memory_space<vmem>>, vector<16xf32>,
      %mul3A_971 = arith.mulf %get3A_967, %get3A_970 : vector<16xf32>
      %add3A_972 = arith.constant 16 : i32
      %add3A_973 = arith.addi %squeeze3A_962, %add3A_972 : i32
      %get3A_974 = arith.index_cast %add3A_960 : i32 to index
      %get3A_975 = arith.index_cast %add3A_973 : i32 to index
      %get3A_976 = tpu.vector_load %arg11[%get3A_974, %get3A_975] {strides = array<i32>} : memref<256x128xf32, #tpu.memory_space<vmem>>, vector<16xf32>,
      %add3A_977 = arith.constant 16 : i32
      %add3A_978 = arith.addi %squeeze3A_964, %add3A_977 : i32
      %get3A_979 = arith.index_cast %add3A_960 : i32 to index
      %get3A_980 = arith.index_cast %add3A_978 : i32 to index
      %get3A_981 = tpu.vector_load %arg12[%get3A_979, %get3A_980] {strides = array<i32>} : memref<256x128xf32, #tpu.memory_space<vmem>>, vector<16xf32>,
      %mul3A_982 = arith.mulf %get3A_976, %get3A_981 : vector<16xf32>
      %add3A_983 = arith.addf %mul3A_971, %mul3A_982 : vector<16xf32>
      %add3A_984 = arith.constant 32 : i32
      %add3A_985 = arith.addi %squeeze3A_962, %add3A_984 : i32
      %get3A_986 = arith.index_cast %add3A_960 : i32 to index
      %get3A_987 = arith.index_cast %add3A_985 : i32 to index
      %get3A_988 = tpu.vector_load %arg11[%get3A_986, %get3A_987] {strides = array<i32>} : memref<256x128xf32, #tpu.memory_space<vmem>>, vector<16xf32>,
      %add3A_989 = arith.constant 32 : i32
      %add3A_990 = arith.addi %squeeze3A_964, %add3A_989 : i32
      %get3A_991 = arith.index_cast %add3A_960 : i32 to index
      %get3A_992 = arith.index_cast %add3A_990 : i32 to index
      %get3A_993 = tpu.vector_load %arg12[%get3A_991, %get3A_992] {strides = array<i32>} : memref<256x128xf32, #tpu.memory_space<vmem>>, vector<16xf32>,
      %mul3A_994 = arith.mulf %get3A_988, %get3A_993 : vector<16xf32>
      %add3A_995 = arith.addf %add3A_983, %mul3A_994 : vector<16xf32>
      %add3A_996 = arith.constant 48 : i32
      %add3A_997 = arith.addi %squeeze3A_962, %add3A_996 : i32
      %get3A_998 = arith.index_cast %add3A_960 : i32 to index
      %get3A_999 = arith.index_cast %add3A_997 : i32 to index
      %get3A_1000 = tpu.vector_load %arg11[%get3A_998, %get3A_999] {strides = array<i32>} : memref<256x128xf32, #tpu.memory_space<vmem>>, vector<16xf32>,
      %add3A_1001 = arith.constant 48 : i32
      %add3A_1002 = arith.addi %squeeze3A_964, %add3A_1001 : i32
      %get3A_1003 = arith.index_cast %add3A_960 : i32 to index
      %get3A_1004 = arith.index_cast %add3A_1002 : i32 to index
      %get3A_1005 = tpu.vector_load %arg12[%get3A_1003, %get3A_1004] {strides = array<i32>} : memref<256x128xf32, #tpu.memory_space<vmem>>, vector<16xf32>,
      %mul3A_1006 = arith.mulf %get3A_1000, %get3A_1005 : vector<16xf32>
      %add3A_1007 = arith.addf %add3A_995, %mul3A_1006 : vector<16xf32>
      %swap3A_1008 = arith.constant 15 : i32
      %swap3A_1009 = arith.index_cast %swap3A_1008 : i32 to index
      %swap3A_1010 = arith.constant 0 : index
      %swap3A_1011 = tpu.vector_load %arg13[%swap3A_1009, %swap3A_1010] {strides = array<i32>} : memref<16x16xf32, #tpu.memory_space<vmem>>, vector<16xf32>,
      tpu.vector_store %arg13[%swap3A_1009, %swap3A_1010], %add3A_1007 {strides = array<i32>} : memref<16x16xf32, #tpu.memory_space<vmem>>, vector<16xf32>,
      %mul3A_1012 = arith.constant 0 : i32
      %mul3A_1013 = vector.broadcast %mul3A_1012 : i32 to vector<16xi32>
      %mul3A_1014 = arith.muli %iota3A, %mul3A_1013 : vector<16xi32>
      %gather3A = tpu.vector_load_idx %arg13[%iota3A, %mul3A_1014] : memref<16x16xf32, #tpu.memory_space<vmem>>[vector<16xi32>, vector<16xi32>], vector<16xf32>,
      %broadcast_in_dim3A = arith.constant 1 : i32
      %broadcast_in_dim3A_1015 = vector.broadcast %broadcast_in_dim3A : i32 to vector<16xi32>
      %gather3A_1016 = tpu.vector_load_idx %arg13[%iota3A, %broadcast_in_dim3A_1015] : memref<16x16xf32, #tpu.memory_space<vmem>>[vector<16xi32>, vector<16xi32>], vector<16xf32>,
      %add3A_1017 = arith.addf %gather3A, %gather3A_1016 : vector<16xf32>
      %broadcast_in_dim3A_1018 = arith.constant 2 : i32
      %broadcast_in_dim3A_1019 = vector.broadcast %broadcast_in_dim3A_1018 : i32 to vector<16xi32>
      %gather3A_1020 = tpu.vector_load_idx %arg13[%iota3A, %broadcast_in_dim3A_1019] : memref<16x16xf32, #tpu.memory_space<vmem>>[vector<16xi32>, vector<16xi32>], vector<16xf32>,
      %add3A_1021 = arith.addf %add3A_1017, %gather3A_1020 : vector<16xf32>
      %broadcast_in_dim3A_1022 = arith.constant 3 : i32
      %broadcast_in_dim3A_1023 = vector.broadcast %broadcast_in_dim3A_1022 : i32 to vector<16xi32>
      %gather3A_1024 = tpu.vector_load_idx %arg13[%iota3A, %broadcast_in_dim3A_1023] : memref<16x16xf32, #tpu.memory_space<vmem>>[vector<16xi32>, vector<16xi32>], vector<16xf32>,
      %add3A_1025 = arith.addf %add3A_1021, %gather3A_1024 : vector<16xf32>
      %broadcast_in_dim3A_1026 = arith.constant 4 : i32
      %broadcast_in_dim3A_1027 = vector.broadcast %broadcast_in_dim3A_1026 : i32 to vector<16xi32>
      %gather3A_1028 = tpu.vector_load_idx %arg13[%iota3A, %broadcast_in_dim3A_1027] : memref<16x16xf32, #tpu.memory_space<vmem>>[vector<16xi32>, vector<16xi32>], vector<16xf32>,
      %add3A_1029 = arith.addf %add3A_1025, %gather3A_1028 : vector<16xf32>
      %broadcast_in_dim3A_1030 = arith.constant 5 : i32
      %broadcast_in_dim3A_1031 = vector.broadcast %broadcast_in_dim3A_1030 : i32 to vector<16xi32>
      %gather3A_1032 = tpu.vector_load_idx %arg13[%iota3A, %broadcast_in_dim3A_1031] : memref<16x16xf32, #tpu.memory_space<vmem>>[vector<16xi32>, vector<16xi32>], vector<16xf32>,
      %add3A_1033 = arith.addf %add3A_1029, %gather3A_1032 : vector<16xf32>
      %broadcast_in_dim3A_1034 = arith.constant 6 : i32
      %broadcast_in_dim3A_1035 = vector.broadcast %broadcast_in_dim3A_1034 : i32 to vector<16xi32>
      %gather3A_1036 = tpu.vector_load_idx %arg13[%iota3A, %broadcast_in_dim3A_1035] : memref<16x16xf32, #tpu.memory_space<vmem>>[vector<16xi32>, vector<16xi32>], vector<16xf32>,
      %add3A_1037 = arith.addf %add3A_1033, %gather3A_1036 : vector<16xf32>
      %broadcast_in_dim3A_1038 = arith.constant 7 : i32
      %broadcast_in_dim3A_1039 = vector.broadcast %broadcast_in_dim3A_1038 : i32 to vector<16xi32>
      %gather3A_1040 = tpu.vector_load_idx %arg13[%iota3A, %broadcast_in_dim3A_1039] : memref<16x16xf32, #tpu.memory_space<vmem>>[vector<16xi32>, vector<16xi32>], vector<16xf32>,
      %add3A_1041 = arith.addf %add3A_1037, %gather3A_1040 : vector<16xf32>
      %broadcast_in_dim3A_1042 = arith.constant 8 : i32
      %broadcast_in_dim3A_1043 = vector.broadcast %broadcast_in_dim3A_1042 : i32 to vector<16xi32>
      %gather3A_1044 = tpu.vector_load_idx %arg13[%iota3A, %broadcast_in_dim3A_1043] : memref<16x16xf32, #tpu.memory_space<vmem>>[vector<16xi32>, vector<16xi32>], vector<16xf32>,
      %add3A_1045 = arith.addf %add3A_1041, %gather3A_1044 : vector<16xf32>
      %broadcast_in_dim3A_1046 = arith.constant 9 : i32
      %broadcast_in_dim3A_1047 = vector.broadcast %broadcast_in_dim3A_1046 : i32 to vector<16xi32>
      %gather3A_1048 = tpu.vector_load_idx %arg13[%iota3A, %broadcast_in_dim3A_1047] : memref<16x16xf32, #tpu.memory_space<vmem>>[vector<16xi32>, vector<16xi32>], vector<16xf32>,
      %add3A_1049 = arith.addf %add3A_1045, %gather3A_1048 : vector<16xf32>
      %broadcast_in_dim3A_1050 = arith.constant 10 : i32
      %broadcast_in_dim3A_1051 = vector.broadcast %broadcast_in_dim3A_1050 : i32 to vector<16xi32>
      %gather3A_1052 = tpu.vector_load_idx %arg13[%iota3A, %broadcast_in_dim3A_1051] : memref<16x16xf32, #tpu.memory_space<vmem>>[vector<16xi32>, vector<16xi32>], vector<16xf32>,
      %add3A_1053 = arith.addf %add3A_1049, %gather3A_1052 : vector<16xf32>
      %broadcast_in_dim3A_1054 = arith.constant 11 : i32
      %broadcast_in_dim3A_1055 = vector.broadcast %broadcast_in_dim3A_1054 : i32 to vector<16xi32>
      %gather3A_1056 = tpu.vector_load_idx %arg13[%iota3A, %broadcast_in_dim3A_1055] : memref<16x16xf32, #tpu.memory_space<vmem>>[vector<16xi32>, vector<16xi32>], vector<16xf32>,
      %add3A_1057 = arith.addf %add3A_1053, %gather3A_1056 : vector<16xf32>
      %broadcast_in_dim3A_1058 = arith.constant 12 : i32
      %broadcast_in_dim3A_1059 = vector.broadcast %broadcast_in_dim3A_1058 : i32 to vector<16xi32>
      %gather3A_1060 = tpu.vector_load_idx %arg13[%iota3A, %broadcast_in_dim3A_1059] : memref<16x16xf32, #tpu.memory_space<vmem>>[vector<16xi32>, vector<16xi32>], vector<16xf32>,
      %add3A_1061 = arith.addf %add3A_1057, %gather3A_1060 : vector<16xf32>
      %broadcast_in_dim3A_1062 = arith.constant 13 : i32
      %broadcast_in_dim3A_1063 = vector.broadcast %broadcast_in_dim3A_1062 : i32 to vector<16xi32>
      %gather3A_1064 = tpu.vector_load_idx %arg13[%iota3A, %broadcast_in_dim3A_1063] : memref<16x16xf32, #tpu.memory_space<vmem>>[vector<16xi32>, vector<16xi32>], vector<16xf32>,
      %add3A_1065 = arith.addf %add3A_1061, %gather3A_1064 : vector<16xf32>
      %broadcast_in_dim3A_1066 = arith.constant 14 : i32
      %broadcast_in_dim3A_1067 = vector.broadcast %broadcast_in_dim3A_1066 : i32 to vector<16xi32>
      %gather3A_1068 = tpu.vector_load_idx %arg13[%iota3A, %broadcast_in_dim3A_1067] : memref<16x16xf32, #tpu.memory_space<vmem>>[vector<16xi32>, vector<16xi32>], vector<16xf32>,
      %add3A_1069 = arith.addf %add3A_1065, %gather3A_1068 : vector<16xf32>
      %broadcast_in_dim3A_1070 = arith.constant 15 : i32
      %broadcast_in_dim3A_1071 = vector.broadcast %broadcast_in_dim3A_1070 : i32 to vector<16xi32>
      %gather3A_1072 = tpu.vector_load_idx %arg13[%iota3A, %broadcast_in_dim3A_1071] : memref<16x16xf32, #tpu.memory_space<vmem>>[vector<16xi32>, vector<16xi32>], vector<16xf32>,
      %add3A_1073 = arith.addf %add3A_1069, %gather3A_1072 : vector<16xf32>
      %add3A_1074 = arith.constant 0 : i32
      %add3A_1075 = arith.addi %add3A_1074, %mul3A_148 : i32
      %swap3A_1076 = arith.index_cast %add3A_1075 : i32 to index
      %swap3A_1077 = tpu.vector_load %arg14[%swap3A_1076] {strides = array<i32>} : memref<512xf32, #tpu.memory_space<vmem>>, vector<16xf32>,
      tpu.vector_store %arg14[%swap3A_1076], %add3A_1073 {strides = array<i32>} : memref<512xf32, #tpu.memory_space<vmem>>, vector<16xf32>,
    }
    %scan3A_75 = arith.constant 16 : i32
    %dma_start3A_76 = arith.constant 0 : i32
    %dma_start3A_77 = arith.constant 0 : i32
    %dma_start3A_78 = tpu.memref_slice %arg11[%dma_start3A_76, %dma_start3A_77] : memref<256x128xf32, #tpu.memory_space<vmem>> -> memref<128x128xf32, #tpu.memory_space<vmem>>
    %dma_start3A_79 = arith.constant 256 : i32
    %dma_start3A_80 = tpu.memref_slice %arg9[%dma_start3A_79] : memref<512xi32, #tpu.memory_space<vmem>> -> memref<128xi32, #tpu.memory_space<vmem>>
    %dma_start3A_81 = arith.constant 0 : i32
    %dma_start3A_82 = arith.constant 0 : i32
    %dma_start3A_83 = tpu.memref_slice %arg4[%dma_start3A_81, %dma_start3A_82] : memref<500000x128xf32, #tpu.memory_space<hbm>> -> memref<500000x128xf32, #tpu.memory_space<hbm>>
    tpu.enqueue_indirect_dma source(%dma_start3A_83 : memref<500000x128xf32, #tpu.memory_space<hbm>>) target(%dma_start3A_78 : memref<128x128xf32, #tpu.memory_space<vmem>>) offsets(%dma_start3A_80 : memref<128xi32, #tpu.memory_space<vmem>>) semaphore(%arg15 : memref<!tpu.dma_semaphore, #tpu.memory_space<semaphore_mem>>)
    %dma_start3A_84 = arith.constant 0 : i32
    %dma_start3A_85 = arith.constant 0 : i32
    %dma_start3A_86 = tpu.memref_slice %arg12[%dma_start3A_84, %dma_start3A_85] : memref<256x128xf32, #tpu.memory_space<vmem>> -> memref<128x128xf32, #tpu.memory_space<vmem>>
    %dma_start3A_87 = arith.constant 256 : i32
    %dma_start3A_88 = tpu.memref_slice %arg10[%dma_start3A_87] : memref<512xi32, #tpu.memory_space<vmem>> -> memref<128xi32, #tpu.memory_space<vmem>>
    %dma_start3A_89 = arith.constant 0 : i32
    %dma_start3A_90 = arith.constant 0 : i32
    %dma_start3A_91 = tpu.memref_slice %arg5[%dma_start3A_89, %dma_start3A_90] : memref<500000x128xf32, #tpu.memory_space<hbm>> -> memref<500000x128xf32, #tpu.memory_space<hbm>>
    tpu.enqueue_indirect_dma source(%dma_start3A_91 : memref<500000x128xf32, #tpu.memory_space<hbm>>) target(%dma_start3A_86 : memref<128x128xf32, #tpu.memory_space<vmem>>) offsets(%dma_start3A_88 : memref<128xi32, #tpu.memory_space<vmem>>) semaphore(%arg15 : memref<!tpu.dma_semaphore, #tpu.memory_space<semaphore_mem>>)
    %dma_start3A_92 = arith.constant 128 : i32
    %dma_start3A_93 = arith.constant 0 : i32
    %dma_start3A_94 = tpu.memref_slice %arg11[%dma_start3A_92, %dma_start3A_93] : memref<256x128xf32, #tpu.memory_space<vmem>> -> memref<128x128xf32, #tpu.memory_space<vmem>>
    %dma_start3A_95 = arith.constant 384 : i32
    %dma_start3A_96 = tpu.memref_slice %arg9[%dma_start3A_95] : memref<512xi32, #tpu.memory_space<vmem>> -> memref<128xi32, #tpu.memory_space<vmem>>
    %dma_start3A_97 = arith.constant 0 : i32
    %dma_start3A_98 = arith.constant 0 : i32
    %dma_start3A_99 = tpu.memref_slice %arg4[%dma_start3A_97, %dma_start3A_98] : memref<500000x128xf32, #tpu.memory_space<hbm>> -> memref<500000x128xf32, #tpu.memory_space<hbm>>
    tpu.enqueue_indirect_dma source(%dma_start3A_99 : memref<500000x128xf32, #tpu.memory_space<hbm>>) target(%dma_start3A_94 : memref<128x128xf32, #tpu.memory_space<vmem>>) offsets(%dma_start3A_96 : memref<128xi32, #tpu.memory_space<vmem>>) semaphore(%arg15 : memref<!tpu.dma_semaphore, #tpu.memory_space<semaphore_mem>>)
    %dma_start3A_100 = arith.constant 128 : i32
    %dma_start3A_101 = arith.constant 0 : i32
    %dma_start3A_102 = tpu.memref_slice %arg12[%dma_start3A_100, %dma_start3A_101] : memref<256x128xf32, #tpu.memory_space<vmem>> -> memref<128x128xf32, #tpu.memory_space<vmem>>
    %dma_start3A_103 = arith.constant 384 : i32
    %dma_start3A_104 = tpu.memref_slice %arg10[%dma_start3A_103] : memref<512xi32, #tpu.memory_space<vmem>> -> memref<128xi32, #tpu.memory_space<vmem>>
    %dma_start3A_105 = arith.constant 0 : i32
    %dma_start3A_106 = arith.constant 0 : i32
    %dma_start3A_107 = tpu.memref_slice %arg5[%dma_start3A_105, %dma_start3A_106] : memref<500000x128xf32, #tpu.memory_space<hbm>> -> memref<500000x128xf32, #tpu.memory_space<hbm>>
    tpu.enqueue_indirect_dma source(%dma_start3A_107 : memref<500000x128xf32, #tpu.memory_space<hbm>>) target(%dma_start3A_102 : memref<128x128xf32, #tpu.memory_space<vmem>>) offsets(%dma_start3A_104 : memref<128xi32, #tpu.memory_space<vmem>>) semaphore(%arg15 : memref<!tpu.dma_semaphore, #tpu.memory_space<semaphore_mem>>)
    %dma_wait3A_108 = arith.constant 0 : i32
    %dma_wait3A_109 = arith.constant 0 : i32
    %dma_wait3A_110 = tpu.memref_slice %arg11[%dma_wait3A_108, %dma_wait3A_109] : memref<256x128xf32, #tpu.memory_space<vmem>> -> memref<128x128xf32, #tpu.memory_space<vmem>>
    %dma_wait3A_111 = arith.constant 256 : i32
    %dma_wait3A_112 = tpu.memref_slice %arg9[%dma_wait3A_111] : memref<512xi32, #tpu.memory_space<vmem>> -> memref<128xi32, #tpu.memory_space<vmem>>
    %dma_wait3A_113 = arith.constant 0 : i32
    %dma_wait3A_114 = arith.constant 0 : i32
    %dma_wait3A_115 = tpu.memref_slice %arg4[%dma_wait3A_113, %dma_wait3A_114] : memref<500000x128xf32, #tpu.memory_space<hbm>> -> memref<500000x128xf32, #tpu.memory_space<hbm>>
    tpu.wait_indirect_dma semaphore(%arg15 : memref<!tpu.dma_semaphore, #tpu.memory_space<semaphore_mem>>) src(%dma_wait3A_115 : memref<500000x128xf32, #tpu.memory_space<hbm>>) dst(%dma_wait3A_110 : memref<128x128xf32, #tpu.memory_space<vmem>>)
    %dma_wait3A_116 = arith.constant 0 : i32
    %dma_wait3A_117 = arith.constant 0 : i32
    %dma_wait3A_118 = tpu.memref_slice %arg12[%dma_wait3A_116, %dma_wait3A_117] : memref<256x128xf32, #tpu.memory_space<vmem>> -> memref<128x128xf32, #tpu.memory_space<vmem>>
    %dma_wait3A_119 = arith.constant 256 : i32
    %dma_wait3A_120 = tpu.memref_slice %arg10[%dma_wait3A_119] : memref<512xi32, #tpu.memory_space<vmem>> -> memref<128xi32, #tpu.memory_space<vmem>>
    %dma_wait3A_121 = arith.constant 0 : i32
    %dma_wait3A_122 = arith.constant 0 : i32
    %dma_wait3A_123 = tpu.memref_slice %arg5[%dma_wait3A_121, %dma_wait3A_122] : memref<500000x128xf32, #tpu.memory_space<hbm>> -> memref<500000x128xf32, #tpu.memory_space<hbm>>
    tpu.wait_indirect_dma semaphore(%arg15 : memref<!tpu.dma_semaphore, #tpu.memory_space<semaphore_mem>>) src(%dma_wait3A_123 : memref<500000x128xf32, #tpu.memory_space<hbm>>) dst(%dma_wait3A_118 : memref<128x128xf32, #tpu.memory_space<vmem>>)
    %dma_wait3A_124 = arith.constant 128 : i32
    %dma_wait3A_125 = arith.constant 0 : i32
    %dma_wait3A_126 = tpu.memref_slice %arg11[%dma_wait3A_124, %dma_wait3A_125] : memref<256x128xf32, #tpu.memory_space<vmem>> -> memref<128x128xf32, #tpu.memory_space<vmem>>
    %dma_wait3A_127 = arith.constant 384 : i32
    %dma_wait3A_128 = tpu.memref_slice %arg9[%dma_wait3A_127] : memref<512xi32, #tpu.memory_space<vmem>> -> memref<128xi32, #tpu.memory_space<vmem>>
    %dma_wait3A_129 = arith.constant 0 : i32
    %dma_wait3A_130 = arith.constant 0 : i32
    %dma_wait3A_131 = tpu.memref_slice %arg4[%dma_wait3A_129, %dma_wait3A_130] : memref<500000x128xf32, #tpu.memory_space<hbm>> -> memref<500000x128xf32, #tpu.memory_space<hbm>>
    tpu.wait_indirect_dma semaphore(%arg15 : memref<!tpu.dma_semaphore, #tpu.memory_space<semaphore_mem>>) src(%dma_wait3A_131 : memref<500000x128xf32, #tpu.memory_space<hbm>>) dst(%dma_wait3A_126 : memref<128x128xf32, #tpu.memory_space<vmem>>)
    %dma_wait3A_132 = arith.constant 128 : i32
    %dma_wait3A_133 = arith.constant 0 : i32
    %dma_wait3A_134 = tpu.memref_slice %arg12[%dma_wait3A_132, %dma_wait3A_133] : memref<256x128xf32, #tpu.memory_space<vmem>> -> memref<128x128xf32, #tpu.memory_space<vmem>>
    %dma_wait3A_135 = arith.constant 384 : i32
    %dma_wait3A_136 = tpu.memref_slice %arg10[%dma_wait3A_135] : memref<512xi32, #tpu.memory_space<vmem>> -> memref<128xi32, #tpu.memory_space<vmem>>
    %dma_wait3A_137 = arith.constant 0 : i32
    %dma_wait3A_138 = arith.constant 0 : i32
    %dma_wait3A_139 = tpu.memref_slice %arg5[%dma_wait3A_137, %dma_wait3A_138] : memref<500000x128xf32, #tpu.memory_space<hbm>> -> memref<500000x128xf32, #tpu.memory_space<hbm>>
    tpu.wait_indirect_dma semaphore(%arg15 : memref<!tpu.dma_semaphore, #tpu.memory_space<semaphore_mem>>) src(%dma_wait3A_139 : memref<500000x128xf32, #tpu.memory_space<hbm>>) dst(%dma_wait3A_134 : memref<128x128xf32, #tpu.memory_space<vmem>>)
    %scan3A_140 = arith.constant 0 : i32
    %scan3A_141 = arith.constant 0 : i32
    %scan3A_142 = arith.constant 16 : i32
    %scan3A_143 = arith.addi %scan3A_141, %scan3A_142 : i32
    %scan3A_144 = arith.constant 1 : i32
    scf.for %scan3A_146 = %scan3A_141 to %scan3A_143 step %scan3A_144  : i32 {
      %mul3A_147 = arith.constant 16 : i32
      %mul3A_148 = arith.muli %scan3A_146, %mul3A_147 : i32
      %add3A_149 = arith.constant 256 : i32
      %add3A_150 = arith.addi %add3A_149, %mul3A_148 : i32
      %get3A = arith.index_cast %add3A_150 : i32 to index
      %get3A_151 = tpu.vector_load %arg7[%get3A] {strides = array<i32>} : memref<512xi32, #tpu.memory_space<vmem>>, vector<16xi32>,
      %and3A = arith.constant 1 : i32
      %and3A_152 = vector.broadcast %and3A : i32 to vector<16xi32>
      %and3A_153 = arith.andi %get3A_151, %and3A_152 : vector<16xi32>
      %mul3A_154 = arith.constant 64 : i32
      %mul3A_155 = vector.broadcast %mul3A_154 : i32 to vector<16xi32>
      %mul3A_156 = arith.muli %and3A_153, %mul3A_155 : vector<16xi32>
      %add3A_157 = arith.constant 256 : i32
      %add3A_158 = arith.addi %add3A_157, %mul3A_148 : i32
      %get3A_159 = arith.index_cast %add3A_158 : i32 to index
      %get3A_160 = tpu.vector_load %arg8[%get3A_159] {strides = array<i32>} : memref<512xi32, #tpu.memory_space<vmem>>, vector<16xi32>,
      %and3A_161 = arith.constant 1 : i32
      %and3A_162 = vector.broadcast %and3A_161 : i32 to vector<16xi32>
      %and3A_163 = arith.andi %get3A_160, %and3A_162 : vector<16xi32>
      %mul3A_164 = arith.constant 64 : i32
      %mul3A_165 = vector.broadcast %mul3A_164 : i32 to vector<16xi32>
      %mul3A_166 = arith.muli %and3A_163, %mul3A_165 : vector<16xi32>
      %add3A_167 = arith.constant 0 : i32
      %add3A_168 = arith.addi %mul3A_148, %add3A_167 : i32
      %slice3A = vector.extract_strided_slice %mul3A_156 {offsets = [0], sizes = [1], strides = [1]} : vector<16xi32> to vector<1xi32>
      %squeeze3A = vector.extract %slice3A[0] : i32 from vector<1xi32>
      %slice3A_169 = vector.extract_strided_slice %mul3A_166 {offsets = [0], sizes = [1], strides = [1]} : vector<16xi32> to vector<1xi32>
      %squeeze3A_170 = vector.extract %slice3A_169[0] : i32 from vector<1xi32>
      %get3A_171 = arith.index_cast %add3A_168 : i32 to index
      %get3A_172 = arith.index_cast %squeeze3A : i32 to index
      %get3A_173 = tpu.vector_load %arg11[%get3A_171, %get3A_172] {strides = array<i32>} : memref<256x128xf32, #tpu.memory_space<vmem>>, vector<16xf32>,
      %get3A_174 = arith.index_cast %add3A_168 : i32 to index
      %get3A_175 = arith.index_cast %squeeze3A_170 : i32 to index
      %get3A_176 = tpu.vector_load %arg12[%get3A_174, %get3A_175] {strides = array<i32>} : memref<256x128xf32, #tpu.memory_space<vmem>>, vector<16xf32>,
      %mul3A_177 = arith.mulf %get3A_173, %get3A_176 : vector<16xf32>
      %add3A_178 = arith.constant 16 : i32
      %add3A_179 = arith.addi %squeeze3A, %add3A_178 : i32
      %get3A_180 = arith.index_cast %add3A_168 : i32 to index
      %get3A_181 = arith.index_cast %add3A_179 : i32 to index
      %get3A_182 = tpu.vector_load %arg11[%get3A_180, %get3A_181] {strides = array<i32>} : memref<256x128xf32, #tpu.memory_space<vmem>>, vector<16xf32>,
      %add3A_183 = arith.constant 16 : i32
      %add3A_184 = arith.addi %squeeze3A_170, %add3A_183 : i32
      %get3A_185 = arith.index_cast %add3A_168 : i32 to index
      %get3A_186 = arith.index_cast %add3A_184 : i32 to index
      %get3A_187 = tpu.vector_load %arg12[%get3A_185, %get3A_186] {strides = array<i32>} : memref<256x128xf32, #tpu.memory_space<vmem>>, vector<16xf32>,
      %mul3A_188 = arith.mulf %get3A_182, %get3A_187 : vector<16xf32>
      %add3A_189 = arith.addf %mul3A_177, %mul3A_188 : vector<16xf32>
      %add3A_190 = arith.constant 32 : i32
      %add3A_191 = arith.addi %squeeze3A, %add3A_190 : i32
      %get3A_192 = arith.index_cast %add3A_168 : i32 to index
      %get3A_193 = arith.index_cast %add3A_191 : i32 to index
      %get3A_194 = tpu.vector_load %arg11[%get3A_192, %get3A_193] {strides = array<i32>} : memref<256x128xf32, #tpu.memory_space<vmem>>, vector<16xf32>,
      %add3A_195 = arith.constant 32 : i32
      %add3A_196 = arith.addi %squeeze3A_170, %add3A_195 : i32
      %get3A_197 = arith.index_cast %add3A_168 : i32 to index
      %get3A_198 = arith.index_cast %add3A_196 : i32 to index
      %get3A_199 = tpu.vector_load %arg12[%get3A_197, %get3A_198] {strides = array<i32>} : memref<256x128xf32, #tpu.memory_space<vmem>>, vector<16xf32>,
      %mul3A_200 = arith.mulf %get3A_194, %get3A_199 : vector<16xf32>
      %add3A_201 = arith.addf %add3A_189, %mul3A_200 : vector<16xf32>
      %add3A_202 = arith.constant 48 : i32
      %add3A_203 = arith.addi %squeeze3A, %add3A_202 : i32
      %get3A_204 = arith.index_cast %add3A_168 : i32 to index
      %get3A_205 = arith.index_cast %add3A_203 : i32 to index
      %get3A_206 = tpu.vector_load %arg11[%get3A_204, %get3A_205] {strides = array<i32>} : memref<256x128xf32, #tpu.memory_space<vmem>>, vector<16xf32>,
      %add3A_207 = arith.constant 48 : i32
      %add3A_208 = arith.addi %squeeze3A_170, %add3A_207 : i32
      %get3A_209 = arith.index_cast %add3A_168 : i32 to index
      %get3A_210 = arith.index_cast %add3A_208 : i32 to index
      %get3A_211 = tpu.vector_load %arg12[%get3A_209, %get3A_210] {strides = array<i32>} : memref<256x128xf32, #tpu.memory_space<vmem>>, vector<16xf32>,
      %mul3A_212 = arith.mulf %get3A_206, %get3A_211 : vector<16xf32>
      %add3A_213 = arith.addf %add3A_201, %mul3A_212 : vector<16xf32>
      %swap3A = arith.constant 0 : i32
      %swap3A_214 = arith.index_cast %swap3A : i32 to index
      %swap3A_215 = arith.constant 0 : index
      %swap3A_216 = tpu.vector_load %arg13[%swap3A_214, %swap3A_215] {strides = array<i32>} : memref<16x16xf32, #tpu.memory_space<vmem>>, vector<16xf32>,
      tpu.vector_store %arg13[%swap3A_214, %swap3A_215], %add3A_213 {strides = array<i32>} : memref<16x16xf32, #tpu.memory_space<vmem>>, vector<16xf32>,
      %add3A_217 = arith.constant 1 : i32
      %add3A_218 = arith.addi %mul3A_148, %add3A_217 : i32
      %slice3A_219 = vector.extract_strided_slice %mul3A_156 {offsets = [1], sizes = [1], strides = [1]} : vector<16xi32> to vector<1xi32>
      %squeeze3A_220 = vector.extract %slice3A_219[0] : i32 from vector<1xi32>
      %slice3A_221 = vector.extract_strided_slice %mul3A_166 {offsets = [1], sizes = [1], strides = [1]} : vector<16xi32> to vector<1xi32>
      %squeeze3A_222 = vector.extract %slice3A_221[0] : i32 from vector<1xi32>
      %get3A_223 = arith.index_cast %add3A_218 : i32 to index
      %get3A_224 = arith.index_cast %squeeze3A_220 : i32 to index
      %get3A_225 = tpu.vector_load %arg11[%get3A_223, %get3A_224] {strides = array<i32>} : memref<256x128xf32, #tpu.memory_space<vmem>>, vector<16xf32>,
      %get3A_226 = arith.index_cast %add3A_218 : i32 to index
      %get3A_227 = arith.index_cast %squeeze3A_222 : i32 to index
      %get3A_228 = tpu.vector_load %arg12[%get3A_226, %get3A_227] {strides = array<i32>} : memref<256x128xf32, #tpu.memory_space<vmem>>, vector<16xf32>,
      %mul3A_229 = arith.mulf %get3A_225, %get3A_228 : vector<16xf32>
      %add3A_230 = arith.constant 16 : i32
      %add3A_231 = arith.addi %squeeze3A_220, %add3A_230 : i32
      %get3A_232 = arith.index_cast %add3A_218 : i32 to index
      %get3A_233 = arith.index_cast %add3A_231 : i32 to index
      %get3A_234 = tpu.vector_load %arg11[%get3A_232, %get3A_233] {strides = array<i32>} : memref<256x128xf32, #tpu.memory_space<vmem>>, vector<16xf32>,
      %add3A_235 = arith.constant 16 : i32
      %add3A_236 = arith.addi %squeeze3A_222, %add3A_235 : i32
      %get3A_237 = arith.index_cast %add3A_218 : i32 to index
      %get3A_238 = arith.index_cast %add3A_236 : i32 to index
      %get3A_239 = tpu.vector_load %arg12[%get3A_237, %get3A_238] {strides = array<i32>} : memref<256x128xf32, #tpu.memory_space<vmem>>, vector<16xf32>,
      %mul3A_240 = arith.mulf %get3A_234, %get3A_239 : vector<16xf32>
      %add3A_241 = arith.addf %mul3A_229, %mul3A_240 : vector<16xf32>
      %add3A_242 = arith.constant 32 : i32
      %add3A_243 = arith.addi %squeeze3A_220, %add3A_242 : i32
      %get3A_244 = arith.index_cast %add3A_218 : i32 to index
      %get3A_245 = arith.index_cast %add3A_243 : i32 to index
      %get3A_246 = tpu.vector_load %arg11[%get3A_244, %get3A_245] {strides = array<i32>} : memref<256x128xf32, #tpu.memory_space<vmem>>, vector<16xf32>,
      %add3A_247 = arith.constant 32 : i32
      %add3A_248 = arith.addi %squeeze3A_222, %add3A_247 : i32
      %get3A_249 = arith.index_cast %add3A_218 : i32 to index
      %get3A_250 = arith.index_cast %add3A_248 : i32 to index
      %get3A_251 = tpu.vector_load %arg12[%get3A_249, %get3A_250] {strides = array<i32>} : memref<256x128xf32, #tpu.memory_space<vmem>>, vector<16xf32>,
      %mul3A_252 = arith.mulf %get3A_246, %get3A_251 : vector<16xf32>
      %add3A_253 = arith.addf %add3A_241, %mul3A_252 : vector<16xf32>
      %add3A_254 = arith.constant 48 : i32
      %add3A_255 = arith.addi %squeeze3A_220, %add3A_254 : i32
      %get3A_256 = arith.index_cast %add3A_218 : i32 to index
      %get3A_257 = arith.index_cast %add3A_255 : i32 to index
      %get3A_258 = tpu.vector_load %arg11[%get3A_256, %get3A_257] {strides = array<i32>} : memref<256x128xf32, #tpu.memory_space<vmem>>, vector<16xf32>,
      %add3A_259 = arith.constant 48 : i32
      %add3A_260 = arith.addi %squeeze3A_222, %add3A_259 : i32
      %get3A_261 = arith.index_cast %add3A_218 : i32 to index
      %get3A_262 = arith.index_cast %add3A_260 : i32 to index
      %get3A_263 = tpu.vector_load %arg12[%get3A_261, %get3A_262] {strides = array<i32>} : memref<256x128xf32, #tpu.memory_space<vmem>>, vector<16xf32>,
      %mul3A_264 = arith.mulf %get3A_258, %get3A_263 : vector<16xf32>
      %add3A_265 = arith.addf %add3A_253, %mul3A_264 : vector<16xf32>
      %swap3A_266 = arith.constant 1 : i32
      %swap3A_267 = arith.index_cast %swap3A_266 : i32 to index
      %swap3A_268 = arith.constant 0 : index
      %swap3A_269 = tpu.vector_load %arg13[%swap3A_267, %swap3A_268] {strides = array<i32>} : memref<16x16xf32, #tpu.memory_space<vmem>>, vector<16xf32>,
      tpu.vector_store %arg13[%swap3A_267, %swap3A_268], %add3A_265 {strides = array<i32>} : memref<16x16xf32, #tpu.memory_space<vmem>>, vector<16xf32>,
      %add3A_270 = arith.constant 2 : i32
      %add3A_271 = arith.addi %mul3A_148, %add3A_270 : i32
      %slice3A_272 = vector.extract_strided_slice %mul3A_156 {offsets = [2], sizes = [1], strides = [1]} : vector<16xi32> to vector<1xi32>
      %squeeze3A_273 = vector.extract %slice3A_272[0] : i32 from vector<1xi32>
      %slice3A_274 = vector.extract_strided_slice %mul3A_166 {offsets = [2], sizes = [1], strides = [1]} : vector<16xi32> to vector<1xi32>
      %squeeze3A_275 = vector.extract %slice3A_274[0] : i32 from vector<1xi32>
      %get3A_276 = arith.index_cast %add3A_271 : i32 to index
      %get3A_277 = arith.index_cast %squeeze3A_273 : i32 to index
      %get3A_278 = tpu.vector_load %arg11[%get3A_276, %get3A_277] {strides = array<i32>} : memref<256x128xf32, #tpu.memory_space<vmem>>, vector<16xf32>,
      %get3A_279 = arith.index_cast %add3A_271 : i32 to index
      %get3A_280 = arith.index_cast %squeeze3A_275 : i32 to index
      %get3A_281 = tpu.vector_load %arg12[%get3A_279, %get3A_280] {strides = array<i32>} : memref<256x128xf32, #tpu.memory_space<vmem>>, vector<16xf32>,
      %mul3A_282 = arith.mulf %get3A_278, %get3A_281 : vector<16xf32>
      %add3A_283 = arith.constant 16 : i32
      %add3A_284 = arith.addi %squeeze3A_273, %add3A_283 : i32
      %get3A_285 = arith.index_cast %add3A_271 : i32 to index
      %get3A_286 = arith.index_cast %add3A_284 : i32 to index
      %get3A_287 = tpu.vector_load %arg11[%get3A_285, %get3A_286] {strides = array<i32>} : memref<256x128xf32, #tpu.memory_space<vmem>>, vector<16xf32>,
      %add3A_288 = arith.constant 16 : i32
      %add3A_289 = arith.addi %squeeze3A_275, %add3A_288 : i32
      %get3A_290 = arith.index_cast %add3A_271 : i32 to index
      %get3A_291 = arith.index_cast %add3A_289 : i32 to index
      %get3A_292 = tpu.vector_load %arg12[%get3A_290, %get3A_291] {strides = array<i32>} : memref<256x128xf32, #tpu.memory_space<vmem>>, vector<16xf32>,
      %mul3A_293 = arith.mulf %get3A_287, %get3A_292 : vector<16xf32>
      %add3A_294 = arith.addf %mul3A_282, %mul3A_293 : vector<16xf32>
      %add3A_295 = arith.constant 32 : i32
      %add3A_296 = arith.addi %squeeze3A_273, %add3A_295 : i32
      %get3A_297 = arith.index_cast %add3A_271 : i32 to index
      %get3A_298 = arith.index_cast %add3A_296 : i32 to index
      %get3A_299 = tpu.vector_load %arg11[%get3A_297, %get3A_298] {strides = array<i32>} : memref<256x128xf32, #tpu.memory_space<vmem>>, vector<16xf32>,
      %add3A_300 = arith.constant 32 : i32
      %add3A_301 = arith.addi %squeeze3A_275, %add3A_300 : i32
      %get3A_302 = arith.index_cast %add3A_271 : i32 to index
      %get3A_303 = arith.index_cast %add3A_301 : i32 to index
      %get3A_304 = tpu.vector_load %arg12[%get3A_302, %get3A_303] {strides = array<i32>} : memref<256x128xf32, #tpu.memory_space<vmem>>, vector<16xf32>,
      %mul3A_305 = arith.mulf %get3A_299, %get3A_304 : vector<16xf32>
      %add3A_306 = arith.addf %add3A_294, %mul3A_305 : vector<16xf32>
      %add3A_307 = arith.constant 48 : i32
      %add3A_308 = arith.addi %squeeze3A_273, %add3A_307 : i32
      %get3A_309 = arith.index_cast %add3A_271 : i32 to index
      %get3A_310 = arith.index_cast %add3A_308 : i32 to index
      %get3A_311 = tpu.vector_load %arg11[%get3A_309, %get3A_310] {strides = array<i32>} : memref<256x128xf32, #tpu.memory_space<vmem>>, vector<16xf32>,
      %add3A_312 = arith.constant 48 : i32
      %add3A_313 = arith.addi %squeeze3A_275, %add3A_312 : i32
      %get3A_314 = arith.index_cast %add3A_271 : i32 to index
      %get3A_315 = arith.index_cast %add3A_313 : i32 to index
      %get3A_316 = tpu.vector_load %arg12[%get3A_314, %get3A_315] {strides = array<i32>} : memref<256x128xf32, #tpu.memory_space<vmem>>, vector<16xf32>,
      %mul3A_317 = arith.mulf %get3A_311, %get3A_316 : vector<16xf32>
      %add3A_318 = arith.addf %add3A_306, %mul3A_317 : vector<16xf32>
      %swap3A_319 = arith.constant 2 : i32
      %swap3A_320 = arith.index_cast %swap3A_319 : i32 to index
      %swap3A_321 = arith.constant 0 : index
      %swap3A_322 = tpu.vector_load %arg13[%swap3A_320, %swap3A_321] {strides = array<i32>} : memref<16x16xf32, #tpu.memory_space<vmem>>, vector<16xf32>,
      tpu.vector_store %arg13[%swap3A_320, %swap3A_321], %add3A_318 {strides = array<i32>} : memref<16x16xf32, #tpu.memory_space<vmem>>, vector<16xf32>,
      %add3A_323 = arith.constant 3 : i32
      %add3A_324 = arith.addi %mul3A_148, %add3A_323 : i32
      %slice3A_325 = vector.extract_strided_slice %mul3A_156 {offsets = [3], sizes = [1], strides = [1]} : vector<16xi32> to vector<1xi32>
      %squeeze3A_326 = vector.extract %slice3A_325[0] : i32 from vector<1xi32>
      %slice3A_327 = vector.extract_strided_slice %mul3A_166 {offsets = [3], sizes = [1], strides = [1]} : vector<16xi32> to vector<1xi32>
      %squeeze3A_328 = vector.extract %slice3A_327[0] : i32 from vector<1xi32>
      %get3A_329 = arith.index_cast %add3A_324 : i32 to index
      %get3A_330 = arith.index_cast %squeeze3A_326 : i32 to index
      %get3A_331 = tpu.vector_load %arg11[%get3A_329, %get3A_330] {strides = array<i32>} : memref<256x128xf32, #tpu.memory_space<vmem>>, vector<16xf32>,
      %get3A_332 = arith.index_cast %add3A_324 : i32 to index
      %get3A_333 = arith.index_cast %squeeze3A_328 : i32 to index
      %get3A_334 = tpu.vector_load %arg12[%get3A_332, %get3A_333] {strides = array<i32>} : memref<256x128xf32, #tpu.memory_space<vmem>>, vector<16xf32>,
      %mul3A_335 = arith.mulf %get3A_331, %get3A_334 : vector<16xf32>
      %add3A_336 = arith.constant 16 : i32
      %add3A_337 = arith.addi %squeeze3A_326, %add3A_336 : i32
      %get3A_338 = arith.index_cast %add3A_324 : i32 to index
      %get3A_339 = arith.index_cast %add3A_337 : i32 to index
      %get3A_340 = tpu.vector_load %arg11[%get3A_338, %get3A_339] {strides = array<i32>} : memref<256x128xf32, #tpu.memory_space<vmem>>, vector<16xf32>,
      %add3A_341 = arith.constant 16 : i32
      %add3A_342 = arith.addi %squeeze3A_328, %add3A_341 : i32
      %get3A_343 = arith.index_cast %add3A_324 : i32 to index
      %get3A_344 = arith.index_cast %add3A_342 : i32 to index
      %get3A_345 = tpu.vector_load %arg12[%get3A_343, %get3A_344] {strides = array<i32>} : memref<256x128xf32, #tpu.memory_space<vmem>>, vector<16xf32>,
      %mul3A_346 = arith.mulf %get3A_340, %get3A_345 : vector<16xf32>
      %add3A_347 = arith.addf %mul3A_335, %mul3A_346 : vector<16xf32>
      %add3A_348 = arith.constant 32 : i32
      %add3A_349 = arith.addi %squeeze3A_326, %add3A_348 : i32
      %get3A_350 = arith.index_cast %add3A_324 : i32 to index
      %get3A_351 = arith.index_cast %add3A_349 : i32 to index
      %get3A_352 = tpu.vector_load %arg11[%get3A_350, %get3A_351] {strides = array<i32>} : memref<256x128xf32, #tpu.memory_space<vmem>>, vector<16xf32>,
      %add3A_353 = arith.constant 32 : i32
      %add3A_354 = arith.addi %squeeze3A_328, %add3A_353 : i32
      %get3A_355 = arith.index_cast %add3A_324 : i32 to index
      %get3A_356 = arith.index_cast %add3A_354 : i32 to index
      %get3A_357 = tpu.vector_load %arg12[%get3A_355, %get3A_356] {strides = array<i32>} : memref<256x128xf32, #tpu.memory_space<vmem>>, vector<16xf32>,
      %mul3A_358 = arith.mulf %get3A_352, %get3A_357 : vector<16xf32>
      %add3A_359 = arith.addf %add3A_347, %mul3A_358 : vector<16xf32>
      %add3A_360 = arith.constant 48 : i32
      %add3A_361 = arith.addi %squeeze3A_326, %add3A_360 : i32
      %get3A_362 = arith.index_cast %add3A_324 : i32 to index
      %get3A_363 = arith.index_cast %add3A_361 : i32 to index
      %get3A_364 = tpu.vector_load %arg11[%get3A_362, %get3A_363] {strides = array<i32>} : memref<256x128xf32, #tpu.memory_space<vmem>>, vector<16xf32>,
      %add3A_365 = arith.constant 48 : i32
      %add3A_366 = arith.addi %squeeze3A_328, %add3A_365 : i32
      %get3A_367 = arith.index_cast %add3A_324 : i32 to index
      %get3A_368 = arith.index_cast %add3A_366 : i32 to index
      %get3A_369 = tpu.vector_load %arg12[%get3A_367, %get3A_368] {strides = array<i32>} : memref<256x128xf32, #tpu.memory_space<vmem>>, vector<16xf32>,
      %mul3A_370 = arith.mulf %get3A_364, %get3A_369 : vector<16xf32>
      %add3A_371 = arith.addf %add3A_359, %mul3A_370 : vector<16xf32>
      %swap3A_372 = arith.constant 3 : i32
      %swap3A_373 = arith.index_cast %swap3A_372 : i32 to index
      %swap3A_374 = arith.constant 0 : index
      %swap3A_375 = tpu.vector_load %arg13[%swap3A_373, %swap3A_374] {strides = array<i32>} : memref<16x16xf32, #tpu.memory_space<vmem>>, vector<16xf32>,
      tpu.vector_store %arg13[%swap3A_373, %swap3A_374], %add3A_371 {strides = array<i32>} : memref<16x16xf32, #tpu.memory_space<vmem>>, vector<16xf32>,
      %add3A_376 = arith.constant 4 : i32
      %add3A_377 = arith.addi %mul3A_148, %add3A_376 : i32
      %slice3A_378 = vector.extract_strided_slice %mul3A_156 {offsets = [4], sizes = [1], strides = [1]} : vector<16xi32> to vector<1xi32>
      %squeeze3A_379 = vector.extract %slice3A_378[0] : i32 from vector<1xi32>
      %slice3A_380 = vector.extract_strided_slice %mul3A_166 {offsets = [4], sizes = [1], strides = [1]} : vector<16xi32> to vector<1xi32>
      %squeeze3A_381 = vector.extract %slice3A_380[0] : i32 from vector<1xi32>
      %get3A_382 = arith.index_cast %add3A_377 : i32 to index
      %get3A_383 = arith.index_cast %squeeze3A_379 : i32 to index
      %get3A_384 = tpu.vector_load %arg11[%get3A_382, %get3A_383] {strides = array<i32>} : memref<256x128xf32, #tpu.memory_space<vmem>>, vector<16xf32>,
      %get3A_385 = arith.index_cast %add3A_377 : i32 to index
      %get3A_386 = arith.index_cast %squeeze3A_381 : i32 to index
      %get3A_387 = tpu.vector_load %arg12[%get3A_385, %get3A_386] {strides = array<i32>} : memref<256x128xf32, #tpu.memory_space<vmem>>, vector<16xf32>,
      %mul3A_388 = arith.mulf %get3A_384, %get3A_387 : vector<16xf32>
      %add3A_389 = arith.constant 16 : i32
      %add3A_390 = arith.addi %squeeze3A_379, %add3A_389 : i32
      %get3A_391 = arith.index_cast %add3A_377 : i32 to index
      %get3A_392 = arith.index_cast %add3A_390 : i32 to index
      %get3A_393 = tpu.vector_load %arg11[%get3A_391, %get3A_392] {strides = array<i32>} : memref<256x128xf32, #tpu.memory_space<vmem>>, vector<16xf32>,
      %add3A_394 = arith.constant 16 : i32
      %add3A_395 = arith.addi %squeeze3A_381, %add3A_394 : i32
      %get3A_396 = arith.index_cast %add3A_377 : i32 to index
      %get3A_397 = arith.index_cast %add3A_395 : i32 to index
      %get3A_398 = tpu.vector_load %arg12[%get3A_396, %get3A_397] {strides = array<i32>} : memref<256x128xf32, #tpu.memory_space<vmem>>, vector<16xf32>,
      %mul3A_399 = arith.mulf %get3A_393, %get3A_398 : vector<16xf32>
      %add3A_400 = arith.addf %mul3A_388, %mul3A_399 : vector<16xf32>
      %add3A_401 = arith.constant 32 : i32
      %add3A_402 = arith.addi %squeeze3A_379, %add3A_401 : i32
      %get3A_403 = arith.index_cast %add3A_377 : i32 to index
      %get3A_404 = arith.index_cast %add3A_402 : i32 to index
      %get3A_405 = tpu.vector_load %arg11[%get3A_403, %get3A_404] {strides = array<i32>} : memref<256x128xf32, #tpu.memory_space<vmem>>, vector<16xf32>,
      %add3A_406 = arith.constant 32 : i32
      %add3A_407 = arith.addi %squeeze3A_381, %add3A_406 : i32
      %get3A_408 = arith.index_cast %add3A_377 : i32 to index
      %get3A_409 = arith.index_cast %add3A_407 : i32 to index
      %get3A_410 = tpu.vector_load %arg12[%get3A_408, %get3A_409] {strides = array<i32>} : memref<256x128xf32, #tpu.memory_space<vmem>>, vector<16xf32>,
      %mul3A_411 = arith.mulf %get3A_405, %get3A_410 : vector<16xf32>
      %add3A_412 = arith.addf %add3A_400, %mul3A_411 : vector<16xf32>
      %add3A_413 = arith.constant 48 : i32
      %add3A_414 = arith.addi %squeeze3A_379, %add3A_413 : i32
      %get3A_415 = arith.index_cast %add3A_377 : i32 to index
      %get3A_416 = arith.index_cast %add3A_414 : i32 to index
      %get3A_417 = tpu.vector_load %arg11[%get3A_415, %get3A_416] {strides = array<i32>} : memref<256x128xf32, #tpu.memory_space<vmem>>, vector<16xf32>,
      %add3A_418 = arith.constant 48 : i32
      %add3A_419 = arith.addi %squeeze3A_381, %add3A_418 : i32
      %get3A_420 = arith.index_cast %add3A_377 : i32 to index
      %get3A_421 = arith.index_cast %add3A_419 : i32 to index
      %get3A_422 = tpu.vector_load %arg12[%get3A_420, %get3A_421] {strides = array<i32>} : memref<256x128xf32, #tpu.memory_space<vmem>>, vector<16xf32>,
      %mul3A_423 = arith.mulf %get3A_417, %get3A_422 : vector<16xf32>
      %add3A_424 = arith.addf %add3A_412, %mul3A_423 : vector<16xf32>
      %swap3A_425 = arith.constant 4 : i32
      %swap3A_426 = arith.index_cast %swap3A_425 : i32 to index
      %swap3A_427 = arith.constant 0 : index
      %swap3A_428 = tpu.vector_load %arg13[%swap3A_426, %swap3A_427] {strides = array<i32>} : memref<16x16xf32, #tpu.memory_space<vmem>>, vector<16xf32>,
      tpu.vector_store %arg13[%swap3A_426, %swap3A_427], %add3A_424 {strides = array<i32>} : memref<16x16xf32, #tpu.memory_space<vmem>>, vector<16xf32>,
      %add3A_429 = arith.constant 5 : i32
      %add3A_430 = arith.addi %mul3A_148, %add3A_429 : i32
      %slice3A_431 = vector.extract_strided_slice %mul3A_156 {offsets = [5], sizes = [1], strides = [1]} : vector<16xi32> to vector<1xi32>
      %squeeze3A_432 = vector.extract %slice3A_431[0] : i32 from vector<1xi32>
      %slice3A_433 = vector.extract_strided_slice %mul3A_166 {offsets = [5], sizes = [1], strides = [1]} : vector<16xi32> to vector<1xi32>
      %squeeze3A_434 = vector.extract %slice3A_433[0] : i32 from vector<1xi32>
      %get3A_435 = arith.index_cast %add3A_430 : i32 to index
      %get3A_436 = arith.index_cast %squeeze3A_432 : i32 to index
      %get3A_437 = tpu.vector_load %arg11[%get3A_435, %get3A_436] {strides = array<i32>} : memref<256x128xf32, #tpu.memory_space<vmem>>, vector<16xf32>,
      %get3A_438 = arith.index_cast %add3A_430 : i32 to index
      %get3A_439 = arith.index_cast %squeeze3A_434 : i32 to index
      %get3A_440 = tpu.vector_load %arg12[%get3A_438, %get3A_439] {strides = array<i32>} : memref<256x128xf32, #tpu.memory_space<vmem>>, vector<16xf32>,
      %mul3A_441 = arith.mulf %get3A_437, %get3A_440 : vector<16xf32>
      %add3A_442 = arith.constant 16 : i32
      %add3A_443 = arith.addi %squeeze3A_432, %add3A_442 : i32
      %get3A_444 = arith.index_cast %add3A_430 : i32 to index
      %get3A_445 = arith.index_cast %add3A_443 : i32 to index
      %get3A_446 = tpu.vector_load %arg11[%get3A_444, %get3A_445] {strides = array<i32>} : memref<256x128xf32, #tpu.memory_space<vmem>>, vector<16xf32>,
      %add3A_447 = arith.constant 16 : i32
      %add3A_448 = arith.addi %squeeze3A_434, %add3A_447 : i32
      %get3A_449 = arith.index_cast %add3A_430 : i32 to index
      %get3A_450 = arith.index_cast %add3A_448 : i32 to index
      %get3A_451 = tpu.vector_load %arg12[%get3A_449, %get3A_450] {strides = array<i32>} : memref<256x128xf32, #tpu.memory_space<vmem>>, vector<16xf32>,
      %mul3A_452 = arith.mulf %get3A_446, %get3A_451 : vector<16xf32>
      %add3A_453 = arith.addf %mul3A_441, %mul3A_452 : vector<16xf32>
      %add3A_454 = arith.constant 32 : i32
      %add3A_455 = arith.addi %squeeze3A_432, %add3A_454 : i32
      %get3A_456 = arith.index_cast %add3A_430 : i32 to index
      %get3A_457 = arith.index_cast %add3A_455 : i32 to index
      %get3A_458 = tpu.vector_load %arg11[%get3A_456, %get3A_457] {strides = array<i32>} : memref<256x128xf32, #tpu.memory_space<vmem>>, vector<16xf32>,
      %add3A_459 = arith.constant 32 : i32
      %add3A_460 = arith.addi %squeeze3A_434, %add3A_459 : i32
      %get3A_461 = arith.index_cast %add3A_430 : i32 to index
      %get3A_462 = arith.index_cast %add3A_460 : i32 to index
      %get3A_463 = tpu.vector_load %arg12[%get3A_461, %get3A_462] {strides = array<i32>} : memref<256x128xf32, #tpu.memory_space<vmem>>, vector<16xf32>,
      %mul3A_464 = arith.mulf %get3A_458, %get3A_463 : vector<16xf32>
      %add3A_465 = arith.addf %add3A_453, %mul3A_464 : vector<16xf32>
      %add3A_466 = arith.constant 48 : i32
      %add3A_467 = arith.addi %squeeze3A_432, %add3A_466 : i32
      %get3A_468 = arith.index_cast %add3A_430 : i32 to index
      %get3A_469 = arith.index_cast %add3A_467 : i32 to index
      %get3A_470 = tpu.vector_load %arg11[%get3A_468, %get3A_469] {strides = array<i32>} : memref<256x128xf32, #tpu.memory_space<vmem>>, vector<16xf32>,
      %add3A_471 = arith.constant 48 : i32
      %add3A_472 = arith.addi %squeeze3A_434, %add3A_471 : i32
      %get3A_473 = arith.index_cast %add3A_430 : i32 to index
      %get3A_474 = arith.index_cast %add3A_472 : i32 to index
      %get3A_475 = tpu.vector_load %arg12[%get3A_473, %get3A_474] {strides = array<i32>} : memref<256x128xf32, #tpu.memory_space<vmem>>, vector<16xf32>,
      %mul3A_476 = arith.mulf %get3A_470, %get3A_475 : vector<16xf32>
      %add3A_477 = arith.addf %add3A_465, %mul3A_476 : vector<16xf32>
      %swap3A_478 = arith.constant 5 : i32
      %swap3A_479 = arith.index_cast %swap3A_478 : i32 to index
      %swap3A_480 = arith.constant 0 : index
      %swap3A_481 = tpu.vector_load %arg13[%swap3A_479, %swap3A_480] {strides = array<i32>} : memref<16x16xf32, #tpu.memory_space<vmem>>, vector<16xf32>,
      tpu.vector_store %arg13[%swap3A_479, %swap3A_480], %add3A_477 {strides = array<i32>} : memref<16x16xf32, #tpu.memory_space<vmem>>, vector<16xf32>,
      %add3A_482 = arith.constant 6 : i32
      %add3A_483 = arith.addi %mul3A_148, %add3A_482 : i32
      %slice3A_484 = vector.extract_strided_slice %mul3A_156 {offsets = [6], sizes = [1], strides = [1]} : vector<16xi32> to vector<1xi32>
      %squeeze3A_485 = vector.extract %slice3A_484[0] : i32 from vector<1xi32>
      %slice3A_486 = vector.extract_strided_slice %mul3A_166 {offsets = [6], sizes = [1], strides = [1]} : vector<16xi32> to vector<1xi32>
      %squeeze3A_487 = vector.extract %slice3A_486[0] : i32 from vector<1xi32>
      %get3A_488 = arith.index_cast %add3A_483 : i32 to index
      %get3A_489 = arith.index_cast %squeeze3A_485 : i32 to index
      %get3A_490 = tpu.vector_load %arg11[%get3A_488, %get3A_489] {strides = array<i32>} : memref<256x128xf32, #tpu.memory_space<vmem>>, vector<16xf32>,
      %get3A_491 = arith.index_cast %add3A_483 : i32 to index
      %get3A_492 = arith.index_cast %squeeze3A_487 : i32 to index
      %get3A_493 = tpu.vector_load %arg12[%get3A_491, %get3A_492] {strides = array<i32>} : memref<256x128xf32, #tpu.memory_space<vmem>>, vector<16xf32>,
      %mul3A_494 = arith.mulf %get3A_490, %get3A_493 : vector<16xf32>
      %add3A_495 = arith.constant 16 : i32
      %add3A_496 = arith.addi %squeeze3A_485, %add3A_495 : i32
      %get3A_497 = arith.index_cast %add3A_483 : i32 to index
      %get3A_498 = arith.index_cast %add3A_496 : i32 to index
      %get3A_499 = tpu.vector_load %arg11[%get3A_497, %get3A_498] {strides = array<i32>} : memref<256x128xf32, #tpu.memory_space<vmem>>, vector<16xf32>,
      %add3A_500 = arith.constant 16 : i32
      %add3A_501 = arith.addi %squeeze3A_487, %add3A_500 : i32
      %get3A_502 = arith.index_cast %add3A_483 : i32 to index
      %get3A_503 = arith.index_cast %add3A_501 : i32 to index
      %get3A_504 = tpu.vector_load %arg12[%get3A_502, %get3A_503] {strides = array<i32>} : memref<256x128xf32, #tpu.memory_space<vmem>>, vector<16xf32>,
      %mul3A_505 = arith.mulf %get3A_499, %get3A_504 : vector<16xf32>
      %add3A_506 = arith.addf %mul3A_494, %mul3A_505 : vector<16xf32>
      %add3A_507 = arith.constant 32 : i32
      %add3A_508 = arith.addi %squeeze3A_485, %add3A_507 : i32
      %get3A_509 = arith.index_cast %add3A_483 : i32 to index
      %get3A_510 = arith.index_cast %add3A_508 : i32 to index
      %get3A_511 = tpu.vector_load %arg11[%get3A_509, %get3A_510] {strides = array<i32>} : memref<256x128xf32, #tpu.memory_space<vmem>>, vector<16xf32>,
      %add3A_512 = arith.constant 32 : i32
      %add3A_513 = arith.addi %squeeze3A_487, %add3A_512 : i32
      %get3A_514 = arith.index_cast %add3A_483 : i32 to index
      %get3A_515 = arith.index_cast %add3A_513 : i32 to index
      %get3A_516 = tpu.vector_load %arg12[%get3A_514, %get3A_515] {strides = array<i32>} : memref<256x128xf32, #tpu.memory_space<vmem>>, vector<16xf32>,
      %mul3A_517 = arith.mulf %get3A_511, %get3A_516 : vector<16xf32>
      %add3A_518 = arith.addf %add3A_506, %mul3A_517 : vector<16xf32>
      %add3A_519 = arith.constant 48 : i32
      %add3A_520 = arith.addi %squeeze3A_485, %add3A_519 : i32
      %get3A_521 = arith.index_cast %add3A_483 : i32 to index
      %get3A_522 = arith.index_cast %add3A_520 : i32 to index
      %get3A_523 = tpu.vector_load %arg11[%get3A_521, %get3A_522] {strides = array<i32>} : memref<256x128xf32, #tpu.memory_space<vmem>>, vector<16xf32>,
      %add3A_524 = arith.constant 48 : i32
      %add3A_525 = arith.addi %squeeze3A_487, %add3A_524 : i32
      %get3A_526 = arith.index_cast %add3A_483 : i32 to index
      %get3A_527 = arith.index_cast %add3A_525 : i32 to index
      %get3A_528 = tpu.vector_load %arg12[%get3A_526, %get3A_527] {strides = array<i32>} : memref<256x128xf32, #tpu.memory_space<vmem>>, vector<16xf32>,
      %mul3A_529 = arith.mulf %get3A_523, %get3A_528 : vector<16xf32>
      %add3A_530 = arith.addf %add3A_518, %mul3A_529 : vector<16xf32>
      %swap3A_531 = arith.constant 6 : i32
      %swap3A_532 = arith.index_cast %swap3A_531 : i32 to index
      %swap3A_533 = arith.constant 0 : index
      %swap3A_534 = tpu.vector_load %arg13[%swap3A_532, %swap3A_533] {strides = array<i32>} : memref<16x16xf32, #tpu.memory_space<vmem>>, vector<16xf32>,
      tpu.vector_store %arg13[%swap3A_532, %swap3A_533], %add3A_530 {strides = array<i32>} : memref<16x16xf32, #tpu.memory_space<vmem>>, vector<16xf32>,
      %add3A_535 = arith.constant 7 : i32
      %add3A_536 = arith.addi %mul3A_148, %add3A_535 : i32
      %slice3A_537 = vector.extract_strided_slice %mul3A_156 {offsets = [7], sizes = [1], strides = [1]} : vector<16xi32> to vector<1xi32>
      %squeeze3A_538 = vector.extract %slice3A_537[0] : i32 from vector<1xi32>
      %slice3A_539 = vector.extract_strided_slice %mul3A_166 {offsets = [7], sizes = [1], strides = [1]} : vector<16xi32> to vector<1xi32>
      %squeeze3A_540 = vector.extract %slice3A_539[0] : i32 from vector<1xi32>
      %get3A_541 = arith.index_cast %add3A_536 : i32 to index
      %get3A_542 = arith.index_cast %squeeze3A_538 : i32 to index
      %get3A_543 = tpu.vector_load %arg11[%get3A_541, %get3A_542] {strides = array<i32>} : memref<256x128xf32, #tpu.memory_space<vmem>>, vector<16xf32>,
      %get3A_544 = arith.index_cast %add3A_536 : i32 to index
      %get3A_545 = arith.index_cast %squeeze3A_540 : i32 to index
      %get3A_546 = tpu.vector_load %arg12[%get3A_544, %get3A_545] {strides = array<i32>} : memref<256x128xf32, #tpu.memory_space<vmem>>, vector<16xf32>,
      %mul3A_547 = arith.mulf %get3A_543, %get3A_546 : vector<16xf32>
      %add3A_548 = arith.constant 16 : i32
      %add3A_549 = arith.addi %squeeze3A_538, %add3A_548 : i32
      %get3A_550 = arith.index_cast %add3A_536 : i32 to index
      %get3A_551 = arith.index_cast %add3A_549 : i32 to index
      %get3A_552 = tpu.vector_load %arg11[%get3A_550, %get3A_551] {strides = array<i32>} : memref<256x128xf32, #tpu.memory_space<vmem>>, vector<16xf32>,
      %add3A_553 = arith.constant 16 : i32
      %add3A_554 = arith.addi %squeeze3A_540, %add3A_553 : i32
      %get3A_555 = arith.index_cast %add3A_536 : i32 to index
      %get3A_556 = arith.index_cast %add3A_554 : i32 to index
      %get3A_557 = tpu.vector_load %arg12[%get3A_555, %get3A_556] {strides = array<i32>} : memref<256x128xf32, #tpu.memory_space<vmem>>, vector<16xf32>,
      %mul3A_558 = arith.mulf %get3A_552, %get3A_557 : vector<16xf32>
      %add3A_559 = arith.addf %mul3A_547, %mul3A_558 : vector<16xf32>
      %add3A_560 = arith.constant 32 : i32
      %add3A_561 = arith.addi %squeeze3A_538, %add3A_560 : i32
      %get3A_562 = arith.index_cast %add3A_536 : i32 to index
      %get3A_563 = arith.index_cast %add3A_561 : i32 to index
      %get3A_564 = tpu.vector_load %arg11[%get3A_562, %get3A_563] {strides = array<i32>} : memref<256x128xf32, #tpu.memory_space<vmem>>, vector<16xf32>,
      %add3A_565 = arith.constant 32 : i32
      %add3A_566 = arith.addi %squeeze3A_540, %add3A_565 : i32
      %get3A_567 = arith.index_cast %add3A_536 : i32 to index
      %get3A_568 = arith.index_cast %add3A_566 : i32 to index
      %get3A_569 = tpu.vector_load %arg12[%get3A_567, %get3A_568] {strides = array<i32>} : memref<256x128xf32, #tpu.memory_space<vmem>>, vector<16xf32>,
      %mul3A_570 = arith.mulf %get3A_564, %get3A_569 : vector<16xf32>
      %add3A_571 = arith.addf %add3A_559, %mul3A_570 : vector<16xf32>
      %add3A_572 = arith.constant 48 : i32
      %add3A_573 = arith.addi %squeeze3A_538, %add3A_572 : i32
      %get3A_574 = arith.index_cast %add3A_536 : i32 to index
      %get3A_575 = arith.index_cast %add3A_573 : i32 to index
      %get3A_576 = tpu.vector_load %arg11[%get3A_574, %get3A_575] {strides = array<i32>} : memref<256x128xf32, #tpu.memory_space<vmem>>, vector<16xf32>,
      %add3A_577 = arith.constant 48 : i32
      %add3A_578 = arith.addi %squeeze3A_540, %add3A_577 : i32
      %get3A_579 = arith.index_cast %add3A_536 : i32 to index
      %get3A_580 = arith.index_cast %add3A_578 : i32 to index
      %get3A_581 = tpu.vector_load %arg12[%get3A_579, %get3A_580] {strides = array<i32>} : memref<256x128xf32, #tpu.memory_space<vmem>>, vector<16xf32>,
      %mul3A_582 = arith.mulf %get3A_576, %get3A_581 : vector<16xf32>
      %add3A_583 = arith.addf %add3A_571, %mul3A_582 : vector<16xf32>
      %swap3A_584 = arith.constant 7 : i32
      %swap3A_585 = arith.index_cast %swap3A_584 : i32 to index
      %swap3A_586 = arith.constant 0 : index
      %swap3A_587 = tpu.vector_load %arg13[%swap3A_585, %swap3A_586] {strides = array<i32>} : memref<16x16xf32, #tpu.memory_space<vmem>>, vector<16xf32>,
      tpu.vector_store %arg13[%swap3A_585, %swap3A_586], %add3A_583 {strides = array<i32>} : memref<16x16xf32, #tpu.memory_space<vmem>>, vector<16xf32>,
      %add3A_588 = arith.constant 8 : i32
      %add3A_589 = arith.addi %mul3A_148, %add3A_588 : i32
      %slice3A_590 = vector.extract_strided_slice %mul3A_156 {offsets = [8], sizes = [1], strides = [1]} : vector<16xi32> to vector<1xi32>
      %squeeze3A_591 = vector.extract %slice3A_590[0] : i32 from vector<1xi32>
      %slice3A_592 = vector.extract_strided_slice %mul3A_166 {offsets = [8], sizes = [1], strides = [1]} : vector<16xi32> to vector<1xi32>
      %squeeze3A_593 = vector.extract %slice3A_592[0] : i32 from vector<1xi32>
      %get3A_594 = arith.index_cast %add3A_589 : i32 to index
      %get3A_595 = arith.index_cast %squeeze3A_591 : i32 to index
      %get3A_596 = tpu.vector_load %arg11[%get3A_594, %get3A_595] {strides = array<i32>} : memref<256x128xf32, #tpu.memory_space<vmem>>, vector<16xf32>,
      %get3A_597 = arith.index_cast %add3A_589 : i32 to index
      %get3A_598 = arith.index_cast %squeeze3A_593 : i32 to index
      %get3A_599 = tpu.vector_load %arg12[%get3A_597, %get3A_598] {strides = array<i32>} : memref<256x128xf32, #tpu.memory_space<vmem>>, vector<16xf32>,
      %mul3A_600 = arith.mulf %get3A_596, %get3A_599 : vector<16xf32>
      %add3A_601 = arith.constant 16 : i32
      %add3A_602 = arith.addi %squeeze3A_591, %add3A_601 : i32
      %get3A_603 = arith.index_cast %add3A_589 : i32 to index
      %get3A_604 = arith.index_cast %add3A_602 : i32 to index
      %get3A_605 = tpu.vector_load %arg11[%get3A_603, %get3A_604] {strides = array<i32>} : memref<256x128xf32, #tpu.memory_space<vmem>>, vector<16xf32>,
      %add3A_606 = arith.constant 16 : i32
      %add3A_607 = arith.addi %squeeze3A_593, %add3A_606 : i32
      %get3A_608 = arith.index_cast %add3A_589 : i32 to index
      %get3A_609 = arith.index_cast %add3A_607 : i32 to index
      %get3A_610 = tpu.vector_load %arg12[%get3A_608, %get3A_609] {strides = array<i32>} : memref<256x128xf32, #tpu.memory_space<vmem>>, vector<16xf32>,
      %mul3A_611 = arith.mulf %get3A_605, %get3A_610 : vector<16xf32>
      %add3A_612 = arith.addf %mul3A_600, %mul3A_611 : vector<16xf32>
      %add3A_613 = arith.constant 32 : i32
      %add3A_614 = arith.addi %squeeze3A_591, %add3A_613 : i32
      %get3A_615 = arith.index_cast %add3A_589 : i32 to index
      %get3A_616 = arith.index_cast %add3A_614 : i32 to index
      %get3A_617 = tpu.vector_load %arg11[%get3A_615, %get3A_616] {strides = array<i32>} : memref<256x128xf32, #tpu.memory_space<vmem>>, vector<16xf32>,
      %add3A_618 = arith.constant 32 : i32
      %add3A_619 = arith.addi %squeeze3A_593, %add3A_618 : i32
      %get3A_620 = arith.index_cast %add3A_589 : i32 to index
      %get3A_621 = arith.index_cast %add3A_619 : i32 to index
      %get3A_622 = tpu.vector_load %arg12[%get3A_620, %get3A_621] {strides = array<i32>} : memref<256x128xf32, #tpu.memory_space<vmem>>, vector<16xf32>,
      %mul3A_623 = arith.mulf %get3A_617, %get3A_622 : vector<16xf32>
      %add3A_624 = arith.addf %add3A_612, %mul3A_623 : vector<16xf32>
      %add3A_625 = arith.constant 48 : i32
      %add3A_626 = arith.addi %squeeze3A_591, %add3A_625 : i32
      %get3A_627 = arith.index_cast %add3A_589 : i32 to index
      %get3A_628 = arith.index_cast %add3A_626 : i32 to index
      %get3A_629 = tpu.vector_load %arg11[%get3A_627, %get3A_628] {strides = array<i32>} : memref<256x128xf32, #tpu.memory_space<vmem>>, vector<16xf32>,
      %add3A_630 = arith.constant 48 : i32
      %add3A_631 = arith.addi %squeeze3A_593, %add3A_630 : i32
      %get3A_632 = arith.index_cast %add3A_589 : i32 to index
      %get3A_633 = arith.index_cast %add3A_631 : i32 to index
      %get3A_634 = tpu.vector_load %arg12[%get3A_632, %get3A_633] {strides = array<i32>} : memref<256x128xf32, #tpu.memory_space<vmem>>, vector<16xf32>,
      %mul3A_635 = arith.mulf %get3A_629, %get3A_634 : vector<16xf32>
      %add3A_636 = arith.addf %add3A_624, %mul3A_635 : vector<16xf32>
      %swap3A_637 = arith.constant 8 : i32
      %swap3A_638 = arith.index_cast %swap3A_637 : i32 to index
      %swap3A_639 = arith.constant 0 : index
      %swap3A_640 = tpu.vector_load %arg13[%swap3A_638, %swap3A_639] {strides = array<i32>} : memref<16x16xf32, #tpu.memory_space<vmem>>, vector<16xf32>,
      tpu.vector_store %arg13[%swap3A_638, %swap3A_639], %add3A_636 {strides = array<i32>} : memref<16x16xf32, #tpu.memory_space<vmem>>, vector<16xf32>,
      %add3A_641 = arith.constant 9 : i32
      %add3A_642 = arith.addi %mul3A_148, %add3A_641 : i32
      %slice3A_643 = vector.extract_strided_slice %mul3A_156 {offsets = [9], sizes = [1], strides = [1]} : vector<16xi32> to vector<1xi32>
      %squeeze3A_644 = vector.extract %slice3A_643[0] : i32 from vector<1xi32>
      %slice3A_645 = vector.extract_strided_slice %mul3A_166 {offsets = [9], sizes = [1], strides = [1]} : vector<16xi32> to vector<1xi32>
      %squeeze3A_646 = vector.extract %slice3A_645[0] : i32 from vector<1xi32>
      %get3A_647 = arith.index_cast %add3A_642 : i32 to index
      %get3A_648 = arith.index_cast %squeeze3A_644 : i32 to index
      %get3A_649 = tpu.vector_load %arg11[%get3A_647, %get3A_648] {strides = array<i32>} : memref<256x128xf32, #tpu.memory_space<vmem>>, vector<16xf32>,
      %get3A_650 = arith.index_cast %add3A_642 : i32 to index
      %get3A_651 = arith.index_cast %squeeze3A_646 : i32 to index
      %get3A_652 = tpu.vector_load %arg12[%get3A_650, %get3A_651] {strides = array<i32>} : memref<256x128xf32, #tpu.memory_space<vmem>>, vector<16xf32>,
      %mul3A_653 = arith.mulf %get3A_649, %get3A_652 : vector<16xf32>
      %add3A_654 = arith.constant 16 : i32
      %add3A_655 = arith.addi %squeeze3A_644, %add3A_654 : i32
      %get3A_656 = arith.index_cast %add3A_642 : i32 to index
      %get3A_657 = arith.index_cast %add3A_655 : i32 to index
      %get3A_658 = tpu.vector_load %arg11[%get3A_656, %get3A_657] {strides = array<i32>} : memref<256x128xf32, #tpu.memory_space<vmem>>, vector<16xf32>,
      %add3A_659 = arith.constant 16 : i32
      %add3A_660 = arith.addi %squeeze3A_646, %add3A_659 : i32
      %get3A_661 = arith.index_cast %add3A_642 : i32 to index
      %get3A_662 = arith.index_cast %add3A_660 : i32 to index
      %get3A_663 = tpu.vector_load %arg12[%get3A_661, %get3A_662] {strides = array<i32>} : memref<256x128xf32, #tpu.memory_space<vmem>>, vector<16xf32>,
      %mul3A_664 = arith.mulf %get3A_658, %get3A_663 : vector<16xf32>
      %add3A_665 = arith.addf %mul3A_653, %mul3A_664 : vector<16xf32>
      %add3A_666 = arith.constant 32 : i32
      %add3A_667 = arith.addi %squeeze3A_644, %add3A_666 : i32
      %get3A_668 = arith.index_cast %add3A_642 : i32 to index
      %get3A_669 = arith.index_cast %add3A_667 : i32 to index
      %get3A_670 = tpu.vector_load %arg11[%get3A_668, %get3A_669] {strides = array<i32>} : memref<256x128xf32, #tpu.memory_space<vmem>>, vector<16xf32>,
      %add3A_671 = arith.constant 32 : i32
      %add3A_672 = arith.addi %squeeze3A_646, %add3A_671 : i32
      %get3A_673 = arith.index_cast %add3A_642 : i32 to index
      %get3A_674 = arith.index_cast %add3A_672 : i32 to index
      %get3A_675 = tpu.vector_load %arg12[%get3A_673, %get3A_674] {strides = array<i32>} : memref<256x128xf32, #tpu.memory_space<vmem>>, vector<16xf32>,
      %mul3A_676 = arith.mulf %get3A_670, %get3A_675 : vector<16xf32>
      %add3A_677 = arith.addf %add3A_665, %mul3A_676 : vector<16xf32>
      %add3A_678 = arith.constant 48 : i32
      %add3A_679 = arith.addi %squeeze3A_644, %add3A_678 : i32
      %get3A_680 = arith.index_cast %add3A_642 : i32 to index
      %get3A_681 = arith.index_cast %add3A_679 : i32 to index
      %get3A_682 = tpu.vector_load %arg11[%get3A_680, %get3A_681] {strides = array<i32>} : memref<256x128xf32, #tpu.memory_space<vmem>>, vector<16xf32>,
      %add3A_683 = arith.constant 48 : i32
      %add3A_684 = arith.addi %squeeze3A_646, %add3A_683 : i32
      %get3A_685 = arith.index_cast %add3A_642 : i32 to index
      %get3A_686 = arith.index_cast %add3A_684 : i32 to index
      %get3A_687 = tpu.vector_load %arg12[%get3A_685, %get3A_686] {strides = array<i32>} : memref<256x128xf32, #tpu.memory_space<vmem>>, vector<16xf32>,
      %mul3A_688 = arith.mulf %get3A_682, %get3A_687 : vector<16xf32>
      %add3A_689 = arith.addf %add3A_677, %mul3A_688 : vector<16xf32>
      %swap3A_690 = arith.constant 9 : i32
      %swap3A_691 = arith.index_cast %swap3A_690 : i32 to index
      %swap3A_692 = arith.constant 0 : index
      %swap3A_693 = tpu.vector_load %arg13[%swap3A_691, %swap3A_692] {strides = array<i32>} : memref<16x16xf32, #tpu.memory_space<vmem>>, vector<16xf32>,
      tpu.vector_store %arg13[%swap3A_691, %swap3A_692], %add3A_689 {strides = array<i32>} : memref<16x16xf32, #tpu.memory_space<vmem>>, vector<16xf32>,
      %add3A_694 = arith.constant 10 : i32
      %add3A_695 = arith.addi %mul3A_148, %add3A_694 : i32
      %slice3A_696 = vector.extract_strided_slice %mul3A_156 {offsets = [10], sizes = [1], strides = [1]} : vector<16xi32> to vector<1xi32>
      %squeeze3A_697 = vector.extract %slice3A_696[0] : i32 from vector<1xi32>
      %slice3A_698 = vector.extract_strided_slice %mul3A_166 {offsets = [10], sizes = [1], strides = [1]} : vector<16xi32> to vector<1xi32>
      %squeeze3A_699 = vector.extract %slice3A_698[0] : i32 from vector<1xi32>
      %get3A_700 = arith.index_cast %add3A_695 : i32 to index
      %get3A_701 = arith.index_cast %squeeze3A_697 : i32 to index
      %get3A_702 = tpu.vector_load %arg11[%get3A_700, %get3A_701] {strides = array<i32>} : memref<256x128xf32, #tpu.memory_space<vmem>>, vector<16xf32>,
      %get3A_703 = arith.index_cast %add3A_695 : i32 to index
      %get3A_704 = arith.index_cast %squeeze3A_699 : i32 to index
      %get3A_705 = tpu.vector_load %arg12[%get3A_703, %get3A_704] {strides = array<i32>} : memref<256x128xf32, #tpu.memory_space<vmem>>, vector<16xf32>,
      %mul3A_706 = arith.mulf %get3A_702, %get3A_705 : vector<16xf32>
      %add3A_707 = arith.constant 16 : i32
      %add3A_708 = arith.addi %squeeze3A_697, %add3A_707 : i32
      %get3A_709 = arith.index_cast %add3A_695 : i32 to index
      %get3A_710 = arith.index_cast %add3A_708 : i32 to index
      %get3A_711 = tpu.vector_load %arg11[%get3A_709, %get3A_710] {strides = array<i32>} : memref<256x128xf32, #tpu.memory_space<vmem>>, vector<16xf32>,
      %add3A_712 = arith.constant 16 : i32
      %add3A_713 = arith.addi %squeeze3A_699, %add3A_712 : i32
      %get3A_714 = arith.index_cast %add3A_695 : i32 to index
      %get3A_715 = arith.index_cast %add3A_713 : i32 to index
      %get3A_716 = tpu.vector_load %arg12[%get3A_714, %get3A_715] {strides = array<i32>} : memref<256x128xf32, #tpu.memory_space<vmem>>, vector<16xf32>,
      %mul3A_717 = arith.mulf %get3A_711, %get3A_716 : vector<16xf32>
      %add3A_718 = arith.addf %mul3A_706, %mul3A_717 : vector<16xf32>
      %add3A_719 = arith.constant 32 : i32
      %add3A_720 = arith.addi %squeeze3A_697, %add3A_719 : i32
      %get3A_721 = arith.index_cast %add3A_695 : i32 to index
      %get3A_722 = arith.index_cast %add3A_720 : i32 to index
      %get3A_723 = tpu.vector_load %arg11[%get3A_721, %get3A_722] {strides = array<i32>} : memref<256x128xf32, #tpu.memory_space<vmem>>, vector<16xf32>,
      %add3A_724 = arith.constant 32 : i32
      %add3A_725 = arith.addi %squeeze3A_699, %add3A_724 : i32
      %get3A_726 = arith.index_cast %add3A_695 : i32 to index
      %get3A_727 = arith.index_cast %add3A_725 : i32 to index
      %get3A_728 = tpu.vector_load %arg12[%get3A_726, %get3A_727] {strides = array<i32>} : memref<256x128xf32, #tpu.memory_space<vmem>>, vector<16xf32>,
      %mul3A_729 = arith.mulf %get3A_723, %get3A_728 : vector<16xf32>
      %add3A_730 = arith.addf %add3A_718, %mul3A_729 : vector<16xf32>
      %add3A_731 = arith.constant 48 : i32
      %add3A_732 = arith.addi %squeeze3A_697, %add3A_731 : i32
      %get3A_733 = arith.index_cast %add3A_695 : i32 to index
      %get3A_734 = arith.index_cast %add3A_732 : i32 to index
      %get3A_735 = tpu.vector_load %arg11[%get3A_733, %get3A_734] {strides = array<i32>} : memref<256x128xf32, #tpu.memory_space<vmem>>, vector<16xf32>,
      %add3A_736 = arith.constant 48 : i32
      %add3A_737 = arith.addi %squeeze3A_699, %add3A_736 : i32
      %get3A_738 = arith.index_cast %add3A_695 : i32 to index
      %get3A_739 = arith.index_cast %add3A_737 : i32 to index
      %get3A_740 = tpu.vector_load %arg12[%get3A_738, %get3A_739] {strides = array<i32>} : memref<256x128xf32, #tpu.memory_space<vmem>>, vector<16xf32>,
      %mul3A_741 = arith.mulf %get3A_735, %get3A_740 : vector<16xf32>
      %add3A_742 = arith.addf %add3A_730, %mul3A_741 : vector<16xf32>
      %swap3A_743 = arith.constant 10 : i32
      %swap3A_744 = arith.index_cast %swap3A_743 : i32 to index
      %swap3A_745 = arith.constant 0 : index
      %swap3A_746 = tpu.vector_load %arg13[%swap3A_744, %swap3A_745] {strides = array<i32>} : memref<16x16xf32, #tpu.memory_space<vmem>>, vector<16xf32>,
      tpu.vector_store %arg13[%swap3A_744, %swap3A_745], %add3A_742 {strides = array<i32>} : memref<16x16xf32, #tpu.memory_space<vmem>>, vector<16xf32>,
      %add3A_747 = arith.constant 11 : i32
      %add3A_748 = arith.addi %mul3A_148, %add3A_747 : i32
      %slice3A_749 = vector.extract_strided_slice %mul3A_156 {offsets = [11], sizes = [1], strides = [1]} : vector<16xi32> to vector<1xi32>
      %squeeze3A_750 = vector.extract %slice3A_749[0] : i32 from vector<1xi32>
      %slice3A_751 = vector.extract_strided_slice %mul3A_166 {offsets = [11], sizes = [1], strides = [1]} : vector<16xi32> to vector<1xi32>
      %squeeze3A_752 = vector.extract %slice3A_751[0] : i32 from vector<1xi32>
      %get3A_753 = arith.index_cast %add3A_748 : i32 to index
      %get3A_754 = arith.index_cast %squeeze3A_750 : i32 to index
      %get3A_755 = tpu.vector_load %arg11[%get3A_753, %get3A_754] {strides = array<i32>} : memref<256x128xf32, #tpu.memory_space<vmem>>, vector<16xf32>,
      %get3A_756 = arith.index_cast %add3A_748 : i32 to index
      %get3A_757 = arith.index_cast %squeeze3A_752 : i32 to index
      %get3A_758 = tpu.vector_load %arg12[%get3A_756, %get3A_757] {strides = array<i32>} : memref<256x128xf32, #tpu.memory_space<vmem>>, vector<16xf32>,
      %mul3A_759 = arith.mulf %get3A_755, %get3A_758 : vector<16xf32>
      %add3A_760 = arith.constant 16 : i32
      %add3A_761 = arith.addi %squeeze3A_750, %add3A_760 : i32
      %get3A_762 = arith.index_cast %add3A_748 : i32 to index
      %get3A_763 = arith.index_cast %add3A_761 : i32 to index
      %get3A_764 = tpu.vector_load %arg11[%get3A_762, %get3A_763] {strides = array<i32>} : memref<256x128xf32, #tpu.memory_space<vmem>>, vector<16xf32>,
      %add3A_765 = arith.constant 16 : i32
      %add3A_766 = arith.addi %squeeze3A_752, %add3A_765 : i32
      %get3A_767 = arith.index_cast %add3A_748 : i32 to index
      %get3A_768 = arith.index_cast %add3A_766 : i32 to index
      %get3A_769 = tpu.vector_load %arg12[%get3A_767, %get3A_768] {strides = array<i32>} : memref<256x128xf32, #tpu.memory_space<vmem>>, vector<16xf32>,
      %mul3A_770 = arith.mulf %get3A_764, %get3A_769 : vector<16xf32>
      %add3A_771 = arith.addf %mul3A_759, %mul3A_770 : vector<16xf32>
      %add3A_772 = arith.constant 32 : i32
      %add3A_773 = arith.addi %squeeze3A_750, %add3A_772 : i32
      %get3A_774 = arith.index_cast %add3A_748 : i32 to index
      %get3A_775 = arith.index_cast %add3A_773 : i32 to index
      %get3A_776 = tpu.vector_load %arg11[%get3A_774, %get3A_775] {strides = array<i32>} : memref<256x128xf32, #tpu.memory_space<vmem>>, vector<16xf32>,
      %add3A_777 = arith.constant 32 : i32
      %add3A_778 = arith.addi %squeeze3A_752, %add3A_777 : i32
      %get3A_779 = arith.index_cast %add3A_748 : i32 to index
      %get3A_780 = arith.index_cast %add3A_778 : i32 to index
      %get3A_781 = tpu.vector_load %arg12[%get3A_779, %get3A_780] {strides = array<i32>} : memref<256x128xf32, #tpu.memory_space<vmem>>, vector<16xf32>,
      %mul3A_782 = arith.mulf %get3A_776, %get3A_781 : vector<16xf32>
      %add3A_783 = arith.addf %add3A_771, %mul3A_782 : vector<16xf32>
      %add3A_784 = arith.constant 48 : i32
      %add3A_785 = arith.addi %squeeze3A_750, %add3A_784 : i32
      %get3A_786 = arith.index_cast %add3A_748 : i32 to index
      %get3A_787 = arith.index_cast %add3A_785 : i32 to index
      %get3A_788 = tpu.vector_load %arg11[%get3A_786, %get3A_787] {strides = array<i32>} : memref<256x128xf32, #tpu.memory_space<vmem>>, vector<16xf32>,
      %add3A_789 = arith.constant 48 : i32
      %add3A_790 = arith.addi %squeeze3A_752, %add3A_789 : i32
      %get3A_791 = arith.index_cast %add3A_748 : i32 to index
      %get3A_792 = arith.index_cast %add3A_790 : i32 to index
      %get3A_793 = tpu.vector_load %arg12[%get3A_791, %get3A_792] {strides = array<i32>} : memref<256x128xf32, #tpu.memory_space<vmem>>, vector<16xf32>,
      %mul3A_794 = arith.mulf %get3A_788, %get3A_793 : vector<16xf32>
      %add3A_795 = arith.addf %add3A_783, %mul3A_794 : vector<16xf32>
      %swap3A_796 = arith.constant 11 : i32
      %swap3A_797 = arith.index_cast %swap3A_796 : i32 to index
      %swap3A_798 = arith.constant 0 : index
      %swap3A_799 = tpu.vector_load %arg13[%swap3A_797, %swap3A_798] {strides = array<i32>} : memref<16x16xf32, #tpu.memory_space<vmem>>, vector<16xf32>,
      tpu.vector_store %arg13[%swap3A_797, %swap3A_798], %add3A_795 {strides = array<i32>} : memref<16x16xf32, #tpu.memory_space<vmem>>, vector<16xf32>,
      %add3A_800 = arith.constant 12 : i32
      %add3A_801 = arith.addi %mul3A_148, %add3A_800 : i32
      %slice3A_802 = vector.extract_strided_slice %mul3A_156 {offsets = [12], sizes = [1], strides = [1]} : vector<16xi32> to vector<1xi32>
      %squeeze3A_803 = vector.extract %slice3A_802[0] : i32 from vector<1xi32>
      %slice3A_804 = vector.extract_strided_slice %mul3A_166 {offsets = [12], sizes = [1], strides = [1]} : vector<16xi32> to vector<1xi32>
      %squeeze3A_805 = vector.extract %slice3A_804[0] : i32 from vector<1xi32>
      %get3A_806 = arith.index_cast %add3A_801 : i32 to index
      %get3A_807 = arith.index_cast %squeeze3A_803 : i32 to index
      %get3A_808 = tpu.vector_load %arg11[%get3A_806, %get3A_807] {strides = array<i32>} : memref<256x128xf32, #tpu.memory_space<vmem>>, vector<16xf32>,
      %get3A_809 = arith.index_cast %add3A_801 : i32 to index
      %get3A_810 = arith.index_cast %squeeze3A_805 : i32 to index
      %get3A_811 = tpu.vector_load %arg12[%get3A_809, %get3A_810] {strides = array<i32>} : memref<256x128xf32, #tpu.memory_space<vmem>>, vector<16xf32>,
      %mul3A_812 = arith.mulf %get3A_808, %get3A_811 : vector<16xf32>
      %add3A_813 = arith.constant 16 : i32
      %add3A_814 = arith.addi %squeeze3A_803, %add3A_813 : i32
      %get3A_815 = arith.index_cast %add3A_801 : i32 to index
      %get3A_816 = arith.index_cast %add3A_814 : i32 to index
      %get3A_817 = tpu.vector_load %arg11[%get3A_815, %get3A_816] {strides = array<i32>} : memref<256x128xf32, #tpu.memory_space<vmem>>, vector<16xf32>,
      %add3A_818 = arith.constant 16 : i32
      %add3A_819 = arith.addi %squeeze3A_805, %add3A_818 : i32
      %get3A_820 = arith.index_cast %add3A_801 : i32 to index
      %get3A_821 = arith.index_cast %add3A_819 : i32 to index
      %get3A_822 = tpu.vector_load %arg12[%get3A_820, %get3A_821] {strides = array<i32>} : memref<256x128xf32, #tpu.memory_space<vmem>>, vector<16xf32>,
      %mul3A_823 = arith.mulf %get3A_817, %get3A_822 : vector<16xf32>
      %add3A_824 = arith.addf %mul3A_812, %mul3A_823 : vector<16xf32>
      %add3A_825 = arith.constant 32 : i32
      %add3A_826 = arith.addi %squeeze3A_803, %add3A_825 : i32
      %get3A_827 = arith.index_cast %add3A_801 : i32 to index
      %get3A_828 = arith.index_cast %add3A_826 : i32 to index
      %get3A_829 = tpu.vector_load %arg11[%get3A_827, %get3A_828] {strides = array<i32>} : memref<256x128xf32, #tpu.memory_space<vmem>>, vector<16xf32>,
      %add3A_830 = arith.constant 32 : i32
      %add3A_831 = arith.addi %squeeze3A_805, %add3A_830 : i32
      %get3A_832 = arith.index_cast %add3A_801 : i32 to index
      %get3A_833 = arith.index_cast %add3A_831 : i32 to index
      %get3A_834 = tpu.vector_load %arg12[%get3A_832, %get3A_833] {strides = array<i32>} : memref<256x128xf32, #tpu.memory_space<vmem>>, vector<16xf32>,
      %mul3A_835 = arith.mulf %get3A_829, %get3A_834 : vector<16xf32>
      %add3A_836 = arith.addf %add3A_824, %mul3A_835 : vector<16xf32>
      %add3A_837 = arith.constant 48 : i32
      %add3A_838 = arith.addi %squeeze3A_803, %add3A_837 : i32
      %get3A_839 = arith.index_cast %add3A_801 : i32 to index
      %get3A_840 = arith.index_cast %add3A_838 : i32 to index
      %get3A_841 = tpu.vector_load %arg11[%get3A_839, %get3A_840] {strides = array<i32>} : memref<256x128xf32, #tpu.memory_space<vmem>>, vector<16xf32>,
      %add3A_842 = arith.constant 48 : i32
      %add3A_843 = arith.addi %squeeze3A_805, %add3A_842 : i32
      %get3A_844 = arith.index_cast %add3A_801 : i32 to index
      %get3A_845 = arith.index_cast %add3A_843 : i32 to index
      %get3A_846 = tpu.vector_load %arg12[%get3A_844, %get3A_845] {strides = array<i32>} : memref<256x128xf32, #tpu.memory_space<vmem>>, vector<16xf32>,
      %mul3A_847 = arith.mulf %get3A_841, %get3A_846 : vector<16xf32>
      %add3A_848 = arith.addf %add3A_836, %mul3A_847 : vector<16xf32>
      %swap3A_849 = arith.constant 12 : i32
      %swap3A_850 = arith.index_cast %swap3A_849 : i32 to index
      %swap3A_851 = arith.constant 0 : index
      %swap3A_852 = tpu.vector_load %arg13[%swap3A_850, %swap3A_851] {strides = array<i32>} : memref<16x16xf32, #tpu.memory_space<vmem>>, vector<16xf32>,
      tpu.vector_store %arg13[%swap3A_850, %swap3A_851], %add3A_848 {strides = array<i32>} : memref<16x16xf32, #tpu.memory_space<vmem>>, vector<16xf32>,
      %add3A_853 = arith.constant 13 : i32
      %add3A_854 = arith.addi %mul3A_148, %add3A_853 : i32
      %slice3A_855 = vector.extract_strided_slice %mul3A_156 {offsets = [13], sizes = [1], strides = [1]} : vector<16xi32> to vector<1xi32>
      %squeeze3A_856 = vector.extract %slice3A_855[0] : i32 from vector<1xi32>
      %slice3A_857 = vector.extract_strided_slice %mul3A_166 {offsets = [13], sizes = [1], strides = [1]} : vector<16xi32> to vector<1xi32>
      %squeeze3A_858 = vector.extract %slice3A_857[0] : i32 from vector<1xi32>
      %get3A_859 = arith.index_cast %add3A_854 : i32 to index
      %get3A_860 = arith.index_cast %squeeze3A_856 : i32 to index
      %get3A_861 = tpu.vector_load %arg11[%get3A_859, %get3A_860] {strides = array<i32>} : memref<256x128xf32, #tpu.memory_space<vmem>>, vector<16xf32>,
      %get3A_862 = arith.index_cast %add3A_854 : i32 to index
      %get3A_863 = arith.index_cast %squeeze3A_858 : i32 to index
      %get3A_864 = tpu.vector_load %arg12[%get3A_862, %get3A_863] {strides = array<i32>} : memref<256x128xf32, #tpu.memory_space<vmem>>, vector<16xf32>,
      %mul3A_865 = arith.mulf %get3A_861, %get3A_864 : vector<16xf32>
      %add3A_866 = arith.constant 16 : i32
      %add3A_867 = arith.addi %squeeze3A_856, %add3A_866 : i32
      %get3A_868 = arith.index_cast %add3A_854 : i32 to index
      %get3A_869 = arith.index_cast %add3A_867 : i32 to index
      %get3A_870 = tpu.vector_load %arg11[%get3A_868, %get3A_869] {strides = array<i32>} : memref<256x128xf32, #tpu.memory_space<vmem>>, vector<16xf32>,
      %add3A_871 = arith.constant 16 : i32
      %add3A_872 = arith.addi %squeeze3A_858, %add3A_871 : i32
      %get3A_873 = arith.index_cast %add3A_854 : i32 to index
      %get3A_874 = arith.index_cast %add3A_872 : i32 to index
      %get3A_875 = tpu.vector_load %arg12[%get3A_873, %get3A_874] {strides = array<i32>} : memref<256x128xf32, #tpu.memory_space<vmem>>, vector<16xf32>,
      %mul3A_876 = arith.mulf %get3A_870, %get3A_875 : vector<16xf32>
      %add3A_877 = arith.addf %mul3A_865, %mul3A_876 : vector<16xf32>
      %add3A_878 = arith.constant 32 : i32
      %add3A_879 = arith.addi %squeeze3A_856, %add3A_878 : i32
      %get3A_880 = arith.index_cast %add3A_854 : i32 to index
      %get3A_881 = arith.index_cast %add3A_879 : i32 to index
      %get3A_882 = tpu.vector_load %arg11[%get3A_880, %get3A_881] {strides = array<i32>} : memref<256x128xf32, #tpu.memory_space<vmem>>, vector<16xf32>,
      %add3A_883 = arith.constant 32 : i32
      %add3A_884 = arith.addi %squeeze3A_858, %add3A_883 : i32
      %get3A_885 = arith.index_cast %add3A_854 : i32 to index
      %get3A_886 = arith.index_cast %add3A_884 : i32 to index
      %get3A_887 = tpu.vector_load %arg12[%get3A_885, %get3A_886] {strides = array<i32>} : memref<256x128xf32, #tpu.memory_space<vmem>>, vector<16xf32>,
      %mul3A_888 = arith.mulf %get3A_882, %get3A_887 : vector<16xf32>
      %add3A_889 = arith.addf %add3A_877, %mul3A_888 : vector<16xf32>
      %add3A_890 = arith.constant 48 : i32
      %add3A_891 = arith.addi %squeeze3A_856, %add3A_890 : i32
      %get3A_892 = arith.index_cast %add3A_854 : i32 to index
      %get3A_893 = arith.index_cast %add3A_891 : i32 to index
      %get3A_894 = tpu.vector_load %arg11[%get3A_892, %get3A_893] {strides = array<i32>} : memref<256x128xf32, #tpu.memory_space<vmem>>, vector<16xf32>,
      %add3A_895 = arith.constant 48 : i32
      %add3A_896 = arith.addi %squeeze3A_858, %add3A_895 : i32
      %get3A_897 = arith.index_cast %add3A_854 : i32 to index
      %get3A_898 = arith.index_cast %add3A_896 : i32 to index
      %get3A_899 = tpu.vector_load %arg12[%get3A_897, %get3A_898] {strides = array<i32>} : memref<256x128xf32, #tpu.memory_space<vmem>>, vector<16xf32>,
      %mul3A_900 = arith.mulf %get3A_894, %get3A_899 : vector<16xf32>
      %add3A_901 = arith.addf %add3A_889, %mul3A_900 : vector<16xf32>
      %swap3A_902 = arith.constant 13 : i32
      %swap3A_903 = arith.index_cast %swap3A_902 : i32 to index
      %swap3A_904 = arith.constant 0 : index
      %swap3A_905 = tpu.vector_load %arg13[%swap3A_903, %swap3A_904] {strides = array<i32>} : memref<16x16xf32, #tpu.memory_space<vmem>>, vector<16xf32>,
      tpu.vector_store %arg13[%swap3A_903, %swap3A_904], %add3A_901 {strides = array<i32>} : memref<16x16xf32, #tpu.memory_space<vmem>>, vector<16xf32>,
      %add3A_906 = arith.constant 14 : i32
      %add3A_907 = arith.addi %mul3A_148, %add3A_906 : i32
      %slice3A_908 = vector.extract_strided_slice %mul3A_156 {offsets = [14], sizes = [1], strides = [1]} : vector<16xi32> to vector<1xi32>
      %squeeze3A_909 = vector.extract %slice3A_908[0] : i32 from vector<1xi32>
      %slice3A_910 = vector.extract_strided_slice %mul3A_166 {offsets = [14], sizes = [1], strides = [1]} : vector<16xi32> to vector<1xi32>
      %squeeze3A_911 = vector.extract %slice3A_910[0] : i32 from vector<1xi32>
      %get3A_912 = arith.index_cast %add3A_907 : i32 to index
      %get3A_913 = arith.index_cast %squeeze3A_909 : i32 to index
      %get3A_914 = tpu.vector_load %arg11[%get3A_912, %get3A_913] {strides = array<i32>} : memref<256x128xf32, #tpu.memory_space<vmem>>, vector<16xf32>,
      %get3A_915 = arith.index_cast %add3A_907 : i32 to index
      %get3A_916 = arith.index_cast %squeeze3A_911 : i32 to index
      %get3A_917 = tpu.vector_load %arg12[%get3A_915, %get3A_916] {strides = array<i32>} : memref<256x128xf32, #tpu.memory_space<vmem>>, vector<16xf32>,
      %mul3A_918 = arith.mulf %get3A_914, %get3A_917 : vector<16xf32>
      %add3A_919 = arith.constant 16 : i32
      %add3A_920 = arith.addi %squeeze3A_909, %add3A_919 : i32
      %get3A_921 = arith.index_cast %add3A_907 : i32 to index
      %get3A_922 = arith.index_cast %add3A_920 : i32 to index
      %get3A_923 = tpu.vector_load %arg11[%get3A_921, %get3A_922] {strides = array<i32>} : memref<256x128xf32, #tpu.memory_space<vmem>>, vector<16xf32>,
      %add3A_924 = arith.constant 16 : i32
      %add3A_925 = arith.addi %squeeze3A_911, %add3A_924 : i32
      %get3A_926 = arith.index_cast %add3A_907 : i32 to index
      %get3A_927 = arith.index_cast %add3A_925 : i32 to index
      %get3A_928 = tpu.vector_load %arg12[%get3A_926, %get3A_927] {strides = array<i32>} : memref<256x128xf32, #tpu.memory_space<vmem>>, vector<16xf32>,
      %mul3A_929 = arith.mulf %get3A_923, %get3A_928 : vector<16xf32>
      %add3A_930 = arith.addf %mul3A_918, %mul3A_929 : vector<16xf32>
      %add3A_931 = arith.constant 32 : i32
      %add3A_932 = arith.addi %squeeze3A_909, %add3A_931 : i32
      %get3A_933 = arith.index_cast %add3A_907 : i32 to index
      %get3A_934 = arith.index_cast %add3A_932 : i32 to index
      %get3A_935 = tpu.vector_load %arg11[%get3A_933, %get3A_934] {strides = array<i32>} : memref<256x128xf32, #tpu.memory_space<vmem>>, vector<16xf32>,
      %add3A_936 = arith.constant 32 : i32
      %add3A_937 = arith.addi %squeeze3A_911, %add3A_936 : i32
      %get3A_938 = arith.index_cast %add3A_907 : i32 to index
      %get3A_939 = arith.index_cast %add3A_937 : i32 to index
      %get3A_940 = tpu.vector_load %arg12[%get3A_938, %get3A_939] {strides = array<i32>} : memref<256x128xf32, #tpu.memory_space<vmem>>, vector<16xf32>,
      %mul3A_941 = arith.mulf %get3A_935, %get3A_940 : vector<16xf32>
      %add3A_942 = arith.addf %add3A_930, %mul3A_941 : vector<16xf32>
      %add3A_943 = arith.constant 48 : i32
      %add3A_944 = arith.addi %squeeze3A_909, %add3A_943 : i32
      %get3A_945 = arith.index_cast %add3A_907 : i32 to index
      %get3A_946 = arith.index_cast %add3A_944 : i32 to index
      %get3A_947 = tpu.vector_load %arg11[%get3A_945, %get3A_946] {strides = array<i32>} : memref<256x128xf32, #tpu.memory_space<vmem>>, vector<16xf32>,
      %add3A_948 = arith.constant 48 : i32
      %add3A_949 = arith.addi %squeeze3A_911, %add3A_948 : i32
      %get3A_950 = arith.index_cast %add3A_907 : i32 to index
      %get3A_951 = arith.index_cast %add3A_949 : i32 to index
      %get3A_952 = tpu.vector_load %arg12[%get3A_950, %get3A_951] {strides = array<i32>} : memref<256x128xf32, #tpu.memory_space<vmem>>, vector<16xf32>,
      %mul3A_953 = arith.mulf %get3A_947, %get3A_952 : vector<16xf32>
      %add3A_954 = arith.addf %add3A_942, %mul3A_953 : vector<16xf32>
      %swap3A_955 = arith.constant 14 : i32
      %swap3A_956 = arith.index_cast %swap3A_955 : i32 to index
      %swap3A_957 = arith.constant 0 : index
      %swap3A_958 = tpu.vector_load %arg13[%swap3A_956, %swap3A_957] {strides = array<i32>} : memref<16x16xf32, #tpu.memory_space<vmem>>, vector<16xf32>,
      tpu.vector_store %arg13[%swap3A_956, %swap3A_957], %add3A_954 {strides = array<i32>} : memref<16x16xf32, #tpu.memory_space<vmem>>, vector<16xf32>,
      %add3A_959 = arith.constant 15 : i32
      %add3A_960 = arith.addi %mul3A_148, %add3A_959 : i32
      %slice3A_961 = vector.extract_strided_slice %mul3A_156 {offsets = [15], sizes = [1], strides = [1]} : vector<16xi32> to vector<1xi32>
      %squeeze3A_962 = vector.extract %slice3A_961[0] : i32 from vector<1xi32>
      %slice3A_963 = vector.extract_strided_slice %mul3A_166 {offsets = [15], sizes = [1], strides = [1]} : vector<16xi32> to vector<1xi32>
      %squeeze3A_964 = vector.extract %slice3A_963[0] : i32 from vector<1xi32>
      %get3A_965 = arith.index_cast %add3A_960 : i32 to index
      %get3A_966 = arith.index_cast %squeeze3A_962 : i32 to index
      %get3A_967 = tpu.vector_load %arg11[%get3A_965, %get3A_966] {strides = array<i32>} : memref<256x128xf32, #tpu.memory_space<vmem>>, vector<16xf32>,
      %get3A_968 = arith.index_cast %add3A_960 : i32 to index
      %get3A_969 = arith.index_cast %squeeze3A_964 : i32 to index
      %get3A_970 = tpu.vector_load %arg12[%get3A_968, %get3A_969] {strides = array<i32>} : memref<256x128xf32, #tpu.memory_space<vmem>>, vector<16xf32>,
      %mul3A_971 = arith.mulf %get3A_967, %get3A_970 : vector<16xf32>
      %add3A_972 = arith.constant 16 : i32
      %add3A_973 = arith.addi %squeeze3A_962, %add3A_972 : i32
      %get3A_974 = arith.index_cast %add3A_960 : i32 to index
      %get3A_975 = arith.index_cast %add3A_973 : i32 to index
      %get3A_976 = tpu.vector_load %arg11[%get3A_974, %get3A_975] {strides = array<i32>} : memref<256x128xf32, #tpu.memory_space<vmem>>, vector<16xf32>,
      %add3A_977 = arith.constant 16 : i32
      %add3A_978 = arith.addi %squeeze3A_964, %add3A_977 : i32
      %get3A_979 = arith.index_cast %add3A_960 : i32 to index
      %get3A_980 = arith.index_cast %add3A_978 : i32 to index
      %get3A_981 = tpu.vector_load %arg12[%get3A_979, %get3A_980] {strides = array<i32>} : memref<256x128xf32, #tpu.memory_space<vmem>>, vector<16xf32>,
      %mul3A_982 = arith.mulf %get3A_976, %get3A_981 : vector<16xf32>
      %add3A_983 = arith.addf %mul3A_971, %mul3A_982 : vector<16xf32>
      %add3A_984 = arith.constant 32 : i32
      %add3A_985 = arith.addi %squeeze3A_962, %add3A_984 : i32
      %get3A_986 = arith.index_cast %add3A_960 : i32 to index
      %get3A_987 = arith.index_cast %add3A_985 : i32 to index
      %get3A_988 = tpu.vector_load %arg11[%get3A_986, %get3A_987] {strides = array<i32>} : memref<256x128xf32, #tpu.memory_space<vmem>>, vector<16xf32>,
      %add3A_989 = arith.constant 32 : i32
      %add3A_990 = arith.addi %squeeze3A_964, %add3A_989 : i32
      %get3A_991 = arith.index_cast %add3A_960 : i32 to index
      %get3A_992 = arith.index_cast %add3A_990 : i32 to index
      %get3A_993 = tpu.vector_load %arg12[%get3A_991, %get3A_992] {strides = array<i32>} : memref<256x128xf32, #tpu.memory_space<vmem>>, vector<16xf32>,
      %mul3A_994 = arith.mulf %get3A_988, %get3A_993 : vector<16xf32>
      %add3A_995 = arith.addf %add3A_983, %mul3A_994 : vector<16xf32>
      %add3A_996 = arith.constant 48 : i32
      %add3A_997 = arith.addi %squeeze3A_962, %add3A_996 : i32
      %get3A_998 = arith.index_cast %add3A_960 : i32 to index
      %get3A_999 = arith.index_cast %add3A_997 : i32 to index
      %get3A_1000 = tpu.vector_load %arg11[%get3A_998, %get3A_999] {strides = array<i32>} : memref<256x128xf32, #tpu.memory_space<vmem>>, vector<16xf32>,
      %add3A_1001 = arith.constant 48 : i32
      %add3A_1002 = arith.addi %squeeze3A_964, %add3A_1001 : i32
      %get3A_1003 = arith.index_cast %add3A_960 : i32 to index
      %get3A_1004 = arith.index_cast %add3A_1002 : i32 to index
      %get3A_1005 = tpu.vector_load %arg12[%get3A_1003, %get3A_1004] {strides = array<i32>} : memref<256x128xf32, #tpu.memory_space<vmem>>, vector<16xf32>,
      %mul3A_1006 = arith.mulf %get3A_1000, %get3A_1005 : vector<16xf32>
      %add3A_1007 = arith.addf %add3A_995, %mul3A_1006 : vector<16xf32>
      %swap3A_1008 = arith.constant 15 : i32
      %swap3A_1009 = arith.index_cast %swap3A_1008 : i32 to index
      %swap3A_1010 = arith.constant 0 : index
      %swap3A_1011 = tpu.vector_load %arg13[%swap3A_1009, %swap3A_1010] {strides = array<i32>} : memref<16x16xf32, #tpu.memory_space<vmem>>, vector<16xf32>,
      tpu.vector_store %arg13[%swap3A_1009, %swap3A_1010], %add3A_1007 {strides = array<i32>} : memref<16x16xf32, #tpu.memory_space<vmem>>, vector<16xf32>,
      %mul3A_1012 = arith.constant 0 : i32
      %mul3A_1013 = vector.broadcast %mul3A_1012 : i32 to vector<16xi32>
      %mul3A_1014 = arith.muli %iota3A, %mul3A_1013 : vector<16xi32>
      %gather3A = tpu.vector_load_idx %arg13[%iota3A, %mul3A_1014] : memref<16x16xf32, #tpu.memory_space<vmem>>[vector<16xi32>, vector<16xi32>], vector<16xf32>,
      %broadcast_in_dim3A = arith.constant 1 : i32
      %broadcast_in_dim3A_1015 = vector.broadcast %broadcast_in_dim3A : i32 to vector<16xi32>
      %gather3A_1016 = tpu.vector_load_idx %arg13[%iota3A, %broadcast_in_dim3A_1015] : memref<16x16xf32, #tpu.memory_space<vmem>>[vector<16xi32>, vector<16xi32>], vector<16xf32>,
      %add3A_1017 = arith.addf %gather3A, %gather3A_1016 : vector<16xf32>
      %broadcast_in_dim3A_1018 = arith.constant 2 : i32
      %broadcast_in_dim3A_1019 = vector.broadcast %broadcast_in_dim3A_1018 : i32 to vector<16xi32>
      %gather3A_1020 = tpu.vector_load_idx %arg13[%iota3A, %broadcast_in_dim3A_1019] : memref<16x16xf32, #tpu.memory_space<vmem>>[vector<16xi32>, vector<16xi32>], vector<16xf32>,
      %add3A_1021 = arith.addf %add3A_1017, %gather3A_1020 : vector<16xf32>
      %broadcast_in_dim3A_1022 = arith.constant 3 : i32
      %broadcast_in_dim3A_1023 = vector.broadcast %broadcast_in_dim3A_1022 : i32 to vector<16xi32>
      %gather3A_1024 = tpu.vector_load_idx %arg13[%iota3A, %broadcast_in_dim3A_1023] : memref<16x16xf32, #tpu.memory_space<vmem>>[vector<16xi32>, vector<16xi32>], vector<16xf32>,
      %add3A_1025 = arith.addf %add3A_1021, %gather3A_1024 : vector<16xf32>
      %broadcast_in_dim3A_1026 = arith.constant 4 : i32
      %broadcast_in_dim3A_1027 = vector.broadcast %broadcast_in_dim3A_1026 : i32 to vector<16xi32>
      %gather3A_1028 = tpu.vector_load_idx %arg13[%iota3A, %broadcast_in_dim3A_1027] : memref<16x16xf32, #tpu.memory_space<vmem>>[vector<16xi32>, vector<16xi32>], vector<16xf32>,
      %add3A_1029 = arith.addf %add3A_1025, %gather3A_1028 : vector<16xf32>
      %broadcast_in_dim3A_1030 = arith.constant 5 : i32
      %broadcast_in_dim3A_1031 = vector.broadcast %broadcast_in_dim3A_1030 : i32 to vector<16xi32>
      %gather3A_1032 = tpu.vector_load_idx %arg13[%iota3A, %broadcast_in_dim3A_1031] : memref<16x16xf32, #tpu.memory_space<vmem>>[vector<16xi32>, vector<16xi32>], vector<16xf32>,
      %add3A_1033 = arith.addf %add3A_1029, %gather3A_1032 : vector<16xf32>
      %broadcast_in_dim3A_1034 = arith.constant 6 : i32
      %broadcast_in_dim3A_1035 = vector.broadcast %broadcast_in_dim3A_1034 : i32 to vector<16xi32>
      %gather3A_1036 = tpu.vector_load_idx %arg13[%iota3A, %broadcast_in_dim3A_1035] : memref<16x16xf32, #tpu.memory_space<vmem>>[vector<16xi32>, vector<16xi32>], vector<16xf32>,
      %add3A_1037 = arith.addf %add3A_1033, %gather3A_1036 : vector<16xf32>
      %broadcast_in_dim3A_1038 = arith.constant 7 : i32
      %broadcast_in_dim3A_1039 = vector.broadcast %broadcast_in_dim3A_1038 : i32 to vector<16xi32>
      %gather3A_1040 = tpu.vector_load_idx %arg13[%iota3A, %broadcast_in_dim3A_1039] : memref<16x16xf32, #tpu.memory_space<vmem>>[vector<16xi32>, vector<16xi32>], vector<16xf32>,
      %add3A_1041 = arith.addf %add3A_1037, %gather3A_1040 : vector<16xf32>
      %broadcast_in_dim3A_1042 = arith.constant 8 : i32
      %broadcast_in_dim3A_1043 = vector.broadcast %broadcast_in_dim3A_1042 : i32 to vector<16xi32>
      %gather3A_1044 = tpu.vector_load_idx %arg13[%iota3A, %broadcast_in_dim3A_1043] : memref<16x16xf32, #tpu.memory_space<vmem>>[vector<16xi32>, vector<16xi32>], vector<16xf32>,
      %add3A_1045 = arith.addf %add3A_1041, %gather3A_1044 : vector<16xf32>
      %broadcast_in_dim3A_1046 = arith.constant 9 : i32
      %broadcast_in_dim3A_1047 = vector.broadcast %broadcast_in_dim3A_1046 : i32 to vector<16xi32>
      %gather3A_1048 = tpu.vector_load_idx %arg13[%iota3A, %broadcast_in_dim3A_1047] : memref<16x16xf32, #tpu.memory_space<vmem>>[vector<16xi32>, vector<16xi32>], vector<16xf32>,
      %add3A_1049 = arith.addf %add3A_1045, %gather3A_1048 : vector<16xf32>
      %broadcast_in_dim3A_1050 = arith.constant 10 : i32
      %broadcast_in_dim3A_1051 = vector.broadcast %broadcast_in_dim3A_1050 : i32 to vector<16xi32>
      %gather3A_1052 = tpu.vector_load_idx %arg13[%iota3A, %broadcast_in_dim3A_1051] : memref<16x16xf32, #tpu.memory_space<vmem>>[vector<16xi32>, vector<16xi32>], vector<16xf32>,
      %add3A_1053 = arith.addf %add3A_1049, %gather3A_1052 : vector<16xf32>
      %broadcast_in_dim3A_1054 = arith.constant 11 : i32
      %broadcast_in_dim3A_1055 = vector.broadcast %broadcast_in_dim3A_1054 : i32 to vector<16xi32>
      %gather3A_1056 = tpu.vector_load_idx %arg13[%iota3A, %broadcast_in_dim3A_1055] : memref<16x16xf32, #tpu.memory_space<vmem>>[vector<16xi32>, vector<16xi32>], vector<16xf32>,
      %add3A_1057 = arith.addf %add3A_1053, %gather3A_1056 : vector<16xf32>
      %broadcast_in_dim3A_1058 = arith.constant 12 : i32
      %broadcast_in_dim3A_1059 = vector.broadcast %broadcast_in_dim3A_1058 : i32 to vector<16xi32>
      %gather3A_1060 = tpu.vector_load_idx %arg13[%iota3A, %broadcast_in_dim3A_1059] : memref<16x16xf32, #tpu.memory_space<vmem>>[vector<16xi32>, vector<16xi32>], vector<16xf32>,
      %add3A_1061 = arith.addf %add3A_1057, %gather3A_1060 : vector<16xf32>
      %broadcast_in_dim3A_1062 = arith.constant 13 : i32
      %broadcast_in_dim3A_1063 = vector.broadcast %broadcast_in_dim3A_1062 : i32 to vector<16xi32>
      %gather3A_1064 = tpu.vector_load_idx %arg13[%iota3A, %broadcast_in_dim3A_1063] : memref<16x16xf32, #tpu.memory_space<vmem>>[vector<16xi32>, vector<16xi32>], vector<16xf32>,
      %add3A_1065 = arith.addf %add3A_1061, %gather3A_1064 : vector<16xf32>
      %broadcast_in_dim3A_1066 = arith.constant 14 : i32
      %broadcast_in_dim3A_1067 = vector.broadcast %broadcast_in_dim3A_1066 : i32 to vector<16xi32>
      %gather3A_1068 = tpu.vector_load_idx %arg13[%iota3A, %broadcast_in_dim3A_1067] : memref<16x16xf32, #tpu.memory_space<vmem>>[vector<16xi32>, vector<16xi32>], vector<16xf32>,
      %add3A_1069 = arith.addf %add3A_1065, %gather3A_1068 : vector<16xf32>
      %broadcast_in_dim3A_1070 = arith.constant 15 : i32
      %broadcast_in_dim3A_1071 = vector.broadcast %broadcast_in_dim3A_1070 : i32 to vector<16xi32>
      %gather3A_1072 = tpu.vector_load_idx %arg13[%iota3A, %broadcast_in_dim3A_1071] : memref<16x16xf32, #tpu.memory_space<vmem>>[vector<16xi32>, vector<16xi32>], vector<16xf32>,
      %add3A_1073 = arith.addf %add3A_1069, %gather3A_1072 : vector<16xf32>
      %add3A_1074 = arith.constant 256 : i32
      %add3A_1075 = arith.addi %add3A_1074, %mul3A_148 : i32
      %swap3A_1076 = arith.index_cast %add3A_1075 : i32 to index
      %swap3A_1077 = tpu.vector_load %arg14[%swap3A_1076] {strides = array<i32>} : memref<512xf32, #tpu.memory_space<vmem>>, vector<16xf32>,
      tpu.vector_store %arg14[%swap3A_1076], %add3A_1073 {strides = array<i32>} : memref<512xf32, #tpu.memory_space<vmem>>, vector<16xf32>,
    }
    %scan3A_145 = arith.constant 16 : i32
    "tpu.region"() ({
      %run_scoped3A = tpu.sem_alloc : memref<!tpu.dma_semaphore, #tpu.memory_space<semaphore_mem>>
      %dma_start3A_146 = tpu.memref_slice %arg6[%mul3A_2] : memref<16384xf32, #tpu.memory_space<hbm>> -> memref<512xf32, #tpu.memory_space<hbm>>
      %dma_start3A_147 = tpu.memref_slice %arg6[%mul3A_2] : memref<16384xf32, #tpu.memory_space<hbm>> -> memref<512xf32, #tpu.memory_space<hbm>>
      tpu.enqueue_dma source(%arg14 : memref<512xf32, #tpu.memory_space<vmem>>) target(%dma_start3A_147 : memref<512xf32, #tpu.memory_space<hbm>>) target_semaphore(%run_scoped3A : memref<!tpu.dma_semaphore, #tpu.memory_space<semaphore_mem>>)
      %dma_wait3A_148 = tpu.memref_slice %arg6[%mul3A_2] : memref<16384xf32, #tpu.memory_space<hbm>> -> memref<512xf32, #tpu.memory_space<hbm>>
      %dma_wait3A_149 = tpu.memref_slice %arg6[%mul3A_2] : memref<16384xf32, #tpu.memory_space<hbm>> -> memref<512xf32, #tpu.memory_space<hbm>>
      tpu.wait_dma2 semaphore(%run_scoped3A : memref<!tpu.dma_semaphore, #tpu.memory_space<semaphore_mem>>) src(%arg14 : memref<512xf32, #tpu.memory_space<vmem>>) dst(%dma_wait3A_149 : memref<512xf32, #tpu.memory_space<hbm>>)
      tpu.yield
    }) : () -> ()
    return
  }
}

</mosaic_0001>

<sc_bundles>
// kernel: mf_score_sc.3.cloned.1.call-start
scs
__scs_entry_jumppad:
0x0: {  	(pc) =	sbr.rel $0x88, $3  }
0x1: {  	(tag) =	ssettag $0x0;
	lr =	simm.s32 $0x1  }
0x2: {  	[smem:$0x3F9D] =	sst lr;
	_ =	strace $0xD0000000  }
0x3: {  	_ = 	snop  }
0x4: {  	_ = 	snop  }
0x5: {  	_ = 	snop  }
0x6: {  	_ = 	snop  }
0x7: {  	_ = 	snop  }
__scs_overlays_trampoline_lowered:
0x8: {  	[smem:$0x3FAC] =	sst s0  }
0x9: {  	[smem:$0x3FAD] =	sst s1  }
0xa: {  	[smem:$0x3FAE] =	sst s2  }
0xb: {  	[smem:$0x3FAF] =	sst s3  }
0xc: {  	[smem:$0x3FB0] =	sst s4  }
0xd: {  	[smem:$0x3FB1] =	sst s5  }
0xe: {  	[smem:$0x3FB2] =	sst s6  }
0xf: {  	[smem:$0x3FB3] =	sst s7  }
0x10: {  	[smem:$0x3FB4] =	sst s8  }
0x11: {  	[smem:$0x3FB5] =	sst s9;
	s0 =	simm.s32 @!p0 $0x0  }
0x12: {  	s1 =	sld [smem:$0x3F9B];
	s0 =	simm.s32 @p0 $0x1  }
0x13: {  	[smem:$0x3FB6] =	sst s0;
	s0 =	simm.s32 @!p1 $0x0  }
0x14: {  	s2 =	sld [smem:$0x3F9A];
	s0 =	simm.s32 @p1 $0x1  }
0x15: {  	[smem:$0x3FB7] =	sst s0;
	s0 =	simm.s32 @!p2 $0x0  }
0x16: {  	s3 =	sld [smem:$0x3FDB];
	s0 =	simm.s32 @p2 $0x1  }
0x17: {  	s4 =	simm.s32 $0x1BF5;
	[smem:$0x3FB9] =	sst s0  }
0x18: {  	s0 =	sld [smem:$0x3F9C];
	_ =	swait.ge [sflag:s4], $0x0  }
0x19: {  	s7 =	sld [smem:$0x3F9D]  }
0x1a: {  	s8 =	sadd.s32 $0xFFFFE003, lr  }
0x1b: {  	s9 =	sadd.s32 $0xFFFFFEF7, lr;
	s5 =	simm.s32 $0xFFFFFFFF;
	p2 =	slt.u32 s8, $0xFFFFF086  }
0x1c: {  	p1 =	slt.u32 s9, $0xF7A;
	s5 =	simm.s32 @!p2 $0x0  }
0x1d: {  	s5 =	simm.s32 @p1 $0x1;
	p0 =	seq.s32 s7, s2  }
0x1e: {  	s7 =	smul.u32 @!p0 $0xF7A, s2;
	p2 =	seq.s32 @!p0 s5, $0x0  }
0x1f: {  	s9 =	smul.u32 $0xF7A, s1;
	s8 =	simm.s32 @!p0 $0x1BF5;
	p2 =	por !p2, p0  }
0x20: {  	[sflag:s8] =	ssyncset.s32 @!p0 $0xFFFFF086;
	s6 =	sadd.s32 @!p0 s3, s7;
	s7 =	simm.s32 @!p0 $0x108  }
0x21: {  	s3 =	sadd.s32 s3, s9;
	s6 =	sadd.s32 @!p0 $0x88, s6;
	s7 =	simm.s32 @p2 $0x1082  }
0x22: {  	[simem:s7], [sflag:s8] =	dma.local @!p0 [hbm:s6], $0xF7A  }
0x23: {  	s9 =	sor.u32 $0xD0000000, s2;
	s6 =	simm.s32 $0x108;
	_ =	swait.ge @!p0 [sflag:s8], $0x0  }
0x24: {  	s3 =	sadd.s32 $0x88, s3;
	s6 =	simm.s32 @!p1 $0x1082;
	[sflag:s4] =	ssyncset.s32 $0xFFFFF086  }
0x25: {  	[simem:s6], [sflag:s4] =	dma.local [hbm:s3], $0xF7A  }
0x26: {  	[smem:$0x3F9D] =	sst s1;
	(tag) =	ssettag s2;
	_ =	strace s9  }
0x27: {  	s1 =	sld [smem:$0x3FAD]  }
0x28: {  	s2 =	sld [smem:$0x3FAE]  }
0x29: {  	s4 =	sld [smem:$0x3FB0]  }
0x2a: {  	p0 =	seq.s32 s5, $0x0;
	s5 =	sld [smem:$0x3FB1]  }
0x2b: {  	s6 =	sld [smem:$0x3FB2]  }
0x2c: {  	s7 =	sld [smem:$0x3FB3]  }
0x2d: {  	s3 =	simm.s32 $0x108;
	s8 =	sld [smem:$0x3FB4]  }
0x2e: {  	s3 =	simm.s32 @!p0 $0x1082;
	s9 =	sld [smem:$0x3FB5]  }
0x2f: {  	lr =	sadd.s32 s0, s3;
	s0 =	sld [smem:$0x3FAC]  }
0x30: {  	s3 =	sld [smem:$0x3FAF]  }
0x31: {  	[smem:$0x3FB8] =	sst s10  }
0x32: {  	s10 =	sld [smem:$0x3FB6];
	_ =	sdelay $0x3  }
0x33: {  	p0 =	seq.s32 s10, $0x1;
	s10 =	sld [smem:$0x3FB8];
	_ =	sdelay $0x3  }
0x34: {  	[smem:$0x3FB8] =	sst s10  }
0x35: {  	s10 =	sld [smem:$0x3FB7];
	_ =	sdelay $0x3  }
0x36: {  	p1 =	seq.s32 s10, $0x1;
	s10 =	sld [smem:$0x3FB8];
	_ =	sdelay $0x3  }
0x37: {  	[smem:$0x3FB8] =	sst s10  }
0x38: {  	s10 =	sld [smem:$0x3FB9]  }
0x39: {  	_ = 	snop;
	(pc) =	sbr.ind lr, $3  }
0x3a: {  	_ = 	snop  }
0x3b: {  	_ = 	snop  }
0x3c: {  	p2 =	seq.s32 s10, $0x1;
	s10 =	sld [smem:$0x3FB8]  }
0x3d: {  	_ =	shalt  }
0x3e: {  	_ =	shalt  }
0x3f: {  	_ =	shalt  }
0x40: {  	_ =	shalt  }
0x41: {  	_ =	shalt  }
0x42: {  	_ =	shalt  }
0x43: {  	_ =	shalt  }
0x44: {  	_ =	shalt  }
0x45: {  	_ =	shalt  }
0x46: {  	_ =	shalt  }
0x47: {  	_ =	shalt  }
0x48: {  	_ =	shalt  }
0x49: {  	_ =	shalt  }
0x4a: {  	_ =	shalt  }
0x4b: {  	_ =	shalt  }
0x4c: {  	_ =	shalt  }
0x4d: {  	_ =	shalt  }
0x4e: {  	_ =	shalt  }
0x4f: {  	_ =	shalt  }
0x50: {  	_ =	shalt  }
0x51: {  	_ =	shalt  }
0x52: {  	_ =	shalt  }
0x53: {  	_ =	shalt  }
0x54: {  	_ =	shalt  }
0x55: {  	_ =	shalt  }
0x56: {  	_ =	shalt  }
0x57: {  	_ =	shalt  }
0x58: {  	_ =	shalt  }
0x59: {  	_ =	shalt  }
0x5a: {  	_ =	shalt  }
0x5b: {  	_ =	shalt  }
0x5c: {  	_ =	shalt  }
0x5d: {  	_ =	shalt  }
0x5e: {  	_ =	shalt  }
0x5f: {  	_ =	shalt  }
0x60: {  	_ =	shalt  }
0x61: {  	_ =	shalt  }
0x62: {  	_ =	shalt  }
0x63: {  	_ =	shalt  }
0x64: {  	_ =	shalt  }
0x65: {  	_ =	shalt  }
0x66: {  	_ =	shalt  }
0x67: {  	_ =	shalt  }
0x68: {  	_ =	shalt  }
0x69: {  	_ =	shalt  }
0x6a: {  	_ =	shalt  }
0x6b: {  	_ =	shalt  }
0x6c: {  	_ =	shalt  }
0x6d: {  	_ =	shalt  }
0x6e: {  	_ =	shalt  }
0x6f: {  	_ =	shalt  }
0x70: {  	_ =	shalt  }
0x71: {  	_ =	shalt  }
0x72: {  	_ =	shalt  }
0x73: {  	_ =	shalt  }
0x74: {  	_ =	shalt  }
0x75: {  	_ =	shalt  }
0x76: {  	_ =	shalt  }
0x77: {  	_ =	shalt  }
0x78: {  	_ =	shalt  }
0x79: {  	_ =	shalt  }
0x7a: {  	_ =	shalt  }
0x7b: {  	_ =	shalt  }
0x7c: {  	_ =	shalt  }
0x7d: {  	_ =	shalt  }
0x7e: {  	_ =	shalt  }
0x7f: {  	_ =	shalt  }
0x80: {  	_ =	shalt  }
0x81: {  	_ =	shalt  }
0x82: {  	_ =	shalt  }
0x83: {  	_ =	shalt  }
0x84: {  	_ =	shalt  }
0x85: {  	_ =	shalt  }
0x86: {  	_ =	shalt  }
0x87: {  	_ =	shalt  }
.Lfunc_end0:
.L_simem_size_0:
called_computation_lowered:
.L_overlay_start_0:
0x88: {  	s2 =	sld [smem:$0x3FD9]  }
0x89: {  	s3 =	sld [smem:$0x3FFE];
	_ =	sdelay $0x1  }
0x8a: {  	s1 =	srdreg.scid  }
0x8b: {  	s0 =	sand.u32 $0x1, s1  }
0x8c: {  	s17 =	sshll.u32 s0, $0xA;
	s2 =	sadd.s32 s3, s2  }
0x8d: {  	s2 =	sadd.s32 s2, s17  }
0x8e: {  	[smem:$0x3FC4] =	sst s2  }
0x8f: {  	_ = 	snop  }
0x90: {  	s2 =	sld [smem:$0x3FC9]  }
0x91: {  	s18 =	sld [smem:$0x3FC8]  }
0x92: {  	s4 =	sld [smem:$0x3FD0];
	(tm) =	ssettm $0x1  }
0x93: {  	s5 =	sld [smem:$0x3FFB];
	_ =	sdelay $0x3  }
0x94: {  	_ =	strace s5  }
0x95: {  	s5 =	sld [smem:$0x3FFC];
	_ =	sdelay $0x3  }
0x96: {  	_ =	strace s5  }
0x97: {  	s5 =	sld [smem:$0x3FFD];
	_ =	sdelay $0x3  }
0x98: {  	_ =	strace s5  }
0x99: {  	_ =	strace $0x8FFFFFFF  }
0x9a: {  	s19 =	sld [smem:$0x3FDB];
	_ =	sdelay $0x1  }
0x9b: {  	s6 =	simm.s32 $_scs_section_size  }
0x9c: {  	s7 =	simm.s32 $_size__tile_overlayer_lowered;
	s8 =	simm.s32 $_tile_overlayer_lowered  }
0x9d: {  	s22 =	simm.s32 $0x1BFF;
	s21 =	sshll.u32 s8, $0x1;
	s5 =	sadd.s32 s6, s19  }
0x9e: {  	s9 =	simm.s32 $0x0;
	s20 =	sshll.u32 s7, $0x1;
	s7 =	sadd.s32 s21, s5  }
0x9f: {  	[timem:s9], [sflag:s22] =	dma.local [hbm:s7], s20  }
0xa0: {  	_ =	swait.ge [sflag:s22], s20  }
0xa1: {  	s6 =	ssub.s32 $0x0, s20;
	[sflag:s22] =	ssyncset.done $0x0  }
0xa2: {  	[sflag:s22] =	ssyncadd.s32 s6;
	_ =	sdelay $0x1  }
0xa3: {  	s23 =	simm.s32 $0x1B8B  }
0xa4: {  	_ =	swait.ge [sflag:s23], $0x1  }
0xa5: {  	[sflag:s23] =	ssyncset.done $0x0  }
0xa6: {  	s25 =	simm.s32 $0x1B8E;
	s24 =	sld [smem:$0x3FFE];
	[sflag:s23] =	ssyncadd.s32 $0xFFFFFFFF  }
0xa7: {  	s26 =	simm.s32 $execute0_lowered;
	[smem:$0x3FD2] =	sst s25  }
0xa8: {  	s7 =	sshll.u32 s26, $0x1;
	_ =	strace $0x80000046;
	[dreg:$0x1] =	wrdreg $0xFFFFFFFF  }
0xa9: {  	s28 =	simm.s32 $_size_execute0_lowered;
	s5 =	sadd.s32 s5, s7;
	[dreg:$0x0] =	wrdreg $0x0  }
0xaa: {  	s7 =	sshll.u32 s28, $0x1;
	[dreg:$0x2] =	wrdreg s5  }
0xab: {  	[dreg:$0x3] =	wrdreg s7  }
0xac: {  	[dreg:$0x4] =	wrdreg $0xC0  }
0xad: {  	_ =	task [dreg:s9], $0x5FFFF  }
0xae: {  	[dreg:$0x1] =	wrdreg $0xFFFFFFFF  }
0xaf: {  	[dreg:$0x0] =	wrdreg $0x60  }
0xb0: {  	[dreg:$0x2] =	wrdreg s2  }
0xb1: {  	[dreg:$0x3] =	wrdreg s18  }
0xb2: {  	[dreg:$0x4] =	wrdreg s24  }
0xb3: {  	[dreg:$0x5] =	wrdreg s4  }
0xb4: {  	[dreg:$0x6] =	wrdreg $0x9  }
0xb5: {  	_ =	task.clear_ibuf [dreg:s9], $0x7FFFF;
	_ =	strace $0x90000046  }
0xb6: {  	s29 =	simm.s32 $0x9;
	_ =	strace $0x80000048  }
0xb7: {  	_ =	swait.ge [sflag:s29], $0x1  }
0xb8: {  	[sflag:s29] =	ssyncadd.s32 $0xFFFFFFFF  }
0xb9: {  	_ =	strace $0x90000048  }
0xba: {  	_ =	sfence  }
0xbb: {  	s30 =	sld [smem:$0x0];
	_ =	sdelay $0x2  }
0xbc: {  	s31 =	sshll.u32 s1, $0xD;
	s1 =	sshrl.u32 s1, $0x2  }
0xbd: {  	s3 =	sand.u32 $0x4000, s31;
	s1 =	sadd.s32 s1, s30  }
0xbe: {  	s0 =	sor.u32 s3, s0;
	s1 =	sshll.u32 s1, $0x11  }
0xbf: {  	s0 =	sor.u32 s1, s0  }
0xc0: {  	s0 =	sadd.s32 $0x8F2B, s0  }
0xc1: {  	[sflag:s0] =	ssyncadd.remote.s32 $0x1  }
0xc2: {  	_ =	sfence.sel $0xFFFF  }
0xc3: {  	[dreg:$0x0] =	wrdreg $0xFFFFFFFF;
	(pc) =	sbr.abs _section_cstart, $3  }
0xc4: {  	[dreg:$0x1] =	wrdreg $0xFFFFFFFF  }
0xc5: {  	_ =	task.clear_ibuf [dreg:s9], $0x2FFFF;
	_ =	strace $0x9FFFFFFF  }
0xc6: {  	(tm) =	ssettm $0x7FFFFFFF  }
0xc7: {  	_ =	shalt  }
tec
execute0_lowered:
.L_overlay_start_1:
0x0: {  	(tag) =	ssettag $0x1  }
0x1: {  	s0 =	rddreg [dreg:$0x0]  }
0x2: {  	s6 =	rddreg [dreg:$0x1]  }
0x3: {  	s4 =	rddreg [dreg:$0x2]  }
0x4: {  	s7 =	rddreg [dreg:$0x3];
	s1 =	simm.s32 $0x0  }
0x5: {  	s5 =	srdreg.scid;
	s2 =	stileid.u32;
	s11 =	simm.s32 $0x80  }
0x6: {  	s13 =	simm.s32 $0x800;
	s15 =	simm.s32 $0x8800;
	s16 =	simm.s32 $0x480  }
0x7: {  	s17 =	simm.s32 $0x4800;
	s18 =	simm.s32 $0x680;
	s19 =	simm.s32 $0xC800  }
0x8: {  	v0 =	vlaneseq.u32;
	s20 =	simm.s32 $0x1;
	s21 =	simm.s32 $0x10800;
	s22 =	simm.s32 $0x500  }
0x9: {  	s23 =	simm.s32 $0x700;
	s24 =	simm.s32 $0x580;
	s25 =	simm.s32 $0x780;
	v0 =	vmul.u32 $0x80, v0  }
0xa: {  	s26 =	simm.s32 $0x11000;
	s28 =	simm.s32 $0x0;
	[smem:$0x7FF] =	sst s1  }
0xb: {  	s3 =	sadd.s32 $0xF42800, s4;
	s5 =	sand.u32 $0x1, s5;
	s9 =	sshll.u32 s2, $0x7;
	v1 =	vor.u32 $0x1, v0;
	v2 =	vor.u32 $0x2, v0;
	v3 =	vor.u32 $0x3, v0  }
0xc: {  	s4 =	sadd.s32 $0x16E3A00, s4;
	s8 =	ssub.s32 $0x2, s5;
	s5 =	sshll.u32 s5, $0x6;
	v4 =	vor.u32 $0x4, v0;
	v5 =	vor.u32 $0x5, v0;
	v6 =	vor.u32 $0x6, v0  }
0xd: {  	_ =	strace $0x80000047;
	s10 =	sshrl.u32 s8, $0x1;
	s9 =	sor.u32 s5, s9;
	v7 =	vor.u32 $0x7, v0;
	v8 =	vor.u32 $0x8, v0;
	v9 =	vor.u32 $0x9, v0  }
0xe: {  	v10 =	vor.u32 $0xA, v0;
	v11 =	vor.u32 $0xB, v0;
	v12 =	vor.u32 $0xC, v0;
	s8 =	ssub.s32 s8, s10;
	s5 =	sadd.s32 s0, s9;
	s6 =	sadd.s32 s6, s9  }
0xf: {  	v13 =	vor.u32 $0xD, v0;
	v14 =	vor.u32 $0xE, v0;
	v15 =	vor.u32 $0xF, v0;
	s7 =	sadd.s32 s7, s9;
	s9 =	simm.s32 $0x2;
	s8 =	smax.u32 s8, $0x1  }
.LBB2_1:
0x10: {  	[tilespmem:s1], [sflag:$0x2] =	stream.linear.gather [hbm4b:s5+s1], $0x200, $0x38;
	[tilespmem:$0x11200] =	vst v63  }
0x11: {  	_ =	swait.ge [sflag:s9], $0x200  }
0x12: {  	[sflag:s9] =	ssyncset.done $0x0  }
0x13: {  	s0 =	simm.s32 $0x200;
	[sflag:s9] =	ssyncadd.s32 $0xFFFFFE00  }
0x14: {  	[tilespmem:s0], [sflag:$0x2] =	stream.linear.gather [hbm4b:s6+s1], $0x200, $0x38;
	[tilespmem:$0x11200] =	vst v63  }
0x15: {  	_ =	swait.ge [sflag:s9], $0x200  }
0x16: {  	[sflag:s9] =	ssyncset.done $0x0  }
0x17: {  	s0 =	simm.s32 $0x0;
	[sflag:s9] =	ssyncadd.s32 $0xFFFFFE00  }
0x18: {  	v16 =	vld [tilespmem:s0+$0x200]  }
0x19: {  	s29 =	simm.s32 $0x40;
	v17 =	vld [tilespmem:s0+$0x0]  }
.LBB2_2:
0x1a: {  	p0 =	sne.s32 s29, $0x7C0  }
.Ltmp0:
0x1b: {  	_ = 	snop;
	(pc) =	sbr.rel @p0 .LBB2_2-.Ltmp0, $4  }
0x1c: {  	_ = 	snop  }
0x1d: {  	s30 =	sshra.s32 s29, $0x2;
	s29 =	sadd.s32 $0x40, s29;
	v18 =	vshrl.u32 v16, $0x1  }
0x1e: {  	v16 =	vld [tilespmem:s30+$0x200];
	v19 =	vshrl.u32 v17, $0x1;
	[tilespmem:s0+$0x600] =	vst v18  }
0x1f: {  	v17 =	vld [tilespmem:s30+$0x0];
	[tilespmem:s0+$0x400] =	vst v19;
	s0 =	smov.u32 s30  }
0x20: {  	_ =	sdelay $0x2  }
0x21: {  	v16 =	vshrl.u32 v16, $0x1  }
0x22: {  	v17 =	vshrl.u32 v17, $0x1;
	[tilespmem:s0+$0x600] =	vst v16  }
0x23: {  	s12 =	simm.s32 $0x400;
	[tilespmem:s0+$0x400] =	vst v17  }
0x24: {  	[tilespmem:s13], [sflag:$0x1] =	stream.indirect.gather [hbm4b:s3+s11], $0x80, s12, s11, $0xb8;
	[tilespmem:$0x11200] =	vst v63  }
0x25: {  	s14 =	simm.s32 $0x600  }
0x26: {  	[tilespmem:s15], [sflag:$0x1] =	stream.indirect.gather [hbm4b:s4+s11], $0x80, s14, s11, $0xb8;
	[tilespmem:$0x11200] =	vst v63  }
0x27: {  	_ = 	snop  }
0x28: {  	[tilespmem:s17], [sflag:$0x1] =	stream.indirect.gather [hbm4b:s3+s11], $0x80, s16, s11, $0xb8;
	[tilespmem:$0x11200] =	vst v63  }
0x29: {  	_ = 	snop  }
0x2a: {  	[tilespmem:s19], [sflag:$0x1] =	stream.indirect.gather [hbm4b:s4+s11], $0x80, s18, s11, $0xb8;
	[tilespmem:$0x11200] =	vst v63  }
0x2b: {  	_ =	swait.ge [sflag:s20], $0x4000  }
0x2c: {  	[sflag:s20] =	ssyncset.done $0x0  }
0x2d: {  	[sflag:s20] =	ssyncadd.s32 $0xFFFFC000  }
0x2e: {  	_ =	swait.ge [sflag:s20], $0x4000  }
0x2f: {  	[sflag:s20] =	ssyncset.done $0x0  }
0x30: {  	[sflag:s20] =	ssyncadd.s32 $0xFFFFC000  }
0x31: {  	_ =	swait.ge [sflag:s20], $0x4000  }
0x32: {  	[sflag:s20] =	ssyncset.done $0x0  }
0x33: {  	[sflag:s20] =	ssyncadd.s32 $0xFFFFC000  }
0x34: {  	_ =	swait.ge [sflag:s20], $0x4000  }
0x35: {  	s29 =	simm.s32 $0x0;
	s30 =	simm.s32 $0x200;
	[sflag:s20] =	ssyncset.done $0x0  }
0x36: {  	s31 =	simm.s32 $0x11000;
	s0 =	simm.s32 $0x0;
	[sflag:s20] =	ssyncadd.s32 $0xFFFFC000  }
.LBB2_4:
0x37: {  	v16 =	vld [tilespmem:s29+$0x0];
	_ =	sdelay $0x1  }
0x38: {  	v17 =	vld [tilespmem:s30+$0x0];
	_ =	sdelay $0x2  }
0x39: {  	v16 =	vshll.u32 v16, $0x6  }
0x3a: {  	s2 =	sshra.s32 s0, $0x2;
	v16 =	vand.u32 $0x40, v16  }
0x3b: {  	v17 =	vshll.u32 v17, $0x6;
	v16 =	vadd.s32 s2, v16  }
0x3c: {  	v17 =	vand.u32 $0x40, v17;
	(v2sf) =	vpush v16, $0x1  }
0x3d: {  	v17 =	vadd.s32 s2, v17;
	(v2sf) =	vpush v16, $0x0  }
0x3e: {  	(v2sf) =	vpush v17, $0x1  }
0x3f: {  	(v2sf) =	vpush v17, $0x0;
	_ =	sdelay $0xb  }
0x40: {  	s2 =	spop (v2sf)  }
0x41: {  	s10 =	spop (v2sf)  }
0x42: {  	s12 =	spop (v2sf);
	v18 =	vld [tilespmem:s10+$0x800]  }
0x43: {  	v20 =	vld [tilespmem:s10+$0x810];
	s14 =	spop (v2sf)  }
0x44: {  	v19 =	vld [tilespmem:s14+$0x8800]  }
0x45: {  	v21 =	vld [tilespmem:s14+$0x8810]  }
0x46: {  	v22 =	vld [tilespmem:s10+$0x820]  }
0x47: {  	v23 =	vld [tilespmem:s14+$0x8820]  }
0x48: {  	v24 =	vld [tilespmem:s10+$0x830]  }
0x49: {  	v25 =	vld [tilespmem:s14+$0x8830]  }
0x4a: {  	v18 =	vmul.f32 v19, v18;
	v60 =	vmul.f32 v21, v20;
	_ =	sdelay $0x1  }
0x4b: {  	v61 =	vmul.f32 v23, v22;
	v18 =	vadd.f32 v60, v18;
	_ =	sdelay $0x1  }
0x4c: {  	v62 =	vmul.f32 v25, v24;
	v18 =	vadd.f32 v61, v18;
	_ =	sdelay $0x1  }
0x4d: {  	v18 =	vadd.f32 v62, v18;
	_ =	sdelay $0x1  }
0x4e: {  	(v2sf) =	vpush v16, $0x3;
	[tilespmem:$0x10800] =	vst v18  }
0x4f: {  	(v2sf) =	vpush v16, $0x2;
	v18 =	vld [tilespmem:s2+$0x880]  }
0x50: {  	(v2sf) =	vpush v17, $0x3;
	v63 =	vld [tilespmem:s12+$0x8880]  }
0x51: {  	(v2sf) =	vpush v17, $0x2;
	v28 =	vld [tilespmem:s2+$0x890]  }
0x52: {  	v29 =	vld [tilespmem:s12+$0x8890]  }
0x53: {  	v30 =	vld [tilespmem:s2+$0x8A0]  }
0x54: {  	v31 =	vld [tilespmem:s12+$0x88A0]  }
0x55: {  	v32 =	vld [tilespmem:s2+$0x8B0]  }
0x56: {  	v33 =	vld [tilespmem:s12+$0x88B0]  }
0x57: {  	v18 =	vmul.f32 v63, v18;
	v34 =	vmul.f32 v29, v28;
	_ =	sdelay $0x1  }
0x58: {  	v35 =	vmul.f32 v31, v30;
	v18 =	vadd.f32 v34, v18;
	_ =	sdelay $0x1  }
0x59: {  	v36 =	vmul.f32 v33, v32;
	v18 =	vadd.f32 v35, v18;
	_ =	sdelay $0x1  }
0x5a: {  	s2 =	spop (v2sf);
	v18 =	vadd.f32 v36, v18  }
0x5b: {  	s10 =	spop (v2sf)  }
0x5c: {  	s12 =	spop (v2sf);
	[tilespmem:$0x10880] =	vst v18  }
0x5d: {  	s14 =	spop (v2sf);
	v18 =	vld [tilespmem:s10+$0x900]  }
0x5e: {  	v37 =	vld [tilespmem:s14+$0x8900]  }
0x5f: {  	v38 =	vld [tilespmem:s10+$0x910]  }
0x60: {  	v39 =	vld [tilespmem:s14+$0x8910]  }
0x61: {  	v40 =	vld [tilespmem:s10+$0x920]  }
0x62: {  	v41 =	vld [tilespmem:s14+$0x8920]  }
0x63: {  	v42 =	vld [tilespmem:s10+$0x930]  }
0x64: {  	v43 =	vld [tilespmem:s14+$0x8930]  }
0x65: {  	v18 =	vmul.f32 v37, v18;
	v44 =	vmul.f32 v39, v38;
	_ =	sdelay $0x1  }
0x66: {  	v45 =	vmul.f32 v41, v40;
	v18 =	vadd.f32 v44, v18;
	_ =	sdelay $0x1  }
0x67: {  	v46 =	vmul.f32 v43, v42;
	v18 =	vadd.f32 v45, v18;
	_ =	sdelay $0x1  }
0x68: {  	v18 =	vadd.f32 v46, v18;
	_ =	sdelay $0x1  }
0x69: {  	(v2sf) =	vpush v16, $0x5;
	[tilespmem:$0x10900] =	vst v18  }
0x6a: {  	(v2sf) =	vpush v16, $0x4;
	v18 =	vld [tilespmem:s2+$0x980]  }
0x6b: {  	(v2sf) =	vpush v17, $0x5;
	v47 =	vld [tilespmem:s12+$0x8980]  }
0x6c: {  	(v2sf) =	vpush v17, $0x4;
	v48 =	vld [tilespmem:s2+$0x990]  }
0x6d: {  	v49 =	vld [tilespmem:s12+$0x8990]  }
0x6e: {  	v50 =	vld [tilespmem:s2+$0x9A0]  }
0x6f: {  	v51 =	vld [tilespmem:s12+$0x89A0]  }
0x70: {  	v52 =	vld [tilespmem:s2+$0x9B0]  }
0x71: {  	v53 =	vld [tilespmem:s12+$0x89B0]  }
0x72: {  	v18 =	vmul.f32 v47, v18;
	v54 =	vmul.f32 v49, v48;
	_ =	sdelay $0x1  }
0x73: {  	v55 =	vmul.f32 v51, v50;
	v18 =	vadd.f32 v54, v18;
	_ =	sdelay $0x1  }
0x74: {  	v56 =	vmul.f32 v53, v52;
	v18 =	vadd.f32 v55, v18;
	_ =	sdelay $0x1  }
0x75: {  	s2 =	spop (v2sf);
	v18 =	vadd.f32 v56, v18  }
0x76: {  	s10 =	spop (v2sf)  }
0x77: {  	s12 =	spop (v2sf);
	[tilespmem:$0x10980] =	vst v18  }
0x78: {  	s14 =	spop (v2sf);
	v18 =	vld [tilespmem:s10+$0xA00]  }
0x79: {  	v57 =	vld [tilespmem:s14+$0x8A00]  }
0x7a: {  	v58 =	vld [tilespmem:s10+$0xA10]  }
0x7b: {  	v59 =	vld [tilespmem:s14+$0x8A10]  }
0x7c: {  	v60 =	vld [tilespmem:s10+$0xA20]  }
0x7d: {  	v61 =	vld [tilespmem:s14+$0x8A20]  }
0x7e: {  	v62 =	vld [tilespmem:s10+$0xA30]  }
0x7f: {  	v63 =	vld [tilespmem:s14+$0x8A30]  }
0x80: {  	v18 =	vmul.f32 v57, v18;
	v26 =	vmul.f32 v59, v58;
	_ =	sdelay $0x1  }
0x81: {  	v27 =	vmul.f32 v61, v60;
	v18 =	vadd.f32 v26, v18;
	_ =	sdelay $0x1  }
0x82: {  	v28 =	vmul.f32 v63, v62;
	v18 =	vadd.f32 v27, v18;
	_ =	sdelay $0x1  }
0x83: {  	v18 =	vadd.f32 v28, v18;
	_ =	sdelay $0x1  }
0x84: {  	(v2sf) =	vpush v16, $0x7;
	[tilespmem:$0x10A00] =	vst v18  }
0x85: {  	(v2sf) =	vpush v16, $0x6;
	v18 =	vld [tilespmem:s2+$0xA80]  }
0x86: {  	(v2sf) =	vpush v17, $0x7;
	v29 =	vld [tilespmem:s12+$0x8A80]  }
0x87: {  	(v2sf) =	vpush v17, $0x6;
	v30 =	vld [tilespmem:s2+$0xA90]  }
0x88: {  	v31 =	vld [tilespmem:s12+$0x8A90]  }
0x89: {  	v32 =	vld [tilespmem:s2+$0xAA0]  }
0x8a: {  	v33 =	vld [tilespmem:s12+$0x8AA0]  }
0x8b: {  	v34 =	vld [tilespmem:s2+$0xAB0]  }
0x8c: {  	v35 =	vld [tilespmem:s12+$0x8AB0]  }
0x8d: {  	v18 =	vmul.f32 v29, v18;
	v36 =	vmul.f32 v31, v30;
	_ =	sdelay $0x1  }
0x8e: {  	v37 =	vmul.f32 v33, v32;
	v18 =	vadd.f32 v36, v18;
	_ =	sdelay $0x1  }
0x8f: {  	v38 =	vmul.f32 v35, v34;
	v18 =	vadd.f32 v37, v18;
	_ =	sdelay $0x1  }
0x90: {  	s2 =	spop (v2sf);
	v18 =	vadd.f32 v38, v18  }
0x91: {  	s10 =	spop (v2sf)  }
0x92: {  	s12 =	spop (v2sf);
	[tilespmem:$0x10A80] =	vst v18  }
0x93: {  	s14 =	spop (v2sf);
	v18 =	vld [tilespmem:s10+$0xB00]  }
0x94: {  	v39 =	vld [tilespmem:s14+$0x8B00]  }
0x95: {  	v40 =	vld [tilespmem:s10+$0xB10]  }
0x96: {  	v41 =	vld [tilespmem:s14+$0x8B10]  }
0x97: {  	v42 =	vld [tilespmem:s10+$0xB20]  }
0x98: {  	v43 =	vld [tilespmem:s14+$0x8B20]  }
0x99: {  	v44 =	vld [tilespmem:s10+$0xB30]  }
0x9a: {  	v45 =	vld [tilespmem:s14+$0x8B30]  }
0x9b: {  	v18 =	vmul.f32 v39, v18;
	v46 =	vmul.f32 v41, v40;
	_ =	sdelay $0x1  }
0x9c: {  	v47 =	vmul.f32 v43, v42;
	v18 =	vadd.f32 v46, v18;
	_ =	sdelay $0x1  }
0x9d: {  	v48 =	vmul.f32 v45, v44;
	v18 =	vadd.f32 v47, v18;
	_ =	sdelay $0x1  }
0x9e: {  	v18 =	vadd.f32 v48, v18;
	_ =	sdelay $0x1  }
0x9f: {  	(v2sf) =	vpush v16, $0x9;
	[tilespmem:$0x10B00] =	vst v18  }
0xa0: {  	(v2sf) =	vpush v16, $0x8;
	v18 =	vld [tilespmem:s2+$0xB80]  }
0xa1: {  	(v2sf) =	vpush v17, $0x9;
	v49 =	vld [tilespmem:s12+$0x8B80]  }
0xa2: {  	(v2sf) =	vpush v17, $0x8;
	v50 =	vld [tilespmem:s2+$0xB90]  }
0xa3: {  	v51 =	vld [tilespmem:s12+$0x8B90]  }
0xa4: {  	v52 =	vld [tilespmem:s2+$0xBA0]  }
0xa5: {  	v53 =	vld [tilespmem:s12+$0x8BA0]  }
0xa6: {  	v54 =	vld [tilespmem:s2+$0xBB0]  }
0xa7: {  	v55 =	vld [tilespmem:s12+$0x8BB0]  }
0xa8: {  	v18 =	vmul.f32 v49, v18;
	v56 =	vmul.f32 v51, v50;
	_ =	sdelay $0x1  }
0xa9: {  	v57 =	vmul.f32 v53, v52;
	v18 =	vadd.f32 v56, v18;
	_ =	sdelay $0x1  }
0xaa: {  	v58 =	vmul.f32 v55, v54;
	v18 =	vadd.f32 v57, v18;
	_ =	sdelay $0x1  }
0xab: {  	s2 =	spop (v2sf);
	v18 =	vadd.f32 v58, v18  }
0xac: {  	s10 =	spop (v2sf)  }
0xad: {  	s12 =	spop (v2sf);
	[tilespmem:$0x10B80] =	vst v18  }
0xae: {  	s14 =	spop (v2sf);
	v18 =	vld [tilespmem:s10+$0xC00]  }
0xaf: {  	v59 =	vld [tilespmem:s14+$0x8C00]  }
0xb0: {  	v60 =	vld [tilespmem:s10+$0xC10]  }
0xb1: {  	v61 =	vld [tilespmem:s14+$0x8C10]  }
0xb2: {  	v62 =	vld [tilespmem:s10+$0xC20]  }
0xb3: {  	v63 =	vld [tilespmem:s14+$0x8C20]  }
0xb4: {  	v28 =	vld [tilespmem:s10+$0xC30]  }
0xb5: {  	v29 =	vld [tilespmem:s14+$0x8C30]  }
0xb6: {  	v18 =	vmul.f32 v59, v18;
	v30 =	vmul.f32 v61, v60;
	_ =	sdelay $0x1  }
0xb7: {  	v31 =	vmul.f32 v63, v62;
	v18 =	vadd.f32 v30, v18;
	_ =	sdelay $0x1  }
0xb8: {  	v32 =	vmul.f32 v29, v28;
	v18 =	vadd.f32 v31, v18;
	_ =	sdelay $0x1  }
0xb9: {  	v18 =	vadd.f32 v32, v18;
	_ =	sdelay $0x1  }
0xba: {  	(v2sf) =	vpush v16, $0xB;
	[tilespmem:$0x10C00] =	vst v18  }
0xbb: {  	(v2sf) =	vpush v16, $0xA;
	v18 =	vld [tilespmem:s2+$0xC80]  }
0xbc: {  	(v2sf) =	vpush v17, $0xB;
	v33 =	vld [tilespmem:s12+$0x8C80]  }
0xbd: {  	(v2sf) =	vpush v17, $0xA;
	v34 =	vld [tilespmem:s2+$0xC90]  }
0xbe: {  	v35 =	vld [tilespmem:s12+$0x8C90]  }
0xbf: {  	v36 =	vld [tilespmem:s2+$0xCA0]  }
0xc0: {  	v37 =	vld [tilespmem:s12+$0x8CA0]  }
0xc1: {  	v38 =	vld [tilespmem:s2+$0xCB0]  }
0xc2: {  	v39 =	vld [tilespmem:s12+$0x8CB0]  }
0xc3: {  	v18 =	vmul.f32 v33, v18;
	v40 =	vmul.f32 v35, v34;
	_ =	sdelay $0x1  }
0xc4: {  	v41 =	vmul.f32 v37, v36;
	v18 =	vadd.f32 v40, v18;
	_ =	sdelay $0x1  }
0xc5: {  	v42 =	vmul.f32 v39, v38;
	v18 =	vadd.f32 v41, v18;
	_ =	sdelay $0x1  }
0xc6: {  	s2 =	spop (v2sf);
	v18 =	vadd.f32 v42, v18  }
0xc7: {  	s10 =	spop (v2sf)  }
0xc8: {  	s12 =	spop (v2sf);
	[tilespmem:$0x10C80] =	vst v18  }
0xc9: {  	s14 =	spop (v2sf);
	v18 =	vld [tilespmem:s10+$0xD00]  }
0xca: {  	v43 =	vld [tilespmem:s14+$0x8D00]  }
0xcb: {  	v44 =	vld [tilespmem:s10+$0xD10]  }
0xcc: {  	v45 =	vld [tilespmem:s14+$0x8D10]  }
0xcd: {  	v46 =	vld [tilespmem:s10+$0xD20]  }
0xce: {  	v47 =	vld [tilespmem:s14+$0x8D20]  }
0xcf: {  	v48 =	vld [tilespmem:s10+$0xD30]  }
0xd0: {  	v49 =	vld [tilespmem:s14+$0x8D30]  }
0xd1: {  	v18 =	vmul.f32 v43, v18;
	v50 =	vmul.f32 v45, v44;
	_ =	sdelay $0x1  }
0xd2: {  	v51 =	vmul.f32 v47, v46;
	v18 =	vadd.f32 v50, v18;
	_ =	sdelay $0x1  }
0xd3: {  	v52 =	vmul.f32 v49, v48;
	v18 =	vadd.f32 v51, v18;
	_ =	sdelay $0x1  }
0xd4: {  	v18 =	vadd.f32 v52, v18;
	_ =	sdelay $0x1  }
0xd5: {  	(v2sf) =	vpush v16, $0xD;
	[tilespmem:$0x10D00] =	vst v18  }
0xd6: {  	(v2sf) =	vpush v16, $0xC;
	v18 =	vld [tilespmem:s2+$0xD80]  }
0xd7: {  	(v2sf) =	vpush v17, $0xD;
	v53 =	vld [tilespmem:s12+$0x8D80]  }
0xd8: {  	(v2sf) =	vpush v17, $0xC;
	v54 =	vld [tilespmem:s2+$0xD90]  }
0xd9: {  	v55 =	vld [tilespmem:s12+$0x8D90]  }
0xda: {  	v56 =	vld [tilespmem:s2+$0xDA0]  }
0xdb: {  	v57 =	vld [tilespmem:s12+$0x8DA0]  }
0xdc: {  	v58 =	vld [tilespmem:s2+$0xDB0]  }
0xdd: {  	v59 =	vld [tilespmem:s12+$0x8DB0]  }
0xde: {  	v18 =	vmul.f32 v53, v18;
	v60 =	vmul.f32 v55, v54;
	_ =	sdelay $0x1  }
0xdf: {  	v61 =	vmul.f32 v57, v56;
	v18 =	vadd.f32 v60, v18;
	_ =	sdelay $0x1  }
0xe0: {  	v62 =	vmul.f32 v59, v58;
	v18 =	vadd.f32 v61, v18;
	_ =	sdelay $0x1  }
0xe1: {  	s2 =	spop (v2sf);
	v18 =	vadd.f32 v62, v18  }
0xe2: {  	s10 =	spop (v2sf)  }
0xe3: {  	s12 =	spop (v2sf);
	[tilespmem:$0x10D80] =	vst v18  }
0xe4: {  	s14 =	spop (v2sf);
	v18 =	vld [tilespmem:s10+$0xE00]  }
0xe5: {  	v63 =	vld [tilespmem:s14+$0x8E00]  }
0xe6: {  	v28 =	vld [tilespmem:s10+$0xE10]  }
0xe7: {  	v29 =	vld [tilespmem:s14+$0x8E10]  }
0xe8: {  	v30 =	vld [tilespmem:s10+$0xE20]  }
0xe9: {  	v31 =	vld [tilespmem:s14+$0x8E20]  }
0xea: {  	v32 =	vld [tilespmem:s10+$0xE30]  }
0xeb: {  	v33 =	vld [tilespmem:s14+$0x8E30]  }
0xec: {  	v18 =	vmul.f32 v63, v18;
	v34 =	vmul.f32 v29, v28;
	_ =	sdelay $0x1  }
0xed: {  	v35 =	vmul.f32 v31, v30;
	v18 =	vadd.f32 v34, v18;
	_ =	sdelay $0x1  }
0xee: {  	v36 =	vmul.f32 v33, v32;
	v18 =	vadd.f32 v35, v18;
	_ =	sdelay $0x1  }
0xef: {  	v18 =	vadd.f32 v36, v18;
	_ =	sdelay $0x1  }
0xf0: {  	(v2sf) =	vpush v16, $0xF;
	[tilespmem:$0x10E00] =	vst v18  }
0xf1: {  	(v2sf) =	vpush v16, $0xE;
	v18 =	vld [tilespmem:s2+$0xE80]  }
0xf2: {  	(v2sf) =	vpush v17, $0xF;
	v16 =	vld [tilespmem:s12+$0x8E80]  }
0xf3: {  	(v2sf) =	vpush v17, $0xE;
	v37 =	vld [tilespmem:s2+$0xE90]  }
0xf4: {  	v17 =	vld [tilespmem:s12+$0x8E90]  }
0xf5: {  	v38 =	vld [tilespmem:s2+$0xEA0]  }
0xf6: {  	v39 =	vld [tilespmem:s12+$0x8EA0]  }
0xf7: {  	v40 =	vld [tilespmem:s2+$0xEB0]  }
0xf8: {  	v41 =	vld [tilespmem:s12+$0x8EB0]  }
0xf9: {  	v16 =	vmul.f32 v16, v18;
	v17 =	vmul.f32 v17, v37;
	_ =	sdelay $0x1  }
0xfa: {  	v16 =	vadd.f32 v17, v16;
	v17 =	vmul.f32 v39, v38;
	_ =	sdelay $0x1  }
0xfb: {  	v16 =	vadd.f32 v17, v16;
	v17 =	vmul.f32 v41, v40;
	_ =	sdelay $0x1  }
0xfc: {  	s2 =	spop (v2sf);
	v16 =	vadd.f32 v17, v16  }
0xfd: {  	s10 =	spop (v2sf)  }
0xfe: {  	s12 =	spop (v2sf);
	[tilespmem:$0x10E80] =	vst v16  }
0xff: {  	s14 =	spop (v2sf);
	v16 =	vld [tilespmem:s10+$0xF00]  }
0x100: {  	v17 =	vld [tilespmem:s14+$0x8F00]  }
0x101: {  	v42 =	vld [tilespmem:s10+$0xF10]  }
0x102: {  	v43 =	vld [tilespmem:s14+$0x8F10]  }
0x103: {  	v44 =	vld [tilespmem:s10+$0xF20]  }
0x104: {  	v45 =	vld [tilespmem:s14+$0x8F20]  }
0x105: {  	v46 =	vld [tilespmem:s10+$0xF30]  }
0x106: {  	v47 =	vld [tilespmem:s14+$0x8F30]  }
0x107: {  	v16 =	vmul.f32 v17, v16;
	v17 =	vmul.f32 v43, v42;
	_ =	sdelay $0x1  }
0x108: {  	v16 =	vadd.f32 v17, v16;
	v17 =	vmul.f32 v45, v44;
	_ =	sdelay $0x1  }
0x109: {  	v16 =	vadd.f32 v17, v16;
	v17 =	vmul.f32 v47, v46;
	_ =	sdelay $0x1  }
0x10a: {  	v16 =	vadd.f32 v17, v16;
	_ =	sdelay $0x1  }
0x10b: {  	[tilespmem:$0x10F00] =	vst v16  }
0x10c: {  	v16 =	vld [tilespmem:s2+$0xF80]  }
0x10d: {  	v17 =	vld [tilespmem:s12+$0x8F80]  }
0x10e: {  	v48 =	vld [tilespmem:s2+$0xF90]  }
0x10f: {  	v49 =	vld [tilespmem:s12+$0x8F90]  }
0x110: {  	v50 =	vld [tilespmem:s2+$0xFA0]  }
0x111: {  	v51 =	vld [tilespmem:s12+$0x8FA0]  }
0x112: {  	v52 =	vld [tilespmem:s2+$0xFB0]  }
0x113: {  	v53 =	vld [tilespmem:s12+$0x8FB0]  }
0x114: {  	v16 =	vmul.f32 v17, v16;
	v17 =	vmul.f32 v49, v48;
	_ =	sdelay $0x1  }
0x115: {  	v16 =	vadd.f32 v17, v16;
	v17 =	vmul.f32 v51, v50;
	_ =	sdelay $0x1  }
0x116: {  	v16 =	vadd.f32 v17, v16;
	v17 =	vmul.f32 v53, v52;
	_ =	sdelay $0x1  }
0x117: {  	v16 =	vadd.f32 v17, v16;
	_ =	sdelay $0x1  }
0x118: {  	[tilespmem:$0x10F80] =	vst v16  }
0x119: {  	v16 =	vld.idx.msk [tilespmem:v0+s21+$0x0], $0xffff  }
0x11a: {  	v17 =	vld.idx.msk [tilespmem:v1+s21+$0x0], $0xffff;
	_ =	sdelay $0x1  }
0x11b: {  	v54 =	vld.idx.msk [tilespmem:v2+s21+$0x0], $0xffff;
	_ =	sdelay $0x1  }
0x11c: {  	v55 =	vld.idx.msk [tilespmem:v3+s21+$0x0], $0xffff  }
0x11d: {  	v16 =	vadd.f32 v17, v16  }
0x11e: {  	v17 =	vld.idx.msk [tilespmem:v4+s21+$0x0], $0xffff  }
0x11f: {  	v16 =	vadd.f32 v54, v16  }
0x120: {  	v56 =	vld.idx.msk [tilespmem:v5+s21+$0x0], $0xffff  }
0x121: {  	v16 =	vadd.f32 v55, v16  }
0x122: {  	v57 =	vld.idx.msk [tilespmem:v6+s21+$0x0], $0xffff  }
0x123: {  	v16 =	vadd.f32 v17, v16  }
0x124: {  	v17 =	vld.idx.msk [tilespmem:v7+s21+$0x0], $0xffff  }
0x125: {  	v16 =	vadd.f32 v56, v16  }
0x126: {  	v58 =	vld.idx.msk [tilespmem:v8+s21+$0x0], $0xffff  }
0x127: {  	v16 =	vadd.f32 v57, v16  }
0x128: {  	v59 =	vld.idx.msk [tilespmem:v9+s21+$0x0], $0xffff  }
0x129: {  	v16 =	vadd.f32 v17, v16  }
0x12a: {  	v17 =	vld.idx.msk [tilespmem:v10+s21+$0x0], $0xffff  }
0x12b: {  	v16 =	vadd.f32 v58, v16  }
0x12c: {  	v60 =	vld.idx.msk [tilespmem:v11+s21+$0x0], $0xffff  }
0x12d: {  	v16 =	vadd.f32 v59, v16  }
0x12e: {  	v61 =	vld.idx.msk [tilespmem:v12+s21+$0x0], $0xffff  }
0x12f: {  	v16 =	vadd.f32 v17, v16  }
0x130: {  	v17 =	vld.idx.msk [tilespmem:v13+s21+$0x0], $0xffff  }
0x131: {  	v16 =	vadd.f32 v60, v16  }
0x132: {  	v62 =	vld.idx.msk [tilespmem:v14+s21+$0x0], $0xffff  }
0x133: {  	v16 =	vadd.f32 v61, v16  }
0x134: {  	v63 =	vld.idx.msk [tilespmem:v15+s21+$0x0], $0xffff  }
0x135: {  	v16 =	vadd.f32 v17, v16  }
0x136: {  	p0 =	sne.s32 s0, $0x1E000  }
.Ltmp1:
0x137: {  	v16 =	vadd.f32 v62, v16;
	(pc) =	sbr.rel @p0 .LBB2_4-.Ltmp1, $4  }
0x138: {  	_ = 	snop  }
0x139: {  	v16 =	vadd.f32 v63, v16  }
0x13a: {  	s29 =	sadd.s32 $0x10, s29  }
0x13b: {  	s30 =	sadd.s32 $0x10, s30;
	s0 =	sadd.s32 $0x2000, s0;
	[tilespmem:s31+$0x0] =	vst v16;
	s31 =	sadd.s32 $0x10, s31  }
0x13c: {  	[tilespmem:s13], [sflag:$0x1] =	stream.indirect.gather [hbm4b:s3+s11], $0x80, s22, s11, $0xb8;
	[tilespmem:$0x11200] =	vst v63  }
0x13d: {  	_ = 	snop  }
0x13e: {  	[tilespmem:s15], [sflag:$0x1] =	stream.indirect.gather [hbm4b:s4+s11], $0x80, s23, s11, $0xb8;
	[tilespmem:$0x11200] =	vst v63  }
0x13f: {  	_ = 	snop  }
0x140: {  	[tilespmem:s17], [sflag:$0x1] =	stream.indirect.gather [hbm4b:s3+s11], $0x80, s24, s11, $0xb8;
	[tilespmem:$0x11200] =	vst v63  }
0x141: {  	_ = 	snop  }
0x142: {  	[tilespmem:s19], [sflag:$0x1] =	stream.indirect.gather [hbm4b:s4+s11], $0x80, s25, s11, $0xb8;
	[tilespmem:$0x11200] =	vst v63  }
0x143: {  	_ =	swait.ge [sflag:s20], $0x4000  }
0x144: {  	[sflag:s20] =	ssyncset.done $0x0  }
0x145: {  	[sflag:s20] =	ssyncadd.s32 $0xFFFFC000  }
0x146: {  	_ =	swait.ge [sflag:s20], $0x4000  }
0x147: {  	[sflag:s20] =	ssyncset.done $0x0  }
0x148: {  	[sflag:s20] =	ssyncadd.s32 $0xFFFFC000  }
0x149: {  	_ =	swait.ge [sflag:s20], $0x4000  }
0x14a: {  	[sflag:s20] =	ssyncset.done $0x0  }
0x14b: {  	[sflag:s20] =	ssyncadd.s32 $0xFFFFC000  }
0x14c: {  	_ =	swait.ge [sflag:s20], $0x4000  }
0x14d: {  	s29 =	simm.s32 $0x0;
	s30 =	simm.s32 $0x100;
	[sflag:s20] =	ssyncset.done $0x0  }
0x14e: {  	s31 =	simm.s32 $0x300;
	s0 =	simm.s32 $0x11100;
	[sflag:s20] =	ssyncadd.s32 $0xFFFFC000  }
.LBB2_6:
0x14f: {  	v16 =	vld [tilespmem:s30+$0x0];
	_ =	sdelay $0x1  }
0x150: {  	v17 =	vld [tilespmem:s31+$0x0];
	_ =	sdelay $0x2  }
0x151: {  	v16 =	vshll.u32 v16, $0x6  }
0x152: {  	s2 =	sshra.s32 s29, $0x2;
	v16 =	vand.u32 $0x40, v16  }
0x153: {  	v17 =	vshll.u32 v17, $0x6;
	v16 =	vadd.s32 s2, v16  }
0x154: {  	v17 =	vand.u32 $0x40, v17;
	(v2sf) =	vpush v16, $0x1  }
0x155: {  	v17 =	vadd.s32 s2, v17;
	(v2sf) =	vpush v16, $0x0  }
0x156: {  	(v2sf) =	vpush v17, $0x1  }
0x157: {  	(v2sf) =	vpush v17, $0x0;
	_ =	sdelay $0xb  }
0x158: {  	s2 =	spop (v2sf)  }
0x159: {  	s10 =	spop (v2sf)  }
0x15a: {  	s12 =	spop (v2sf);
	v18 =	vld [tilespmem:s10+$0x800]  }
0x15b: {  	v20 =	vld [tilespmem:s10+$0x810];
	s14 =	spop (v2sf)  }
0x15c: {  	v19 =	vld [tilespmem:s14+$0x8800]  }
0x15d: {  	v21 =	vld [tilespmem:s14+$0x8810]  }
0x15e: {  	v22 =	vld [tilespmem:s10+$0x820]  }
0x15f: {  	v23 =	vld [tilespmem:s14+$0x8820]  }
0x160: {  	v24 =	vld [tilespmem:s10+$0x830]  }
0x161: {  	v25 =	vld [tilespmem:s14+$0x8830]  }
0x162: {  	v18 =	vmul.f32 v19, v18;
	v60 =	vmul.f32 v21, v20;
	_ =	sdelay $0x1  }
0x163: {  	v61 =	vmul.f32 v23, v22;
	v18 =	vadd.f32 v60, v18;
	_ =	sdelay $0x1  }
0x164: {  	v62 =	vmul.f32 v25, v24;
	v18 =	vadd.f32 v61, v18;
	_ =	sdelay $0x1  }
0x165: {  	v18 =	vadd.f32 v62, v18;
	_ =	sdelay $0x1  }
0x166: {  	(v2sf) =	vpush v16, $0x3;
	[tilespmem:$0x10800] =	vst v18  }
0x167: {  	(v2sf) =	vpush v16, $0x2;
	v18 =	vld [tilespmem:s2+$0x880]  }
0x168: {  	(v2sf) =	vpush v17, $0x3;
	v63 =	vld [tilespmem:s12+$0x8880]  }
0x169: {  	(v2sf) =	vpush v17, $0x2;
	v28 =	vld [tilespmem:s2+$0x890]  }
0x16a: {  	v29 =	vld [tilespmem:s12+$0x8890]  }
0x16b: {  	v30 =	vld [tilespmem:s2+$0x8A0]  }
0x16c: {  	v31 =	vld [tilespmem:s12+$0x88A0]  }
0x16d: {  	v32 =	vld [tilespmem:s2+$0x8B0]  }
0x16e: {  	v33 =	vld [tilespmem:s12+$0x88B0]  }
0x16f: {  	v18 =	vmul.f32 v63, v18;
	v34 =	vmul.f32 v29, v28;
	_ =	sdelay $0x1  }
0x170: {  	v35 =	vmul.f32 v31, v30;
	v18 =	vadd.f32 v34, v18;
	_ =	sdelay $0x1  }
0x171: {  	v36 =	vmul.f32 v33, v32;
	v18 =	vadd.f32 v35, v18;
	_ =	sdelay $0x1  }
0x172: {  	s2 =	spop (v2sf);
	v18 =	vadd.f32 v36, v18  }
0x173: {  	s10 =	spop (v2sf)  }
0x174: {  	s12 =	spop (v2sf);
	[tilespmem:$0x10880] =	vst v18  }
0x175: {  	s14 =	spop (v2sf);
	v18 =	vld [tilespmem:s10+$0x900]  }
0x176: {  	v37 =	vld [tilespmem:s14+$0x8900]  }
0x177: {  	v38 =	vld [tilespmem:s10+$0x910]  }
0x178: {  	v39 =	vld [tilespmem:s14+$0x8910]  }
0x179: {  	v40 =	vld [tilespmem:s10+$0x920]  }
0x17a: {  	v41 =	vld [tilespmem:s14+$0x8920]  }
0x17b: {  	v42 =	vld [tilespmem:s10+$0x930]  }
0x17c: {  	v43 =	vld [tilespmem:s14+$0x8930]  }
0x17d: {  	v18 =	vmul.f32 v37, v18;
	v44 =	vmul.f32 v39, v38;
	_ =	sdelay $0x1  }
0x17e: {  	v45 =	vmul.f32 v41, v40;
	v18 =	vadd.f32 v44, v18;
	_ =	sdelay $0x1  }
0x17f: {  	v46 =	vmul.f32 v43, v42;
	v18 =	vadd.f32 v45, v18;
	_ =	sdelay $0x1  }
0x180: {  	v18 =	vadd.f32 v46, v18;
	_ =	sdelay $0x1  }
0x181: {  	(v2sf) =	vpush v16, $0x5;
	[tilespmem:$0x10900] =	vst v18  }
0x182: {  	(v2sf) =	vpush v16, $0x4;
	v18 =	vld [tilespmem:s2+$0x980]  }
0x183: {  	(v2sf) =	vpush v17, $0x5;
	v47 =	vld [tilespmem:s12+$0x8980]  }
0x184: {  	(v2sf) =	vpush v17, $0x4;
	v48 =	vld [tilespmem:s2+$0x990]  }
0x185: {  	v49 =	vld [tilespmem:s12+$0x8990]  }
0x186: {  	v50 =	vld [tilespmem:s2+$0x9A0]  }
0x187: {  	v51 =	vld [tilespmem:s12+$0x89A0]  }
0x188: {  	v52 =	vld [tilespmem:s2+$0x9B0]  }
0x189: {  	v53 =	vld [tilespmem:s12+$0x89B0]  }
0x18a: {  	v18 =	vmul.f32 v47, v18;
	v54 =	vmul.f32 v49, v48;
	_ =	sdelay $0x1  }
0x18b: {  	v55 =	vmul.f32 v51, v50;
	v18 =	vadd.f32 v54, v18;
	_ =	sdelay $0x1  }
0x18c: {  	v56 =	vmul.f32 v53, v52;
	v18 =	vadd.f32 v55, v18;
	_ =	sdelay $0x1  }
0x18d: {  	s2 =	spop (v2sf);
	v18 =	vadd.f32 v56, v18  }
0x18e: {  	s10 =	spop (v2sf)  }
0x18f: {  	s12 =	spop (v2sf);
	[tilespmem:$0x10980] =	vst v18  }
0x190: {  	s14 =	spop (v2sf);
	v18 =	vld [tilespmem:s10+$0xA00]  }
0x191: {  	v57 =	vld [tilespmem:s14+$0x8A00]  }
0x192: {  	v58 =	vld [tilespmem:s10+$0xA10]  }
0x193: {  	v59 =	vld [tilespmem:s14+$0x8A10]  }
0x194: {  	v60 =	vld [tilespmem:s10+$0xA20]  }
0x195: {  	v61 =	vld [tilespmem:s14+$0x8A20]  }
0x196: {  	v62 =	vld [tilespmem:s10+$0xA30]  }
0x197: {  	v63 =	vld [tilespmem:s14+$0x8A30]  }
0x198: {  	v18 =	vmul.f32 v57, v18;
	v26 =	vmul.f32 v59, v58;
	_ =	sdelay $0x1  }
0x199: {  	v27 =	vmul.f32 v61, v60;
	v18 =	vadd.f32 v26, v18;
	_ =	sdelay $0x1  }
0x19a: {  	v28 =	vmul.f32 v63, v62;
	v18 =	vadd.f32 v27, v18;
	_ =	sdelay $0x1  }
0x19b: {  	v18 =	vadd.f32 v28, v18;
	_ =	sdelay $0x1  }
0x19c: {  	(v2sf) =	vpush v16, $0x7;
	[tilespmem:$0x10A00] =	vst v18  }
0x19d: {  	(v2sf) =	vpush v16, $0x6;
	v18 =	vld [tilespmem:s2+$0xA80]  }
0x19e: {  	(v2sf) =	vpush v17, $0x7;
	v29 =	vld [tilespmem:s12+$0x8A80]  }
0x19f: {  	(v2sf) =	vpush v17, $0x6;
	v30 =	vld [tilespmem:s2+$0xA90]  }
0x1a0: {  	v31 =	vld [tilespmem:s12+$0x8A90]  }
0x1a1: {  	v32 =	vld [tilespmem:s2+$0xAA0]  }
0x1a2: {  	v33 =	vld [tilespmem:s12+$0x8AA0]  }
0x1a3: {  	v34 =	vld [tilespmem:s2+$0xAB0]  }
0x1a4: {  	v35 =	vld [tilespmem:s12+$0x8AB0]  }
0x1a5: {  	v18 =	vmul.f32 v29, v18;
	v36 =	vmul.f32 v31, v30;
	_ =	sdelay $0x1  }
0x1a6: {  	v37 =	vmul.f32 v33, v32;
	v18 =	vadd.f32 v36, v18;
	_ =	sdelay $0x1  }
0x1a7: {  	v38 =	vmul.f32 v35, v34;
	v18 =	vadd.f32 v37, v18;
	_ =	sdelay $0x1  }
0x1a8: {  	s2 =	spop (v2sf);
	v18 =	vadd.f32 v38, v18  }
0x1a9: {  	s10 =	spop (v2sf)  }
0x1aa: {  	s12 =	spop (v2sf);
	[tilespmem:$0x10A80] =	vst v18  }
0x1ab: {  	s14 =	spop (v2sf);
	v18 =	vld [tilespmem:s10+$0xB00]  }
0x1ac: {  	v39 =	vld [tilespmem:s14+$0x8B00]  }
0x1ad: {  	v40 =	vld [tilespmem:s10+$0xB10]  }
0x1ae: {  	v41 =	vld [tilespmem:s14+$0x8B10]  }
0x1af: {  	v42 =	vld [tilespmem:s10+$0xB20]  }
0x1b0: {  	v43 =	vld [tilespmem:s14+$0x8B20]  }
0x1b1: {  	v44 =	vld [tilespmem:s10+$0xB30]  }
0x1b2: {  	v45 =	vld [tilespmem:s14+$0x8B30]  }
0x1b3: {  	v18 =	vmul.f32 v39, v18;
	v46 =	vmul.f32 v41, v40;
	_ =	sdelay $0x1  }
0x1b4: {  	v47 =	vmul.f32 v43, v42;
	v18 =	vadd.f32 v46, v18;
	_ =	sdelay $0x1  }
0x1b5: {  	v48 =	vmul.f32 v45, v44;
	v18 =	vadd.f32 v47, v18;
	_ =	sdelay $0x1  }
0x1b6: {  	v18 =	vadd.f32 v48, v18;
	_ =	sdelay $0x1  }
0x1b7: {  	(v2sf) =	vpush v16, $0x9;
	[tilespmem:$0x10B00] =	vst v18  }
0x1b8: {  	(v2sf) =	vpush v16, $0x8;
	v18 =	vld [tilespmem:s2+$0xB80]  }
0x1b9: {  	(v2sf) =	vpush v17, $0x9;
	v49 =	vld [tilespmem:s12+$0x8B80]  }
0x1ba: {  	(v2sf) =	vpush v17, $0x8;
	v50 =	vld [tilespmem:s2+$0xB90]  }
0x1bb: {  	v51 =	vld [tilespmem:s12+$0x8B90]  }
0x1bc: {  	v52 =	vld [tilespmem:s2+$0xBA0]  }
0x1bd: {  	v53 =	vld [tilespmem:s12+$0x8BA0]  }
0x1be: {  	v54 =	vld [tilespmem:s2+$0xBB0]  }
0x1bf: {  	v55 =	vld [tilespmem:s12+$0x8BB0]  }
0x1c0: {  	v18 =	vmul.f32 v49, v18;
	v56 =	vmul.f32 v51, v50;
	_ =	sdelay $0x1  }
0x1c1: {  	v57 =	vmul.f32 v53, v52;
	v18 =	vadd.f32 v56, v18;
	_ =	sdelay $0x1  }
0x1c2: {  	v58 =	vmul.f32 v55, v54;
	v18 =	vadd.f32 v57, v18;
	_ =	sdelay $0x1  }
0x1c3: {  	s2 =	spop (v2sf);
	v18 =	vadd.f32 v58, v18  }
0x1c4: {  	s10 =	spop (v2sf)  }
0x1c5: {  	s12 =	spop (v2sf);
	[tilespmem:$0x10B80] =	vst v18  }
0x1c6: {  	s14 =	spop (v2sf);
	v18 =	vld [tilespmem:s10+$0xC00]  }
0x1c7: {  	v59 =	vld [tilespmem:s14+$0x8C00]  }
0x1c8: {  	v60 =	vld [tilespmem:s10+$0xC10]  }
0x1c9: {  	v61 =	vld [tilespmem:s14+$0x8C10]  }
0x1ca: {  	v62 =	vld [tilespmem:s10+$0xC20]  }
0x1cb: {  	v63 =	vld [tilespmem:s14+$0x8C20]  }
0x1cc: {  	v28 =	vld [tilespmem:s10+$0xC30]  }
0x1cd: {  	v29 =	vld [tilespmem:s14+$0x8C30]  }
0x1ce: {  	v18 =	vmul.f32 v59, v18;
	v30 =	vmul.f32 v61, v60;
	_ =	sdelay $0x1  }
0x1cf: {  	v31 =	vmul.f32 v63, v62;
	v18 =	vadd.f32 v30, v18;
	_ =	sdelay $0x1  }
0x1d0: {  	v32 =	vmul.f32 v29, v28;
	v18 =	vadd.f32 v31, v18;
	_ =	sdelay $0x1  }
0x1d1: {  	v18 =	vadd.f32 v32, v18;
	_ =	sdelay $0x1  }
0x1d2: {  	(v2sf) =	vpush v16, $0xB;
	[tilespmem:$0x10C00] =	vst v18  }
0x1d3: {  	(v2sf) =	vpush v16, $0xA;
	v18 =	vld [tilespmem:s2+$0xC80]  }
0x1d4: {  	(v2sf) =	vpush v17, $0xB;
	v33 =	vld [tilespmem:s12+$0x8C80]  }
0x1d5: {  	(v2sf) =	vpush v17, $0xA;
	v34 =	vld [tilespmem:s2+$0xC90]  }
0x1d6: {  	v35 =	vld [tilespmem:s12+$0x8C90]  }
0x1d7: {  	v36 =	vld [tilespmem:s2+$0xCA0]  }
0x1d8: {  	v37 =	vld [tilespmem:s12+$0x8CA0]  }
0x1d9: {  	v38 =	vld [tilespmem:s2+$0xCB0]  }
0x1da: {  	v39 =	vld [tilespmem:s12+$0x8CB0]  }
0x1db: {  	v18 =	vmul.f32 v33, v18;
	v40 =	vmul.f32 v35, v34;
	_ =	sdelay $0x1  }
0x1dc: {  	v41 =	vmul.f32 v37, v36;
	v18 =	vadd.f32 v40, v18;
	_ =	sdelay $0x1  }
0x1dd: {  	v42 =	vmul.f32 v39, v38;
	v18 =	vadd.f32 v41, v18;
	_ =	sdelay $0x1  }
0x1de: {  	s2 =	spop (v2sf);
	v18 =	vadd.f32 v42, v18  }
0x1df: {  	s10 =	spop (v2sf)  }
0x1e0: {  	s12 =	spop (v2sf);
	[tilespmem:$0x10C80] =	vst v18  }
0x1e1: {  	s14 =	spop (v2sf);
	v18 =	vld [tilespmem:s10+$0xD00]  }
0x1e2: {  	v43 =	vld [tilespmem:s14+$0x8D00]  }
0x1e3: {  	v44 =	vld [tilespmem:s10+$0xD10]  }
0x1e4: {  	v45 =	vld [tilespmem:s14+$0x8D10]  }
0x1e5: {  	v46 =	vld [tilespmem:s10+$0xD20]  }
0x1e6: {  	v47 =	vld [tilespmem:s14+$0x8D20]  }
0x1e7: {  	v48 =	vld [tilespmem:s10+$0xD30]  }
0x1e8: {  	v49 =	vld [tilespmem:s14+$0x8D30]  }
0x1e9: {  	v18 =	vmul.f32 v43, v18;
	v50 =	vmul.f32 v45, v44;
	_ =	sdelay $0x1  }
0x1ea: {  	v51 =	vmul.f32 v47, v46;
	v18 =	vadd.f32 v50, v18;
	_ =	sdelay $0x1  }
0x1eb: {  	v52 =	vmul.f32 v49, v48;
	v18 =	vadd.f32 v51, v18;
	_ =	sdelay $0x1  }
0x1ec: {  	v18 =	vadd.f32 v52, v18;
	_ =	sdelay $0x1  }
0x1ed: {  	(v2sf) =	vpush v16, $0xD;
	[tilespmem:$0x10D00] =	vst v18  }
0x1ee: {  	(v2sf) =	vpush v16, $0xC;
	v18 =	vld [tilespmem:s2+$0xD80]  }
0x1ef: {  	(v2sf) =	vpush v17, $0xD;
	v53 =	vld [tilespmem:s12+$0x8D80]  }
0x1f0: {  	(v2sf) =	vpush v17, $0xC;
	v54 =	vld [tilespmem:s2+$0xD90]  }
0x1f1: {  	v55 =	vld [tilespmem:s12+$0x8D90]  }
0x1f2: {  	v56 =	vld [tilespmem:s2+$0xDA0]  }
0x1f3: {  	v57 =	vld [tilespmem:s12+$0x8DA0]  }
0x1f4: {  	v58 =	vld [tilespmem:s2+$0xDB0]  }
0x1f5: {  	v59 =	vld [tilespmem:s12+$0x8DB0]  }
0x1f6: {  	v18 =	vmul.f32 v53, v18;
	v60 =	vmul.f32 v55, v54;
	_ =	sdelay $0x1  }
0x1f7: {  	v61 =	vmul.f32 v57, v56;
	v18 =	vadd.f32 v60, v18;
	_ =	sdelay $0x1  }
0x1f8: {  	v62 =	vmul.f32 v59, v58;
	v18 =	vadd.f32 v61, v18;
	_ =	sdelay $0x1  }
0x1f9: {  	s2 =	spop (v2sf);
	v18 =	vadd.f32 v62, v18  }
0x1fa: {  	s10 =	spop (v2sf)  }
0x1fb: {  	s12 =	spop (v2sf);
	[tilespmem:$0x10D80] =	vst v18  }
0x1fc: {  	s14 =	spop (v2sf);
	v18 =	vld [tilespmem:s10+$0xE00]  }
0x1fd: {  	v63 =	vld [tilespmem:s14+$0x8E00]  }
0x1fe: {  	v28 =	vld [tilespmem:s10+$0xE10]  }
0x1ff: {  	v29 =	vld [tilespmem:s14+$0x8E10]  }
0x200: {  	v30 =	vld [tilespmem:s10+$0xE20]  }
0x201: {  	v31 =	vld [tilespmem:s14+$0x8E20]  }
0x202: {  	v32 =	vld [tilespmem:s10+$0xE30]  }
0x203: {  	v33 =	vld [tilespmem:s14+$0x8E30]  }
0x204: {  	v18 =	vmul.f32 v63, v18;
	v34 =	vmul.f32 v29, v28;
	_ =	sdelay $0x1  }
0x205: {  	v35 =	vmul.f32 v31, v30;
	v18 =	vadd.f32 v34, v18;
	_ =	sdelay $0x1  }
0x206: {  	v36 =	vmul.f32 v33, v32;
	v18 =	vadd.f32 v35, v18;
	_ =	sdelay $0x1  }
0x207: {  	v18 =	vadd.f32 v36, v18;
	_ =	sdelay $0x1  }
0x208: {  	(v2sf) =	vpush v16, $0xF;
	[tilespmem:$0x10E00] =	vst v18  }
0x209: {  	(v2sf) =	vpush v16, $0xE;
	v18 =	vld [tilespmem:s2+$0xE80]  }
0x20a: {  	(v2sf) =	vpush v17, $0xF;
	v16 =	vld [tilespmem:s12+$0x8E80]  }
0x20b: {  	(v2sf) =	vpush v17, $0xE;
	v37 =	vld [tilespmem:s2+$0xE90]  }
0x20c: {  	v17 =	vld [tilespmem:s12+$0x8E90]  }
0x20d: {  	v38 =	vld [tilespmem:s2+$0xEA0]  }
0x20e: {  	v39 =	vld [tilespmem:s12+$0x8EA0]  }
0x20f: {  	v40 =	vld [tilespmem:s2+$0xEB0]  }
0x210: {  	v41 =	vld [tilespmem:s12+$0x8EB0]  }
0x211: {  	v16 =	vmul.f32 v16, v18;
	v17 =	vmul.f32 v17, v37;
	_ =	sdelay $0x1  }
0x212: {  	v16 =	vadd.f32 v17, v16;
	v17 =	vmul.f32 v39, v38;
	_ =	sdelay $0x1  }
0x213: {  	v16 =	vadd.f32 v17, v16;
	v17 =	vmul.f32 v41, v40;
	_ =	sdelay $0x1  }
0x214: {  	s2 =	spop (v2sf);
	v16 =	vadd.f32 v17, v16  }
0x215: {  	s10 =	spop (v2sf)  }
0x216: {  	s12 =	spop (v2sf);
	[tilespmem:$0x10E80] =	vst v16  }
0x217: {  	s14 =	spop (v2sf);
	v16 =	vld [tilespmem:s10+$0xF00]  }
0x218: {  	v17 =	vld [tilespmem:s14+$0x8F00]  }
0x219: {  	v42 =	vld [tilespmem:s10+$0xF10]  }
0x21a: {  	v43 =	vld [tilespmem:s14+$0x8F10]  }
0x21b: {  	v44 =	vld [tilespmem:s10+$0xF20]  }
0x21c: {  	v45 =	vld [tilespmem:s14+$0x8F20]  }
0x21d: {  	v46 =	vld [tilespmem:s10+$0xF30]  }
0x21e: {  	v47 =	vld [tilespmem:s14+$0x8F30]  }
0x21f: {  	v16 =	vmul.f32 v17, v16;
	v17 =	vmul.f32 v43, v42;
	_ =	sdelay $0x1  }
0x220: {  	v16 =	vadd.f32 v17, v16;
	v17 =	vmul.f32 v45, v44;
	_ =	sdelay $0x1  }
0x221: {  	v16 =	vadd.f32 v17, v16;
	v17 =	vmul.f32 v47, v46;
	_ =	sdelay $0x1  }
0x222: {  	v16 =	vadd.f32 v17, v16;
	_ =	sdelay $0x1  }
0x223: {  	[tilespmem:$0x10F00] =	vst v16  }
0x224: {  	v16 =	vld [tilespmem:s2+$0xF80]  }
0x225: {  	v17 =	vld [tilespmem:s12+$0x8F80]  }
0x226: {  	v48 =	vld [tilespmem:s2+$0xF90]  }
0x227: {  	v49 =	vld [tilespmem:s12+$0x8F90]  }
0x228: {  	v50 =	vld [tilespmem:s2+$0xFA0]  }
0x229: {  	v51 =	vld [tilespmem:s12+$0x8FA0]  }
0x22a: {  	v52 =	vld [tilespmem:s2+$0xFB0]  }
0x22b: {  	v53 =	vld [tilespmem:s12+$0x8FB0]  }
0x22c: {  	v16 =	vmul.f32 v17, v16;
	v17 =	vmul.f32 v49, v48;
	_ =	sdelay $0x1  }
0x22d: {  	v16 =	vadd.f32 v17, v16;
	v17 =	vmul.f32 v51, v50;
	_ =	sdelay $0x1  }
0x22e: {  	v16 =	vadd.f32 v17, v16;
	v17 =	vmul.f32 v53, v52;
	_ =	sdelay $0x1  }
0x22f: {  	v16 =	vadd.f32 v17, v16;
	_ =	sdelay $0x1  }
0x230: {  	[tilespmem:$0x10F80] =	vst v16  }
0x231: {  	v16 =	vld.idx.msk [tilespmem:v0+s21+$0x0], $0xffff  }
0x232: {  	v17 =	vld.idx.msk [tilespmem:v1+s21+$0x0], $0xffff;
	_ =	sdelay $0x1  }
0x233: {  	v54 =	vld.idx.msk [tilespmem:v2+s21+$0x0], $0xffff;
	_ =	sdelay $0x1  }
0x234: {  	v55 =	vld.idx.msk [tilespmem:v3+s21+$0x0], $0xffff  }
0x235: {  	v16 =	vadd.f32 v17, v16  }
0x236: {  	v17 =	vld.idx.msk [tilespmem:v4+s21+$0x0], $0xffff  }
0x237: {  	v16 =	vadd.f32 v54, v16  }
0x238: {  	v56 =	vld.idx.msk [tilespmem:v5+s21+$0x0], $0xffff  }
0x239: {  	v16 =	vadd.f32 v55, v16  }
0x23a: {  	v57 =	vld.idx.msk [tilespmem:v6+s21+$0x0], $0xffff  }
0x23b: {  	v16 =	vadd.f32 v17, v16  }
0x23c: {  	v17 =	vld.idx.msk [tilespmem:v7+s21+$0x0], $0xffff  }
0x23d: {  	v16 =	vadd.f32 v56, v16  }
0x23e: {  	v58 =	vld.idx.msk [tilespmem:v8+s21+$0x0], $0xffff  }
0x23f: {  	v16 =	vadd.f32 v57, v16  }
0x240: {  	v59 =	vld.idx.msk [tilespmem:v9+s21+$0x0], $0xffff  }
0x241: {  	v16 =	vadd.f32 v17, v16  }
0x242: {  	v17 =	vld.idx.msk [tilespmem:v10+s21+$0x0], $0xffff  }
0x243: {  	v16 =	vadd.f32 v58, v16  }
0x244: {  	v60 =	vld.idx.msk [tilespmem:v11+s21+$0x0], $0xffff  }
0x245: {  	v16 =	vadd.f32 v59, v16  }
0x246: {  	v61 =	vld.idx.msk [tilespmem:v12+s21+$0x0], $0xffff  }
0x247: {  	v16 =	vadd.f32 v17, v16  }
0x248: {  	v17 =	vld.idx.msk [tilespmem:v13+s21+$0x0], $0xffff  }
0x249: {  	v16 =	vadd.f32 v60, v16  }
0x24a: {  	v62 =	vld.idx.msk [tilespmem:v14+s21+$0x0], $0xffff  }
0x24b: {  	v16 =	vadd.f32 v61, v16  }
0x24c: {  	v63 =	vld.idx.msk [tilespmem:v15+s21+$0x0], $0xffff  }
0x24d: {  	v16 =	vadd.f32 v17, v16  }
0x24e: {  	p0 =	sne.s32 s29, $0x1E000  }
.Ltmp2:
0x24f: {  	v16 =	vadd.f32 v62, v16;
	(pc) =	sbr.rel @p0 .LBB2_6-.Ltmp2, $4  }
0x250: {  	_ = 	snop  }
0x251: {  	v16 =	vadd.f32 v63, v16  }
0x252: {  	s30 =	sadd.s32 $0x10, s30  }
0x253: {  	s31 =	sadd.s32 $0x10, s31;
	s29 =	sadd.s32 $0x2000, s29;
	[tilespmem:s0+$0x0] =	vst v16;
	s0 =	sadd.s32 $0x10, s0  }
0x254: {  	s28 =	sadd.s32 $0x1, s28  }
0x255: {  	p0 =	sne.s32 s28, s8  }
.Ltmp3:
0x256: {  	_ = 	snop;
	(pc) =	sbr.rel @p0 .LBB2_1-.Ltmp3, $4  }
0x257: {  	[hbm4b:s7+s1] =	stream.linear.scatter [tilespmem:s26], [sflag:$0x2], $0x200, $0x38;
	[tilespmem:$0x11200] =	vst v63  }
0x258: {  	_ =	swait.ge [sflag:s9], $0x200  }
0x259: {  	[sflag:s9] =	ssyncset.done $0x0  }
0x25a: {  	[sflag:s9] =	ssyncadd.s32 $0xFFFFFE00  }
0x25b: {  	_ =	sfence.sel $0x180000  }
0x25c: {  	[bflag:$0x0] =	sbarrier.arrive $0xFFFF  }
0x25d: {  	_ =	strace $0x90000047  }
0x25e: {  	s0 =	stileid.u32;
	[bflag:$0x2] =	sbarrier.arrive $0xFFFF  }
0x25f: {  	p0 =	sne.s32 s0, $0x0;
	s0 =	rddreg [dreg:$0x4]  }
0x260: {  	s0 =	sadd.s32 @!p0 $0x100000, s0  }
0x261: {  	[sflag:s0] =	ssyncadd.tile.s32 @!p0 $0x1;
	_ =	shalt  }
.Lfunc_end2:
_tile_overlayer_lowered:
.L_overlay_start_2:
0x262: {  	(tag) =	ssettag $0x2  }
0x263: {  	s0 =	rddreg [dreg:$0x0];
	s2 =	stileid.u32  }
0x264: {  	s1 =	rddreg [dreg:$0x1];
	p0 =	sne.s32 s2, $0x0  }
0x265: {  	s3 =	rddreg [dreg:$0x2];
	[bflag:$0x3] =	sbarrier.arrive $0xFFFF;
	s2 =	simm.s32 @!p0 $0x1C02  }
0x266: {  	[timem:s3], [sflag:s2] =	dma.local @!p0 [hbm:s0], s1  }
0x267: {  	s0 =	simm.s32 @!p0 $0x2  }
0x268: {  	_ =	swait.ge @!p0 [sflag:s0], s1  }
0x269: {  	s1 =	ssub.s32 @!p0 $0x0, s1;
	[sflag:s0] =	ssyncset.done @!p0 $0x0  }
0x26a: {  	[sflag:s0] =	ssyncadd.s32 @!p0 s1  }
0x26b: {  	[bflag:$0x3] =	sbarrier.arrive $0xFFFF  }
0x26c: {  	_ =	shalt  }

</sc_bundles>
